<compile_context>
chip_gen: v7x
topology: tpu7x:2x2x1
jax: 0.10.2.dev20260603
libtpu: 0.0.44.dev20260713+nightly
codegen_flags: <defaults>
</compile_context>

<pallas_src>
import functools

import jax
import jax.numpy as jnp
from jax import lax
from jax.experimental import pallas as pl
from jax.experimental.pallas import tpu as pltpu
from jax.experimental.pallas import tpu_sc as plsc

_NC = 2
_NS = 16
_NW = _NC * _NS
_CHUNK = 120
_NBUF = 3
_NSLICE = 4

_D_VAR = 128
_OUT = 256


def _sc_gather(table, idx_full, n_rows, slice_base):
    per_w = n_rows // _NW
    k_chunks = per_w // _CHUNK
    assert per_w % _CHUNK == 0 and k_chunks % _NBUF == 0
    mesh = plsc.VectorSubcoreMesh(core_axis_name="c", subcore_axis_name="s")

    dt = table.dtype

    @functools.partial(
        pl.kernel,
        mesh=mesh,
        out_type=jax.ShapeDtypeStruct((n_rows, _D_VAR), dt),
        scratch_types=[
            pltpu.VMEM((per_w,), jnp.int32),
        ] + [pltpu.VMEM((_CHUNK, _D_VAR), dt)] * _NBUF
          + [pltpu.SemaphoreType.DMA] * (2 * _NBUF),
    )
    def gather_kernel(table_hbm, idx_hbm, out_hbm, idxall, r0, r1, r2,
                      g0, g1, g2, w0, w1, w2):
        rows = [r0, r1, r2]
        gsem = [g0, g1, g2]
        wsem = [w0, w1, w2]
        wid = lax.axis_index("s") * _NC + lax.axis_index("c")
        base = wid * per_w

        pltpu.sync_copy(idx_hbm.at[pl.ds(slice_base + base, per_w)], idxall)

        def fire_gather(j, b):
            pltpu.async_copy(
                table_hbm.at[idxall.at[pl.ds(j * _CHUNK, _CHUNK)]],
                rows[b], gsem[b])

        def fire_wb(j, b):
            pltpu.async_copy(
                rows[b], out_hbm.at[pl.ds(base + j * _CHUNK, _CHUNK)],
                wsem[b])

        def wait_g(b):
            pltpu.make_async_copy(
                table_hbm.at[idxall.at[pl.ds(0, _CHUNK)]], rows[b],
                gsem[b]).wait()

        def wait_w(b):
            pltpu.make_async_copy(
                rows[b], out_hbm.at[pl.ds(base, _CHUNK)], wsem[b]).wait()

        def body(g, carry):
            for b in range(_NBUF):
                jb = _NBUF * g + b
                pb = (b + _NBUF - 1) % _NBUF

                @pl.when(g > 0)
                def _():
                    wait_w(b)

                fire_gather(jb, b)

                if b == 0:
                    @pl.when(g > 0)
                    def _():
                        wait_g(pb)
                        fire_wb(_NBUF * g - 1, pb)
                else:
                    wait_g(pb)
                    fire_wb(jb - 1, pb)
            return carry

        lax.fori_loop(0, k_chunks // _NBUF, body, 0)
        wait_g(_NBUF - 1)
        fire_wb(k_chunks - 1, _NBUF - 1)
        for b in range(_NBUF):
            wait_w(b)

    return gather_kernel(table, idx_full)


def _dot_t(lhs, rhs):
    return lax.dot_general(lhs, rhs, (((0,), (0,)), ((), ())),
                           preferred_element_type=jnp.float32)


def _tc_compute(g_ref, c1_ref, c2_ref, vaf_ref, vc_ref, f_ref, w_ref, b_ref,
                o_ref):
    L = o_ref.shape[1]
    g = g_ref[0, 0:L, :].astype(jnp.bfloat16)
    acc = jnp.dot(g, w_ref[0:128, :].astype(jnp.bfloat16),
                  preferred_element_type=jnp.float32)

    c1 = c1_ref[0]
    c2 = c2_ref[0]

    vc_iota = lax.broadcasted_iota(jnp.int32, (40, L), 0)
    oh_vc = ((c1 & 63) == vc_iota).astype(jnp.bfloat16)
    f_iota = lax.broadcasted_iota(jnp.int32, (72, L), 0)
    counts = (((c1 >> 6) & 127) == f_iota).astype(jnp.bfloat16)
    counts += (((c1 >> 13) & 127) == f_iota).astype(jnp.bfloat16)
    counts += (((c1 >> 20) & 127) == f_iota).astype(jnp.bfloat16)
    counts += ((c2 & 127) == f_iota).astype(jnp.bfloat16)
    counts += (((c2 >> 7) & 127) == f_iota).astype(jnp.bfloat16)
    counts += (((c2 >> 14) & 127) == f_iota).astype(jnp.bfloat16)
    lhs = jnp.concatenate([oh_vc, counts], axis=0)

    wvc = jnp.dot(vc_ref[...], w_ref[128:160, :],
                  preferred_element_type=jnp.float32)
    wf = jnp.dot(f_ref[...], w_ref[160:192, :],
                 preferred_element_type=jnp.float32) * (1.0 / 6.0)
    zpad = jnp.zeros((7, _OUT), jnp.float32)
    rhs = jnp.concatenate([wvc, zpad, wf, zpad], axis=0)
    acc += _dot_t(lhs, rhs.astype(jnp.bfloat16))

    acc += _dot_t(vaf_ref[0], w_ref[192:193, :])
    acc += b_ref[...]

    o_ref[0] = jnp.where(acc > 0.0, acc, jnp.exp(acc) - 1.0)


def _tc_body_first(g_ref, c1_ref, c2_ref, vaf_ref, vc_ref, f_ref, w_ref,
                   b_ref, o_ref):
    _tc_compute(g_ref, c1_ref, c2_ref, vaf_ref, vc_ref, f_ref, w_ref, b_ref,
                o_ref)


def _tc_body_acc(o_prev_ref, g_ref, c1_ref, c2_ref, vaf_ref, vc_ref, f_ref,
                 w_ref, b_ref, o_ref):
    del o_prev_ref
    _tc_compute(g_ref, c1_ref, c2_ref, vaf_ref, vc_ref, f_ref, w_ref, b_ref,
                o_ref)


def kernel(x_omic, emb_var, emb_vc, emb_func, W, b):
    B, L, _ = x_omic.shape
    step = 1440 if L <= 1440 else -(-L // 1440) * 1440
    l_pad = step
    n_pad = B * l_pad
    bs = B // _NSLICE
    n_sl = bs * l_pad

    var_ids = x_omic[..., 0].astype(jnp.int32)
    var_ids = jnp.pad(var_ids, ((0, 0), (0, l_pad - L)))
    idx_flat = var_ids.reshape(n_pad)

    ids = x_omic[..., 1:8].astype(jnp.int32)
    c1 = (ids[..., 0] | (ids[..., 1] << 6) | (ids[..., 2] << 13)
          | (ids[..., 3] << 20)).reshape(B, 1, L)
    c2 = (ids[..., 4] | (ids[..., 5] << 7)
          | (ids[..., 6] << 14)).reshape(B, 1, L)
    vaf3 = x_omic[..., 8].reshape(B, 1, L)

    b2 = b.reshape(1, _OUT)
    out_shape = jax.ShapeDtypeStruct((B, L, _OUT), jnp.float32)

    def specs(off):
        return [
            pl.BlockSpec((1, l_pad, _D_VAR), lambda i: (i, 0, 0)),
            pl.BlockSpec((1, 1, L), lambda i, o=off: (i + o, 0, 0)),
            pl.BlockSpec((1, 1, L), lambda i, o=off: (i + o, 0, 0)),
            pl.BlockSpec((1, 1, L), lambda i, o=off: (i + o, 0, 0)),
            pl.BlockSpec((33, 32), lambda i: (0, 0)),
            pl.BlockSpec((65, 32), lambda i: (0, 0)),
            pl.BlockSpec((193, _OUT), lambda i: (0, 0)),
            pl.BlockSpec((1, _OUT), lambda i: (0, 0)),
        ]

    out = None
    for s in range(_NSLICE):
        gath = _sc_gather(emb_var, idx_flat, n_sl, s * n_sl)
        g3 = gath.reshape(bs, l_pad, _D_VAR)
        off = s * bs
        out_spec = pl.BlockSpec((1, L, _OUT), lambda i, o=off: (i + o, 0, 0))
        if s == 0:
            out = pl.pallas_call(
                _tc_body_first,
                grid=(bs,),
                in_specs=specs(off),
                out_specs=out_spec,
                out_shape=out_shape,
            )(g3, c1, c2, vaf3, emb_vc, emb_func, W, b2)
        else:
            out = pl.pallas_call(
                _tc_body_acc,
                grid=(bs,),
                in_specs=[pl.BlockSpec(memory_space=pl.ANY)] + specs(off),
                out_specs=out_spec,
                out_shape=out_shape,
                input_output_aliases={0: 0},
            )(out, g3, c1, c2, vaf3, emb_vc, emb_func, W, b2)

    return out

# --- scband reference (transcript-rebuilt; emitter-appended) ---
"""Pipeline reference for scband-genomic-encoder-16501264351260 (READ-ONLY COPY).

The authoritative reference and input builder live on the scoring server;
editing this copy changes nothing except your own understanding.
"""

import jax, jax.numpy as jnp
import numpy as np

VOCAB_VAR = 100000
VOCAB_VC = 32
VOCAB_FUNC = 64
B, L, OUT = 128, 1425, 256

def setup_inputs(seed: int = 0) -> dict:
    key = jax.random.key(seed)
    ks = jax.random.split(key, 8)
    var_id = jax.random.randint(ks[0], (B, L, 1), 0, VOCAB_VAR + 1)
    vc_id = jax.random.randint(ks[1], (B, L, 1), 0, VOCAB_VC + 1)
    f_ids = jax.random.randint(ks[2], (B, L, 6), 0, VOCAB_FUNC + 1)
    vaf = jax.random.uniform(ks[3], (B, L, 1), dtype=jnp.float32)
    x_omic = jnp.concatenate([var_id.astype(jnp.float32), vc_id.astype(jnp.float32), f_ids.astype(jnp.float32), vaf], axis=-1)
    emb_var = (jax.random.normal(ks[4], (VOCAB_VAR + 1, 128), dtype=jnp.float32) * 0.05).at[0].set(0.0)
    emb_vc = (jax.random.normal(ks[5], (VOCAB_VC + 1, 32), dtype=jnp.float32) * 0.05).at[0].set(0.0)
    emb_func = (jax.random.normal(ks[6], (VOCAB_FUNC + 1, 32), dtype=jnp.float32) * 0.05).at[0].set(0.0)
    kW, kb = jax.random.split(ks[7])
    W = jax.random.normal(kW, (193, OUT), dtype=jnp.float32) * 0.05
    b = jnp.zeros((OUT,), dtype=jnp.float32)
    return {"x_omic": x_omic, "emb_var": emb_var, "emb_vc": emb_vc, "emb_func": emb_func, "W": W, "b": b}

def reference(x_omic, emb_var, emb_vc, emb_func, W, b):
    var_id = x_omic[..., 0].astype(jnp.int32)
    vc_id = x_omic[..., 1].astype(jnp.int32)
    f_ids = x_omic[..., 2:8].astype(jnp.int32)
    vaf = x_omic[..., 8:9]
    h_var = jnp.take(emb_var, var_id, axis=0)
    h_vc = jnp.take(emb_vc, vc_id, axis=0)
    h_func = jnp.mean(jnp.take(emb_func, f_ids, axis=0), axis=-2)
    h = jnp.concatenate([h_var, h_vc, h_func, vaf], axis=-1)
    # SNN_Block eval: Linear -> ELU -> AlphaDropout(identity at eval)
    return jax.nn.elu(h @ W + b)

if __name__ == "__main__":
    import jax
    _d = setup_inputs()
    print(jax.jit(kernel)(*tuple(_d.values())))

</pallas_src>

<mosaic_0001>
#map = affine_map<(d0, d1) -> (0, 0)>
#map1 = affine_map<(d0, d1) -> (0)>
module attributes {stable_mosaic.version = 14 : i64} {
  func.func @gather_kernel(%arg0: i32, %arg1: i32, %arg2: memref<100001x128xf32, #tpu.memory_space<hbm>>, %arg3: memref<184320xi32, #tpu.memory_space<hbm>>, %arg4: memref<46080x128xf32, #tpu.memory_space<hbm>>, %arg5: memref<1440xi32, #tpu.memory_space<vmem>>, %arg6: memref<120x128xf32, #tpu.memory_space<vmem>>, %arg7: memref<120x128xf32, #tpu.memory_space<vmem>>, %arg8: memref<120x128xf32, #tpu.memory_space<vmem>>, %arg9: memref<!tpu.dma_semaphore, #tpu.memory_space<semaphore_mem>>, %arg10: memref<!tpu.dma_semaphore, #tpu.memory_space<semaphore_mem>>, %arg11: memref<!tpu.dma_semaphore, #tpu.memory_space<semaphore_mem>>, %arg12: memref<!tpu.dma_semaphore, #tpu.memory_space<semaphore_mem>>, %arg13: memref<!tpu.dma_semaphore, #tpu.memory_space<semaphore_mem>>, %arg14: memref<!tpu.dma_semaphore, #tpu.memory_space<semaphore_mem>>) attributes {dimension_semantics = [#tpu.dimension_semantics<core_parallel>, #tpu.dimension_semantics<subcore_parallel>], iteration_bounds = array<i64: 2, 16>, scalar_prefetch = 0 : i64, scratch_operands = 10 : i64, tpu.core_type = #tpu.core_type<sc_vector_subcore>, window_params = [{transform_indices = #map}, {transform_indices = #map1}, {transform_indices = #map}]} {
    %mul3A = arith.constant 2 : i32
    %mul3A_0 = arith.muli %arg1, %mul3A : i32
    %add3A = arith.addi %mul3A_0, %arg0 : i32
    %mul3A_1 = arith.constant 1440 : i32
    %mul3A_2 = arith.muli %add3A, %mul3A_1 : i32
    %add3A_3 = arith.constant 92160 : i32
    %add3A_4 = arith.addi %add3A_3, %mul3A_2 : i32
    "tpu.region"() ({
      %run_scoped3A = tpu.sem_alloc : memref<!tpu.dma_semaphore, #tpu.memory_space<semaphore_mem>>
      %dma_start3A_31 = tpu.memref_slice %arg3[%add3A_4] : memref<184320xi32, #tpu.memory_space<hbm>> -> memref<1440xi32, #tpu.memory_space<hbm>>
      %dma_start3A_32 = tpu.memref_slice %arg3[%add3A_4] : memref<184320xi32, #tpu.memory_space<hbm>> -> memref<1440xi32, #tpu.memory_space<hbm>>
      tpu.enqueue_dma source(%dma_start3A_32 : memref<1440xi32, #tpu.memory_space<hbm>>) target(%arg5 : memref<1440xi32, #tpu.memory_space<vmem>>) target_semaphore(%run_scoped3A : memref<!tpu.dma_semaphore, #tpu.memory_space<semaphore_mem>>)
      %dma_wait3A_33 = tpu.memref_slice %arg3[%add3A_4] : memref<184320xi32, #tpu.memory_space<hbm>> -> memref<1440xi32, #tpu.memory_space<hbm>>
      %dma_wait3A_34 = tpu.memref_slice %arg3[%add3A_4] : memref<184320xi32, #tpu.memory_space<hbm>> -> memref<1440xi32, #tpu.memory_space<hbm>>
      tpu.wait_dma2 semaphore(%run_scoped3A : memref<!tpu.dma_semaphore, #tpu.memory_space<semaphore_mem>>) src(%dma_wait3A_34 : memref<1440xi32, #tpu.memory_space<hbm>>) dst(%arg5 : memref<1440xi32, #tpu.memory_space<vmem>>)
      tpu.yield
    }) : () -> ()
    %scan3A = arith.constant 0 : i32
    %scan3A_5 = arith.constant 0 : i32
    %scan3A_6 = arith.constant 4 : i32
    %scan3A_7 = arith.addi %scan3A_5, %scan3A_6 : i32
    %scan3A_8 = arith.constant 1 : i32
    scf.for %scan3A_31 = %scan3A_5 to %scan3A_7 step %scan3A_8  : i32 {
      %mul3A_32 = arith.constant 3 : i32
      %mul3A_33 = arith.muli %mul3A_32, %scan3A_31 : i32
      %add3A_34 = arith.constant 0 : i32
      %add3A_35 = arith.addi %mul3A_33, %add3A_34 : i32
      %gt3A = arith.constant 0 : i32
      %gt3A_36 = arith.cmpi sgt, %scan3A_31, %gt3A : i32
      %convert_element_type3A = arith.extui %gt3A_36 : i1 to i32
      %cond3A = arith.constant 0 : i32
      %cond3A_37 = arith.cmpi ne, %convert_element_type3A, %cond3A : i32
      scf.if %cond3A_37 {
        %dma_wait3A_106 = arith.constant 0 : i32
        %dma_wait3A_107 = tpu.memref_slice %arg4[%mul3A_2, %dma_wait3A_106] : memref<46080x128xf32, #tpu.memory_space<hbm>> -> memref<120x128xf32, #tpu.memory_space<hbm>>
        %dma_wait3A_108 = arith.constant 0 : i32
        %dma_wait3A_109 = tpu.memref_slice %arg4[%mul3A_2, %dma_wait3A_108] : memref<46080x128xf32, #tpu.memory_space<hbm>> -> memref<120x128xf32, #tpu.memory_space<hbm>>
        tpu.wait_dma2 semaphore(%arg12 : memref<!tpu.dma_semaphore, #tpu.memory_space<semaphore_mem>>) src(%arg6 : memref<120x128xf32, #tpu.memory_space<vmem>>) dst(%dma_wait3A_109 : memref<120x128xf32, #tpu.memory_space<hbm>>)
      } else {
      }
      %mul3A_38 = arith.constant 120 : i32
      %mul3A_39 = arith.muli %add3A_35, %mul3A_38 : i32
      %dma_start3A_40 = tpu.memref_slice %arg5[%mul3A_39] : memref<1440xi32, #tpu.memory_space<vmem>> -> memref<120xi32, #tpu.memory_space<vmem>>
      %dma_start3A_41 = arith.constant 0 : i32
      %dma_start3A_42 = arith.constant 0 : i32
      %dma_start3A_43 = tpu.memref_slice %arg2[%dma_start3A_41, %dma_start3A_42] : memref<100001x128xf32, #tpu.memory_space<hbm>> -> memref<100001x128xf32, #tpu.memory_space<hbm>>
      tpu.enqueue_indirect_dma source(%dma_start3A_43 : memref<100001x128xf32, #tpu.memory_space<hbm>>) target(%arg6 : memref<120x128xf32, #tpu.memory_space<vmem>>) offsets(%dma_start3A_40 : memref<120xi32, #tpu.memory_space<vmem>>) semaphore(%arg9 : memref<!tpu.dma_semaphore, #tpu.memory_space<semaphore_mem>>)
      %gt3A_44 = arith.constant 0 : i32
      %gt3A_45 = arith.cmpi sgt, %scan3A_31, %gt3A_44 : i32
      %convert_element_type3A_46 = arith.extui %gt3A_45 : i1 to i32
      %cond3A_47 = arith.constant 0 : i32
      %cond3A_48 = arith.cmpi ne, %convert_element_type3A_46, %cond3A_47 : i32
      scf.if %cond3A_48 {
        %dma_wait3A_106 = arith.constant 0 : i32
        %dma_wait3A_107 = tpu.memref_slice %arg5[%dma_wait3A_106] : memref<1440xi32, #tpu.memory_space<vmem>> -> memref<120xi32, #tpu.memory_space<vmem>>
        %dma_wait3A_108 = arith.constant 0 : i32
        %dma_wait3A_109 = arith.constant 0 : i32
        %dma_wait3A_110 = tpu.memref_slice %arg2[%dma_wait3A_108, %dma_wait3A_109] : memref<100001x128xf32, #tpu.memory_space<hbm>> -> memref<100001x128xf32, #tpu.memory_space<hbm>>
        tpu.wait_indirect_dma semaphore(%arg11 : memref<!tpu.dma_semaphore, #tpu.memory_space<semaphore_mem>>) src(%dma_wait3A_110 : memref<100001x128xf32, #tpu.memory_space<hbm>>) dst(%arg8 : memref<120x128xf32, #tpu.memory_space<vmem>>)
        %mul3A_111 = arith.constant 3 : i32
        %mul3A_112 = arith.muli %mul3A_111, %scan3A_31 : i32
        %sub3A_113 = arith.constant 1 : i32
        %sub3A_114 = arith.subi %mul3A_112, %sub3A_113 : i32
        %mul3A_115 = arith.constant 120 : i32
        %mul3A_116 = arith.muli %sub3A_114, %mul3A_115 : i32
        %add3A_117 = arith.addi %mul3A_2, %mul3A_116 : i32
        %dma_start3A_118 = arith.constant 0 : i32
        %dma_start3A_119 = tpu.memref_slice %arg4[%add3A_117, %dma_start3A_118] : memref<46080x128xf32, #tpu.memory_space<hbm>> -> memref<120x128xf32, #tpu.memory_space<hbm>>
        %dma_start3A_120 = arith.constant 0 : i32
        %dma_start3A_121 = tpu.memref_slice %arg4[%add3A_117, %dma_start3A_120] : memref<46080x128xf32, #tpu.memory_space<hbm>> -> memref<120x128xf32, #tpu.memory_space<hbm>>
        tpu.enqueue_dma source(%arg8 : memref<120x128xf32, #tpu.memory_space<vmem>>) target(%dma_start3A_121 : memref<120x128xf32, #tpu.memory_space<hbm>>) target_semaphore(%arg14 : memref<!tpu.dma_semaphore, #tpu.memory_space<semaphore_mem>>)
      } else {
      }
      %mul3A_49 = arith.constant 3 : i32
      %mul3A_50 = arith.muli %mul3A_49, %scan3A_31 : i32
      %add3A_51 = arith.constant 1 : i32
      %add3A_52 = arith.addi %mul3A_50, %add3A_51 : i32
      %gt3A_53 = arith.constant 0 : i32
      %gt3A_54 = arith.cmpi sgt, %scan3A_31, %gt3A_53 : i32
      %convert_element_type3A_55 = arith.extui %gt3A_54 : i1 to i32
      %cond3A_56 = arith.constant 0 : i32
      %cond3A_57 = arith.cmpi ne, %convert_element_type3A_55, %cond3A_56 : i32
      scf.if %cond3A_57 {
        %dma_wait3A_106 = arith.constant 0 : i32
        %dma_wait3A_107 = tpu.memref_slice %arg4[%mul3A_2, %dma_wait3A_106] : memref<46080x128xf32, #tpu.memory_space<hbm>> -> memref<120x128xf32, #tpu.memory_space<hbm>>
        %dma_wait3A_108 = arith.constant 0 : i32
        %dma_wait3A_109 = tpu.memref_slice %arg4[%mul3A_2, %dma_wait3A_108] : memref<46080x128xf32, #tpu.memory_space<hbm>> -> memref<120x128xf32, #tpu.memory_space<hbm>>
        tpu.wait_dma2 semaphore(%arg13 : memref<!tpu.dma_semaphore, #tpu.memory_space<semaphore_mem>>) src(%arg7 : memref<120x128xf32, #tpu.memory_space<vmem>>) dst(%dma_wait3A_109 : memref<120x128xf32, #tpu.memory_space<hbm>>)
      } else {
      }
      %mul3A_58 = arith.constant 120 : i32
      %mul3A_59 = arith.muli %add3A_52, %mul3A_58 : i32
      %dma_start3A_60 = tpu.memref_slice %arg5[%mul3A_59] : memref<1440xi32, #tpu.memory_space<vmem>> -> memref<120xi32, #tpu.memory_space<vmem>>
      %dma_start3A_61 = arith.constant 0 : i32
      %dma_start3A_62 = arith.constant 0 : i32
      %dma_start3A_63 = tpu.memref_slice %arg2[%dma_start3A_61, %dma_start3A_62] : memref<100001x128xf32, #tpu.memory_space<hbm>> -> memref<100001x128xf32, #tpu.memory_space<hbm>>
      tpu.enqueue_indirect_dma source(%dma_start3A_63 : memref<100001x128xf32, #tpu.memory_space<hbm>>) target(%arg7 : memref<120x128xf32, #tpu.memory_space<vmem>>) offsets(%dma_start3A_60 : memref<120xi32, #tpu.memory_space<vmem>>) semaphore(%arg10 : memref<!tpu.dma_semaphore, #tpu.memory_space<semaphore_mem>>)
      %dma_wait3A_64 = arith.constant 0 : i32
      %dma_wait3A_65 = tpu.memref_slice %arg5[%dma_wait3A_64] : memref<1440xi32, #tpu.memory_space<vmem>> -> memref<120xi32, #tpu.memory_space<vmem>>
      %dma_wait3A_66 = arith.constant 0 : i32
      %dma_wait3A_67 = arith.constant 0 : i32
      %dma_wait3A_68 = tpu.memref_slice %arg2[%dma_wait3A_66, %dma_wait3A_67] : memref<100001x128xf32, #tpu.memory_space<hbm>> -> memref<100001x128xf32, #tpu.memory_space<hbm>>
      tpu.wait_indirect_dma semaphore(%arg9 : memref<!tpu.dma_semaphore, #tpu.memory_space<semaphore_mem>>) src(%dma_wait3A_68 : memref<100001x128xf32, #tpu.memory_space<hbm>>) dst(%arg6 : memref<120x128xf32, #tpu.memory_space<vmem>>)
      %sub3A = arith.constant 1 : i32
      %sub3A_69 = arith.subi %add3A_52, %sub3A : i32
      %mul3A_70 = arith.constant 120 : i32
      %mul3A_71 = arith.muli %sub3A_69, %mul3A_70 : i32
      %add3A_72 = arith.addi %mul3A_2, %mul3A_71 : i32
      %dma_start3A_73 = arith.constant 0 : i32
      %dma_start3A_74 = tpu.memref_slice %arg4[%add3A_72, %dma_start3A_73] : memref<46080x128xf32, #tpu.memory_space<hbm>> -> memref<120x128xf32, #tpu.memory_space<hbm>>
      %dma_start3A_75 = arith.constant 0 : i32
      %dma_start3A_76 = tpu.memref_slice %arg4[%add3A_72, %dma_start3A_75] : memref<46080x128xf32, #tpu.memory_space<hbm>> -> memref<120x128xf32, #tpu.memory_space<hbm>>
      tpu.enqueue_dma source(%arg6 : memref<120x128xf32, #tpu.memory_space<vmem>>) target(%dma_start3A_76 : memref<120x128xf32, #tpu.memory_space<hbm>>) target_semaphore(%arg12 : memref<!tpu.dma_semaphore, #tpu.memory_space<semaphore_mem>>)
      %mul3A_77 = arith.constant 3 : i32
      %mul3A_78 = arith.muli %mul3A_77, %scan3A_31 : i32
      %add3A_79 = arith.constant 2 : i32
      %add3A_80 = arith.addi %mul3A_78, %add3A_79 : i32
      %gt3A_81 = arith.constant 0 : i32
      %gt3A_82 = arith.cmpi sgt, %scan3A_31, %gt3A_81 : i32
      %convert_element_type3A_83 = arith.extui %gt3A_82 : i1 to i32
      %cond3A_84 = arith.constant 0 : i32
      %cond3A_85 = arith.cmpi ne, %convert_element_type3A_83, %cond3A_84 : i32
      scf.if %cond3A_85 {
        %dma_wait3A_106 = arith.constant 0 : i32
        %dma_wait3A_107 = tpu.memref_slice %arg4[%mul3A_2, %dma_wait3A_106] : memref<46080x128xf32, #tpu.memory_space<hbm>> -> memref<120x128xf32, #tpu.memory_space<hbm>>
        %dma_wait3A_108 = arith.constant 0 : i32
        %dma_wait3A_109 = tpu.memref_slice %arg4[%mul3A_2, %dma_wait3A_108] : memref<46080x128xf32, #tpu.memory_space<hbm>> -> memref<120x128xf32, #tpu.memory_space<hbm>>
        tpu.wait_dma2 semaphore(%arg14 : memref<!tpu.dma_semaphore, #tpu.memory_space<semaphore_mem>>) src(%arg8 : memref<120x128xf32, #tpu.memory_space<vmem>>) dst(%dma_wait3A_109 : memref<120x128xf32, #tpu.memory_space<hbm>>)
      } else {
      }
      %mul3A_86 = arith.constant 120 : i32
      %mul3A_87 = arith.muli %add3A_80, %mul3A_86 : i32
      %dma_start3A_88 = tpu.memref_slice %arg5[%mul3A_87] : memref<1440xi32, #tpu.memory_space<vmem>> -> memref<120xi32, #tpu.memory_space<vmem>>
      %dma_start3A_89 = arith.constant 0 : i32
      %dma_start3A_90 = arith.constant 0 : i32
      %dma_start3A_91 = tpu.memref_slice %arg2[%dma_start3A_89, %dma_start3A_90] : memref<100001x128xf32, #tpu.memory_space<hbm>> -> memref<100001x128xf32, #tpu.memory_space<hbm>>
      tpu.enqueue_indirect_dma source(%dma_start3A_91 : memref<100001x128xf32, #tpu.memory_space<hbm>>) target(%arg8 : memref<120x128xf32, #tpu.memory_space<vmem>>) offsets(%dma_start3A_88 : memref<120xi32, #tpu.memory_space<vmem>>) semaphore(%arg11 : memref<!tpu.dma_semaphore, #tpu.memory_space<semaphore_mem>>)
      %dma_wait3A_92 = arith.constant 0 : i32
      %dma_wait3A_93 = tpu.memref_slice %arg5[%dma_wait3A_92] : memref<1440xi32, #tpu.memory_space<vmem>> -> memref<120xi32, #tpu.memory_space<vmem>>
      %dma_wait3A_94 = arith.constant 0 : i32
      %dma_wait3A_95 = arith.constant 0 : i32
      %dma_wait3A_96 = tpu.memref_slice %arg2[%dma_wait3A_94, %dma_wait3A_95] : memref<100001x128xf32, #tpu.memory_space<hbm>> -> memref<100001x128xf32, #tpu.memory_space<hbm>>
      tpu.wait_indirect_dma semaphore(%arg10 : memref<!tpu.dma_semaphore, #tpu.memory_space<semaphore_mem>>) src(%dma_wait3A_96 : memref<100001x128xf32, #tpu.memory_space<hbm>>) dst(%arg7 : memref<120x128xf32, #tpu.memory_space<vmem>>)
      %sub3A_97 = arith.constant 1 : i32
      %sub3A_98 = arith.subi %add3A_80, %sub3A_97 : i32
      %mul3A_99 = arith.constant 120 : i32
      %mul3A_100 = arith.muli %sub3A_98, %mul3A_99 : i32
      %add3A_101 = arith.addi %mul3A_2, %mul3A_100 : i32
      %dma_start3A_102 = arith.constant 0 : i32
      %dma_start3A_103 = tpu.memref_slice %arg4[%add3A_101, %dma_start3A_102] : memref<46080x128xf32, #tpu.memory_space<hbm>> -> memref<120x128xf32, #tpu.memory_space<hbm>>
      %dma_start3A_104 = arith.constant 0 : i32
      %dma_start3A_105 = tpu.memref_slice %arg4[%add3A_101, %dma_start3A_104] : memref<46080x128xf32, #tpu.memory_space<hbm>> -> memref<120x128xf32, #tpu.memory_space<hbm>>
      tpu.enqueue_dma source(%arg7 : memref<120x128xf32, #tpu.memory_space<vmem>>) target(%dma_start3A_105 : memref<120x128xf32, #tpu.memory_space<hbm>>) target_semaphore(%arg13 : memref<!tpu.dma_semaphore, #tpu.memory_space<semaphore_mem>>)
    }
    %scan3A_9 = arith.constant 4 : i32
    %dma_wait3A = arith.constant 0 : i32
    %dma_wait3A_10 = tpu.memref_slice %arg5[%dma_wait3A] : memref<1440xi32, #tpu.memory_space<vmem>> -> memref<120xi32, #tpu.memory_space<vmem>>
    %dma_wait3A_11 = arith.constant 0 : i32
    %dma_wait3A_12 = arith.constant 0 : i32
    %dma_wait3A_13 = tpu.memref_slice %arg2[%dma_wait3A_11, %dma_wait3A_12] : memref<100001x128xf32, #tpu.memory_space<hbm>> -> memref<100001x128xf32, #tpu.memory_space<hbm>>
    tpu.wait_indirect_dma semaphore(%arg11 : memref<!tpu.dma_semaphore, #tpu.memory_space<semaphore_mem>>) src(%dma_wait3A_13 : memref<100001x128xf32, #tpu.memory_space<hbm>>) dst(%arg8 : memref<120x128xf32, #tpu.memory_space<vmem>>)
    %add3A_14 = arith.constant 1320 : i32
    %add3A_15 = arith.addi %mul3A_2, %add3A_14 : i32
    %dma_start3A = arith.constant 0 : i32
    %dma_start3A_16 = tpu.memref_slice %arg4[%add3A_15, %dma_start3A] : memref<46080x128xf32, #tpu.memory_space<hbm>> -> memref<120x128xf32, #tpu.memory_space<hbm>>
    %dma_start3A_17 = arith.constant 0 : i32
    %dma_start3A_18 = tpu.memref_slice %arg4[%add3A_15, %dma_start3A_17] : memref<46080x128xf32, #tpu.memory_space<hbm>> -> memref<120x128xf32, #tpu.memory_space<hbm>>
    tpu.enqueue_dma source(%arg8 : memref<120x128xf32, #tpu.memory_space<vmem>>) target(%dma_start3A_18 : memref<120x128xf32, #tpu.memory_space<hbm>>) target_semaphore(%arg14 : memref<!tpu.dma_semaphore, #tpu.memory_space<semaphore_mem>>)
    %dma_wait3A_19 = arith.constant 0 : i32
    %dma_wait3A_20 = tpu.memref_slice %arg4[%mul3A_2, %dma_wait3A_19] : memref<46080x128xf32, #tpu.memory_space<hbm>> -> memref<120x128xf32, #tpu.memory_space<hbm>>
    %dma_wait3A_21 = arith.constant 0 : i32
    %dma_wait3A_22 = tpu.memref_slice %arg4[%mul3A_2, %dma_wait3A_21] : memref<46080x128xf32, #tpu.memory_space<hbm>> -> memref<120x128xf32, #tpu.memory_space<hbm>>
    tpu.wait_dma2 semaphore(%arg12 : memref<!tpu.dma_semaphore, #tpu.memory_space<semaphore_mem>>) src(%arg6 : memref<120x128xf32, #tpu.memory_space<vmem>>) dst(%dma_wait3A_22 : memref<120x128xf32, #tpu.memory_space<hbm>>)
    %dma_wait3A_23 = arith.constant 0 : i32
    %dma_wait3A_24 = tpu.memref_slice %arg4[%mul3A_2, %dma_wait3A_23] : memref<46080x128xf32, #tpu.memory_space<hbm>> -> memref<120x128xf32, #tpu.memory_space<hbm>>
    %dma_wait3A_25 = arith.constant 0 : i32
    %dma_wait3A_26 = tpu.memref_slice %arg4[%mul3A_2, %dma_wait3A_25] : memref<46080x128xf32, #tpu.memory_space<hbm>> -> memref<120x128xf32, #tpu.memory_space<hbm>>
    tpu.wait_dma2 semaphore(%arg13 : memref<!tpu.dma_semaphore, #tpu.memory_space<semaphore_mem>>) src(%arg7 : memref<120x128xf32, #tpu.memory_space<vmem>>) dst(%dma_wait3A_26 : memref<120x128xf32, #tpu.memory_space<hbm>>)
    %dma_wait3A_27 = arith.constant 0 : i32
    %dma_wait3A_28 = tpu.memref_slice %arg4[%mul3A_2, %dma_wait3A_27] : memref<46080x128xf32, #tpu.memory_space<hbm>> -> memref<120x128xf32, #tpu.memory_space<hbm>>
    %dma_wait3A_29 = arith.constant 0 : i32
    %dma_wait3A_30 = tpu.memref_slice %arg4[%mul3A_2, %dma_wait3A_29] : memref<46080x128xf32, #tpu.memory_space<hbm>> -> memref<120x128xf32, #tpu.memory_space<hbm>>
    tpu.wait_dma2 semaphore(%arg14 : memref<!tpu.dma_semaphore, #tpu.memory_space<semaphore_mem>>) src(%arg8 : memref<120x128xf32, #tpu.memory_space<vmem>>) dst(%dma_wait3A_30 : memref<120x128xf32, #tpu.memory_space<hbm>>)
    return
  }
}

#map = affine_map<(d0, d1) -> (0, 0)>
#map1 = affine_map<(d0, d1) -> (0)>
module attributes {stable_mosaic.version = 14 : i64} {
  func.func @gather_kernel(%arg0: i32, %arg1: i32, %arg2: memref<100001x128xf32, #tpu.memory_space<hbm>>, %arg3: memref<184320xi32, #tpu.memory_space<hbm>>, %arg4: memref<46080x128xf32, #tpu.memory_space<hbm>>, %arg5: memref<1440xi32, #tpu.memory_space<vmem>>, %arg6: memref<120x128xf32, #tpu.memory_space<vmem>>, %arg7: memref<120x128xf32, #tpu.memory_space<vmem>>, %arg8: memref<120x128xf32, #tpu.memory_space<vmem>>, %arg9: memref<!tpu.dma_semaphore, #tpu.memory_space<semaphore_mem>>, %arg10: memref<!tpu.dma_semaphore, #tpu.memory_space<semaphore_mem>>, %arg11: memref<!tpu.dma_semaphore, #tpu.memory_space<semaphore_mem>>, %arg12: memref<!tpu.dma_semaphore, #tpu.memory_space<semaphore_mem>>, %arg13: memref<!tpu.dma_semaphore, #tpu.memory_space<semaphore_mem>>, %arg14: memref<!tpu.dma_semaphore, #tpu.memory_space<semaphore_mem>>) attributes {dimension_semantics = [#tpu.dimension_semantics<core_parallel>, #tpu.dimension_semantics<subcore_parallel>], iteration_bounds = array<i64: 2, 16>, scalar_prefetch = 0 : i64, scratch_operands = 10 : i64, tpu.core_type = #tpu.core_type<sc_vector_subcore>, window_params = [{transform_indices = #map}, {transform_indices = #map1}, {transform_indices = #map}]} {
    %mul3A = arith.constant 2 : i32
    %mul3A_0 = arith.muli %arg1, %mul3A : i32
    %add3A = arith.addi %mul3A_0, %arg0 : i32
    %mul3A_1 = arith.constant 1440 : i32
    %mul3A_2 = arith.muli %add3A, %mul3A_1 : i32
    %add3A_3 = arith.constant 0 : i32
    %add3A_4 = arith.addi %add3A_3, %mul3A_2 : i32
    "tpu.region"() ({
      %run_scoped3A = tpu.sem_alloc : memref<!tpu.dma_semaphore, #tpu.memory_space<semaphore_mem>>
      %dma_start3A_31 = tpu.memref_slice %arg3[%add3A_4] : memref<184320xi32, #tpu.memory_space<hbm>> -> memref<1440xi32, #tpu.memory_space<hbm>>
      %dma_start3A_32 = tpu.memref_slice %arg3[%add3A_4] : memref<184320xi32, #tpu.memory_space<hbm>> -> memref<1440xi32, #tpu.memory_space<hbm>>
      tpu.enqueue_dma source(%dma_start3A_32 : memref<1440xi32, #tpu.memory_space<hbm>>) target(%arg5 : memref<1440xi32, #tpu.memory_space<vmem>>) target_semaphore(%run_scoped3A : memref<!tpu.dma_semaphore, #tpu.memory_space<semaphore_mem>>)
      %dma_wait3A_33 = tpu.memref_slice %arg3[%add3A_4] : memref<184320xi32, #tpu.memory_space<hbm>> -> memref<1440xi32, #tpu.memory_space<hbm>>
      %dma_wait3A_34 = tpu.memref_slice %arg3[%add3A_4] : memref<184320xi32, #tpu.memory_space<hbm>> -> memref<1440xi32, #tpu.memory_space<hbm>>
      tpu.wait_dma2 semaphore(%run_scoped3A : memref<!tpu.dma_semaphore, #tpu.memory_space<semaphore_mem>>) src(%dma_wait3A_34 : memref<1440xi32, #tpu.memory_space<hbm>>) dst(%arg5 : memref<1440xi32, #tpu.memory_space<vmem>>)
      tpu.yield
    }) : () -> ()
    %scan3A = arith.constant 0 : i32
    %scan3A_5 = arith.constant 0 : i32
    %scan3A_6 = arith.constant 4 : i32
    %scan3A_7 = arith.addi %scan3A_5, %scan3A_6 : i32
    %scan3A_8 = arith.constant 1 : i32
    scf.for %scan3A_31 = %scan3A_5 to %scan3A_7 step %scan3A_8  : i32 {
      %mul3A_32 = arith.constant 3 : i32
      %mul3A_33 = arith.muli %mul3A_32, %scan3A_31 : i32
      %add3A_34 = arith.constant 0 : i32
      %add3A_35 = arith.addi %mul3A_33, %add3A_34 : i32
      %gt3A = arith.constant 0 : i32
      %gt3A_36 = arith.cmpi sgt, %scan3A_31, %gt3A : i32
      %convert_element_type3A = arith.extui %gt3A_36 : i1 to i32
      %cond3A = arith.constant 0 : i32
      %cond3A_37 = arith.cmpi ne, %convert_element_type3A, %cond3A : i32
      scf.if %cond3A_37 {
        %dma_wait3A_106 = arith.constant 0 : i32
        %dma_wait3A_107 = tpu.memref_slice %arg4[%mul3A_2, %dma_wait3A_106] : memref<46080x128xf32, #tpu.memory_space<hbm>> -> memref<120x128xf32, #tpu.memory_space<hbm>>
        %dma_wait3A_108 = arith.constant 0 : i32
        %dma_wait3A_109 = tpu.memref_slice %arg4[%mul3A_2, %dma_wait3A_108] : memref<46080x128xf32, #tpu.memory_space<hbm>> -> memref<120x128xf32, #tpu.memory_space<hbm>>
        tpu.wait_dma2 semaphore(%arg12 : memref<!tpu.dma_semaphore, #tpu.memory_space<semaphore_mem>>) src(%arg6 : memref<120x128xf32, #tpu.memory_space<vmem>>) dst(%dma_wait3A_109 : memref<120x128xf32, #tpu.memory_space<hbm>>)
      } else {
      }
      %mul3A_38 = arith.constant 120 : i32
      %mul3A_39 = arith.muli %add3A_35, %mul3A_38 : i32
      %dma_start3A_40 = tpu.memref_slice %arg5[%mul3A_39] : memref<1440xi32, #tpu.memory_space<vmem>> -> memref<120xi32, #tpu.memory_space<vmem>>
      %dma_start3A_41 = arith.constant 0 : i32
      %dma_start3A_42 = arith.constant 0 : i32
      %dma_start3A_43 = tpu.memref_slice %arg2[%dma_start3A_41, %dma_start3A_42] : memref<100001x128xf32, #tpu.memory_space<hbm>> -> memref<100001x128xf32, #tpu.memory_space<hbm>>
      tpu.enqueue_indirect_dma source(%dma_start3A_43 : memref<100001x128xf32, #tpu.memory_space<hbm>>) target(%arg6 : memref<120x128xf32, #tpu.memory_space<vmem>>) offsets(%dma_start3A_40 : memref<120xi32, #tpu.memory_space<vmem>>) semaphore(%arg9 : memref<!tpu.dma_semaphore, #tpu.memory_space<semaphore_mem>>)
      %gt3A_44 = arith.constant 0 : i32
      %gt3A_45 = arith.cmpi sgt, %scan3A_31, %gt3A_44 : i32
      %convert_element_type3A_46 = arith.extui %gt3A_45 : i1 to i32
      %cond3A_47 = arith.constant 0 : i32
      %cond3A_48 = arith.cmpi ne, %convert_element_type3A_46, %cond3A_47 : i32
      scf.if %cond3A_48 {
        %dma_wait3A_106 = arith.constant 0 : i32
        %dma_wait3A_107 = tpu.memref_slice %arg5[%dma_wait3A_106] : memref<1440xi32, #tpu.memory_space<vmem>> -> memref<120xi32, #tpu.memory_space<vmem>>
        %dma_wait3A_108 = arith.constant 0 : i32
        %dma_wait3A_109 = arith.constant 0 : i32
        %dma_wait3A_110 = tpu.memref_slice %arg2[%dma_wait3A_108, %dma_wait3A_109] : memref<100001x128xf32, #tpu.memory_space<hbm>> -> memref<100001x128xf32, #tpu.memory_space<hbm>>
        tpu.wait_indirect_dma semaphore(%arg11 : memref<!tpu.dma_semaphore, #tpu.memory_space<semaphore_mem>>) src(%dma_wait3A_110 : memref<100001x128xf32, #tpu.memory_space<hbm>>) dst(%arg8 : memref<120x128xf32, #tpu.memory_space<vmem>>)
        %mul3A_111 = arith.constant 3 : i32
        %mul3A_112 = arith.muli %mul3A_111, %scan3A_31 : i32
        %sub3A_113 = arith.constant 1 : i32
        %sub3A_114 = arith.subi %mul3A_112, %sub3A_113 : i32
        %mul3A_115 = arith.constant 120 : i32
        %mul3A_116 = arith.muli %sub3A_114, %mul3A_115 : i32
        %add3A_117 = arith.addi %mul3A_2, %mul3A_116 : i32
        %dma_start3A_118 = arith.constant 0 : i32
        %dma_start3A_119 = tpu.memref_slice %arg4[%add3A_117, %dma_start3A_118] : memref<46080x128xf32, #tpu.memory_space<hbm>> -> memref<120x128xf32, #tpu.memory_space<hbm>>
        %dma_start3A_120 = arith.constant 0 : i32
        %dma_start3A_121 = tpu.memref_slice %arg4[%add3A_117, %dma_start3A_120] : memref<46080x128xf32, #tpu.memory_space<hbm>> -> memref<120x128xf32, #tpu.memory_space<hbm>>
        tpu.enqueue_dma source(%arg8 : memref<120x128xf32, #tpu.memory_space<vmem>>) target(%dma_start3A_121 : memref<120x128xf32, #tpu.memory_space<hbm>>) target_semaphore(%arg14 : memref<!tpu.dma_semaphore, #tpu.memory_space<semaphore_mem>>)
      } else {
      }
      %mul3A_49 = arith.constant 3 : i32
      %mul3A_50 = arith.muli %mul3A_49, %scan3A_31 : i32
      %add3A_51 = arith.constant 1 : i32
      %add3A_52 = arith.addi %mul3A_50, %add3A_51 : i32
      %gt3A_53 = arith.constant 0 : i32
      %gt3A_54 = arith.cmpi sgt, %scan3A_31, %gt3A_53 : i32
      %convert_element_type3A_55 = arith.extui %gt3A_54 : i1 to i32
      %cond3A_56 = arith.constant 0 : i32
      %cond3A_57 = arith.cmpi ne, %convert_element_type3A_55, %cond3A_56 : i32
      scf.if %cond3A_57 {
        %dma_wait3A_106 = arith.constant 0 : i32
        %dma_wait3A_107 = tpu.memref_slice %arg4[%mul3A_2, %dma_wait3A_106] : memref<46080x128xf32, #tpu.memory_space<hbm>> -> memref<120x128xf32, #tpu.memory_space<hbm>>
        %dma_wait3A_108 = arith.constant 0 : i32
        %dma_wait3A_109 = tpu.memref_slice %arg4[%mul3A_2, %dma_wait3A_108] : memref<46080x128xf32, #tpu.memory_space<hbm>> -> memref<120x128xf32, #tpu.memory_space<hbm>>
        tpu.wait_dma2 semaphore(%arg13 : memref<!tpu.dma_semaphore, #tpu.memory_space<semaphore_mem>>) src(%arg7 : memref<120x128xf32, #tpu.memory_space<vmem>>) dst(%dma_wait3A_109 : memref<120x128xf32, #tpu.memory_space<hbm>>)
      } else {
      }
      %mul3A_58 = arith.constant 120 : i32
      %mul3A_59 = arith.muli %add3A_52, %mul3A_58 : i32
      %dma_start3A_60 = tpu.memref_slice %arg5[%mul3A_59] : memref<1440xi32, #tpu.memory_space<vmem>> -> memref<120xi32, #tpu.memory_space<vmem>>
      %dma_start3A_61 = arith.constant 0 : i32
      %dma_start3A_62 = arith.constant 0 : i32
      %dma_start3A_63 = tpu.memref_slice %arg2[%dma_start3A_61, %dma_start3A_62] : memref<100001x128xf32, #tpu.memory_space<hbm>> -> memref<100001x128xf32, #tpu.memory_space<hbm>>
      tpu.enqueue_indirect_dma source(%dma_start3A_63 : memref<100001x128xf32, #tpu.memory_space<hbm>>) target(%arg7 : memref<120x128xf32, #tpu.memory_space<vmem>>) offsets(%dma_start3A_60 : memref<120xi32, #tpu.memory_space<vmem>>) semaphore(%arg10 : memref<!tpu.dma_semaphore, #tpu.memory_space<semaphore_mem>>)
      %dma_wait3A_64 = arith.constant 0 : i32
      %dma_wait3A_65 = tpu.memref_slice %arg5[%dma_wait3A_64] : memref<1440xi32, #tpu.memory_space<vmem>> -> memref<120xi32, #tpu.memory_space<vmem>>
      %dma_wait3A_66 = arith.constant 0 : i32
      %dma_wait3A_67 = arith.constant 0 : i32
      %dma_wait3A_68 = tpu.memref_slice %arg2[%dma_wait3A_66, %dma_wait3A_67] : memref<100001x128xf32, #tpu.memory_space<hbm>> -> memref<100001x128xf32, #tpu.memory_space<hbm>>
      tpu.wait_indirect_dma semaphore(%arg9 : memref<!tpu.dma_semaphore, #tpu.memory_space<semaphore_mem>>) src(%dma_wait3A_68 : memref<100001x128xf32, #tpu.memory_space<hbm>>) dst(%arg6 : memref<120x128xf32, #tpu.memory_space<vmem>>)
      %sub3A = arith.constant 1 : i32
      %sub3A_69 = arith.subi %add3A_52, %sub3A : i32
      %mul3A_70 = arith.constant 120 : i32
      %mul3A_71 = arith.muli %sub3A_69, %mul3A_70 : i32
      %add3A_72 = arith.addi %mul3A_2, %mul3A_71 : i32
      %dma_start3A_73 = arith.constant 0 : i32
      %dma_start3A_74 = tpu.memref_slice %arg4[%add3A_72, %dma_start3A_73] : memref<46080x128xf32, #tpu.memory_space<hbm>> -> memref<120x128xf32, #tpu.memory_space<hbm>>
      %dma_start3A_75 = arith.constant 0 : i32
      %dma_start3A_76 = tpu.memref_slice %arg4[%add3A_72, %dma_start3A_75] : memref<46080x128xf32, #tpu.memory_space<hbm>> -> memref<120x128xf32, #tpu.memory_space<hbm>>
      tpu.enqueue_dma source(%arg6 : memref<120x128xf32, #tpu.memory_space<vmem>>) target(%dma_start3A_76 : memref<120x128xf32, #tpu.memory_space<hbm>>) target_semaphore(%arg12 : memref<!tpu.dma_semaphore, #tpu.memory_space<semaphore_mem>>)
      %mul3A_77 = arith.constant 3 : i32
      %mul3A_78 = arith.muli %mul3A_77, %scan3A_31 : i32
      %add3A_79 = arith.constant 2 : i32
      %add3A_80 = arith.addi %mul3A_78, %add3A_79 : i32
      %gt3A_81 = arith.constant 0 : i32
      %gt3A_82 = arith.cmpi sgt, %scan3A_31, %gt3A_81 : i32
      %convert_element_type3A_83 = arith.extui %gt3A_82 : i1 to i32
      %cond3A_84 = arith.constant 0 : i32
      %cond3A_85 = arith.cmpi ne, %convert_element_type3A_83, %cond3A_84 : i32
      scf.if %cond3A_85 {
        %dma_wait3A_106 = arith.constant 0 : i32
        %dma_wait3A_107 = tpu.memref_slice %arg4[%mul3A_2, %dma_wait3A_106] : memref<46080x128xf32, #tpu.memory_space<hbm>> -> memref<120x128xf32, #tpu.memory_space<hbm>>
        %dma_wait3A_108 = arith.constant 0 : i32
        %dma_wait3A_109 = tpu.memref_slice %arg4[%mul3A_2, %dma_wait3A_108] : memref<46080x128xf32, #tpu.memory_space<hbm>> -> memref<120x128xf32, #tpu.memory_space<hbm>>
        tpu.wait_dma2 semaphore(%arg14 : memref<!tpu.dma_semaphore, #tpu.memory_space<semaphore_mem>>) src(%arg8 : memref<120x128xf32, #tpu.memory_space<vmem>>) dst(%dma_wait3A_109 : memref<120x128xf32, #tpu.memory_space<hbm>>)
      } else {
      }
      %mul3A_86 = arith.constant 120 : i32
      %mul3A_87 = arith.muli %add3A_80, %mul3A_86 : i32
      %dma_start3A_88 = tpu.memref_slice %arg5[%mul3A_87] : memref<1440xi32, #tpu.memory_space<vmem>> -> memref<120xi32, #tpu.memory_space<vmem>>
      %dma_start3A_89 = arith.constant 0 : i32
      %dma_start3A_90 = arith.constant 0 : i32
      %dma_start3A_91 = tpu.memref_slice %arg2[%dma_start3A_89, %dma_start3A_90] : memref<100001x128xf32, #tpu.memory_space<hbm>> -> memref<100001x128xf32, #tpu.memory_space<hbm>>
      tpu.enqueue_indirect_dma source(%dma_start3A_91 : memref<100001x128xf32, #tpu.memory_space<hbm>>) target(%arg8 : memref<120x128xf32, #tpu.memory_space<vmem>>) offsets(%dma_start3A_88 : memref<120xi32, #tpu.memory_space<vmem>>) semaphore(%arg11 : memref<!tpu.dma_semaphore, #tpu.memory_space<semaphore_mem>>)
      %dma_wait3A_92 = arith.constant 0 : i32
      %dma_wait3A_93 = tpu.memref_slice %arg5[%dma_wait3A_92] : memref<1440xi32, #tpu.memory_space<vmem>> -> memref<120xi32, #tpu.memory_space<vmem>>
      %dma_wait3A_94 = arith.constant 0 : i32
      %dma_wait3A_95 = arith.constant 0 : i32
      %dma_wait3A_96 = tpu.memref_slice %arg2[%dma_wait3A_94, %dma_wait3A_95] : memref<100001x128xf32, #tpu.memory_space<hbm>> -> memref<100001x128xf32, #tpu.memory_space<hbm>>
      tpu.wait_indirect_dma semaphore(%arg10 : memref<!tpu.dma_semaphore, #tpu.memory_space<semaphore_mem>>) src(%dma_wait3A_96 : memref<100001x128xf32, #tpu.memory_space<hbm>>) dst(%arg7 : memref<120x128xf32, #tpu.memory_space<vmem>>)
      %sub3A_97 = arith.constant 1 : i32
      %sub3A_98 = arith.subi %add3A_80, %sub3A_97 : i32
      %mul3A_99 = arith.constant 120 : i32
      %mul3A_100 = arith.muli %sub3A_98, %mul3A_99 : i32
      %add3A_101 = arith.addi %mul3A_2, %mul3A_100 : i32
      %dma_start3A_102 = arith.constant 0 : i32
      %dma_start3A_103 = tpu.memref_slice %arg4[%add3A_101, %dma_start3A_102] : memref<46080x128xf32, #tpu.memory_space<hbm>> -> memref<120x128xf32, #tpu.memory_space<hbm>>
      %dma_start3A_104 = arith.constant 0 : i32
      %dma_start3A_105 = tpu.memref_slice %arg4[%add3A_101, %dma_start3A_104] : memref<46080x128xf32, #tpu.memory_space<hbm>> -> memref<120x128xf32, #tpu.memory_space<hbm>>
      tpu.enqueue_dma source(%arg7 : memref<120x128xf32, #tpu.memory_space<vmem>>) target(%dma_start3A_105 : memref<120x128xf32, #tpu.memory_space<hbm>>) target_semaphore(%arg13 : memref<!tpu.dma_semaphore, #tpu.memory_space<semaphore_mem>>)
    }
    %scan3A_9 = arith.constant 4 : i32
    %dma_wait3A = arith.constant 0 : i32
    %dma_wait3A_10 = tpu.memref_slice %arg5[%dma_wait3A] : memref<1440xi32, #tpu.memory_space<vmem>> -> memref<120xi32, #tpu.memory_space<vmem>>
    %dma_wait3A_11 = arith.constant 0 : i32
    %dma_wait3A_12 = arith.constant 0 : i32
    %dma_wait3A_13 = tpu.memref_slice %arg2[%dma_wait3A_11, %dma_wait3A_12] : memref<100001x128xf32, #tpu.memory_space<hbm>> -> memref<100001x128xf32, #tpu.memory_space<hbm>>
    tpu.wait_indirect_dma semaphore(%arg11 : memref<!tpu.dma_semaphore, #tpu.memory_space<semaphore_mem>>) src(%dma_wait3A_13 : memref<100001x128xf32, #tpu.memory_space<hbm>>) dst(%arg8 : memref<120x128xf32, #tpu.memory_space<vmem>>)
    %add3A_14 = arith.constant 1320 : i32
    %add3A_15 = arith.addi %mul3A_2, %add3A_14 : i32
    %dma_start3A = arith.constant 0 : i32
    %dma_start3A_16 = tpu.memref_slice %arg4[%add3A_15, %dma_start3A] : memref<46080x128xf32, #tpu.memory_space<hbm>> -> memref<120x128xf32, #tpu.memory_space<hbm>>
    %dma_start3A_17 = arith.constant 0 : i32
    %dma_start3A_18 = tpu.memref_slice %arg4[%add3A_15, %dma_start3A_17] : memref<46080x128xf32, #tpu.memory_space<hbm>> -> memref<120x128xf32, #tpu.memory_space<hbm>>
    tpu.enqueue_dma source(%arg8 : memref<120x128xf32, #tpu.memory_space<vmem>>) target(%dma_start3A_18 : memref<120x128xf32, #tpu.memory_space<hbm>>) target_semaphore(%arg14 : memref<!tpu.dma_semaphore, #tpu.memory_space<semaphore_mem>>)
    %dma_wait3A_19 = arith.constant 0 : i32
    %dma_wait3A_20 = tpu.memref_slice %arg4[%mul3A_2, %dma_wait3A_19] : memref<46080x128xf32, #tpu.memory_space<hbm>> -> memref<120x128xf32, #tpu.memory_space<hbm>>
    %dma_wait3A_21 = arith.constant 0 : i32
    %dma_wait3A_22 = tpu.memref_slice %arg4[%mul3A_2, %dma_wait3A_21] : memref<46080x128xf32, #tpu.memory_space<hbm>> -> memref<120x128xf32, #tpu.memory_space<hbm>>
    tpu.wait_dma2 semaphore(%arg12 : memref<!tpu.dma_semaphore, #tpu.memory_space<semaphore_mem>>) src(%arg6 : memref<120x128xf32, #tpu.memory_space<vmem>>) dst(%dma_wait3A_22 : memref<120x128xf32, #tpu.memory_space<hbm>>)
    %dma_wait3A_23 = arith.constant 0 : i32
    %dma_wait3A_24 = tpu.memref_slice %arg4[%mul3A_2, %dma_wait3A_23] : memref<46080x128xf32, #tpu.memory_space<hbm>> -> memref<120x128xf32, #tpu.memory_space<hbm>>
    %dma_wait3A_25 = arith.constant 0 : i32
    %dma_wait3A_26 = tpu.memref_slice %arg4[%mul3A_2, %dma_wait3A_25] : memref<46080x128xf32, #tpu.memory_space<hbm>> -> memref<120x128xf32, #tpu.memory_space<hbm>>
    tpu.wait_dma2 semaphore(%arg13 : memref<!tpu.dma_semaphore, #tpu.memory_space<semaphore_mem>>) src(%arg7 : memref<120x128xf32, #tpu.memory_space<vmem>>) dst(%dma_wait3A_26 : memref<120x128xf32, #tpu.memory_space<hbm>>)
    %dma_wait3A_27 = arith.constant 0 : i32
    %dma_wait3A_28 = tpu.memref_slice %arg4[%mul3A_2, %dma_wait3A_27] : memref<46080x128xf32, #tpu.memory_space<hbm>> -> memref<120x128xf32, #tpu.memory_space<hbm>>
    %dma_wait3A_29 = arith.constant 0 : i32
    %dma_wait3A_30 = tpu.memref_slice %arg4[%mul3A_2, %dma_wait3A_29] : memref<46080x128xf32, #tpu.memory_space<hbm>> -> memref<120x128xf32, #tpu.memory_space<hbm>>
    tpu.wait_dma2 semaphore(%arg14 : memref<!tpu.dma_semaphore, #tpu.memory_space<semaphore_mem>>) src(%arg8 : memref<120x128xf32, #tpu.memory_space<vmem>>) dst(%dma_wait3A_30 : memref<120x128xf32, #tpu.memory_space<hbm>>)
    return
  }
}

#map = affine_map<(d0, d1) -> (0, 0)>
#map1 = affine_map<(d0, d1) -> (0)>
module attributes {stable_mosaic.version = 14 : i64} {
  func.func @gather_kernel(%arg0: i32, %arg1: i32, %arg2: memref<100001x128xf32, #tpu.memory_space<hbm>>, %arg3: memref<184320xi32, #tpu.memory_space<hbm>>, %arg4: memref<46080x128xf32, #tpu.memory_space<hbm>>, %arg5: memref<1440xi32, #tpu.memory_space<vmem>>, %arg6: memref<120x128xf32, #tpu.memory_space<vmem>>, %arg7: memref<120x128xf32, #tpu.memory_space<vmem>>, %arg8: memref<120x128xf32, #tpu.memory_space<vmem>>, %arg9: memref<!tpu.dma_semaphore, #tpu.memory_space<semaphore_mem>>, %arg10: memref<!tpu.dma_semaphore, #tpu.memory_space<semaphore_mem>>, %arg11: memref<!tpu.dma_semaphore, #tpu.memory_space<semaphore_mem>>, %arg12: memref<!tpu.dma_semaphore, #tpu.memory_space<semaphore_mem>>, %arg13: memref<!tpu.dma_semaphore, #tpu.memory_space<semaphore_mem>>, %arg14: memref<!tpu.dma_semaphore, #tpu.memory_space<semaphore_mem>>) attributes {dimension_semantics = [#tpu.dimension_semantics<core_parallel>, #tpu.dimension_semantics<subcore_parallel>], iteration_bounds = array<i64: 2, 16>, scalar_prefetch = 0 : i64, scratch_operands = 10 : i64, tpu.core_type = #tpu.core_type<sc_vector_subcore>, window_params = [{transform_indices = #map}, {transform_indices = #map1}, {transform_indices = #map}]} {
    %mul3A = arith.constant 2 : i32
    %mul3A_0 = arith.muli %arg1, %mul3A : i32
    %add3A = arith.addi %mul3A_0, %arg0 : i32
    %mul3A_1 = arith.constant 1440 : i32
    %mul3A_2 = arith.muli %add3A, %mul3A_1 : i32
    %add3A_3 = arith.constant 46080 : i32
    %add3A_4 = arith.addi %add3A_3, %mul3A_2 : i32
    "tpu.region"() ({
      %run_scoped3A = tpu.sem_alloc : memref<!tpu.dma_semaphore, #tpu.memory_space<semaphore_mem>>
      %dma_start3A_31 = tpu.memref_slice %arg3[%add3A_4] : memref<184320xi32, #tpu.memory_space<hbm>> -> memref<1440xi32, #tpu.memory_space<hbm>>
      %dma_start3A_32 = tpu.memref_slice %arg3[%add3A_4] : memref<184320xi32, #tpu.memory_space<hbm>> -> memref<1440xi32, #tpu.memory_space<hbm>>
      tpu.enqueue_dma source(%dma_start3A_32 : memref<1440xi32, #tpu.memory_space<hbm>>) target(%arg5 : memref<1440xi32, #tpu.memory_space<vmem>>) target_semaphore(%run_scoped3A : memref<!tpu.dma_semaphore, #tpu.memory_space<semaphore_mem>>)
      %dma_wait3A_33 = tpu.memref_slice %arg3[%add3A_4] : memref<184320xi32, #tpu.memory_space<hbm>> -> memref<1440xi32, #tpu.memory_space<hbm>>
      %dma_wait3A_34 = tpu.memref_slice %arg3[%add3A_4] : memref<184320xi32, #tpu.memory_space<hbm>> -> memref<1440xi32, #tpu.memory_space<hbm>>
      tpu.wait_dma2 semaphore(%run_scoped3A : memref<!tpu.dma_semaphore, #tpu.memory_space<semaphore_mem>>) src(%dma_wait3A_34 : memref<1440xi32, #tpu.memory_space<hbm>>) dst(%arg5 : memref<1440xi32, #tpu.memory_space<vmem>>)
      tpu.yield
    }) : () -> ()
    %scan3A = arith.constant 0 : i32
    %scan3A_5 = arith.constant 0 : i32
    %scan3A_6 = arith.constant 4 : i32
    %scan3A_7 = arith.addi %scan3A_5, %scan3A_6 : i32
    %scan3A_8 = arith.constant 1 : i32
    scf.for %scan3A_31 = %scan3A_5 to %scan3A_7 step %scan3A_8  : i32 {
      %mul3A_32 = arith.constant 3 : i32
      %mul3A_33 = arith.muli %mul3A_32, %scan3A_31 : i32
      %add3A_34 = arith.constant 0 : i32
      %add3A_35 = arith.addi %mul3A_33, %add3A_34 : i32
      %gt3A = arith.constant 0 : i32
      %gt3A_36 = arith.cmpi sgt, %scan3A_31, %gt3A : i32
      %convert_element_type3A = arith.extui %gt3A_36 : i1 to i32
      %cond3A = arith.constant 0 : i32
      %cond3A_37 = arith.cmpi ne, %convert_element_type3A, %cond3A : i32
      scf.if %cond3A_37 {
        %dma_wait3A_106 = arith.constant 0 : i32
        %dma_wait3A_107 = tpu.memref_slice %arg4[%mul3A_2, %dma_wait3A_106] : memref<46080x128xf32, #tpu.memory_space<hbm>> -> memref<120x128xf32, #tpu.memory_space<hbm>>
        %dma_wait3A_108 = arith.constant 0 : i32
        %dma_wait3A_109 = tpu.memref_slice %arg4[%mul3A_2, %dma_wait3A_108] : memref<46080x128xf32, #tpu.memory_space<hbm>> -> memref<120x128xf32, #tpu.memory_space<hbm>>
        tpu.wait_dma2 semaphore(%arg12 : memref<!tpu.dma_semaphore, #tpu.memory_space<semaphore_mem>>) src(%arg6 : memref<120x128xf32, #tpu.memory_space<vmem>>) dst(%dma_wait3A_109 : memref<120x128xf32, #tpu.memory_space<hbm>>)
      } else {
      }
      %mul3A_38 = arith.constant 120 : i32
      %mul3A_39 = arith.muli %add3A_35, %mul3A_38 : i32
      %dma_start3A_40 = tpu.memref_slice %arg5[%mul3A_39] : memref<1440xi32, #tpu.memory_space<vmem>> -> memref<120xi32, #tpu.memory_space<vmem>>
      %dma_start3A_41 = arith.constant 0 : i32
      %dma_start3A_42 = arith.constant 0 : i32
      %dma_start3A_43 = tpu.memref_slice %arg2[%dma_start3A_41, %dma_start3A_42] : memref<100001x128xf32, #tpu.memory_space<hbm>> -> memref<100001x128xf32, #tpu.memory_space<hbm>>
      tpu.enqueue_indirect_dma source(%dma_start3A_43 : memref<100001x128xf32, #tpu.memory_space<hbm>>) target(%arg6 : memref<120x128xf32, #tpu.memory_space<vmem>>) offsets(%dma_start3A_40 : memref<120xi32, #tpu.memory_space<vmem>>) semaphore(%arg9 : memref<!tpu.dma_semaphore, #tpu.memory_space<semaphore_mem>>)
      %gt3A_44 = arith.constant 0 : i32
      %gt3A_45 = arith.cmpi sgt, %scan3A_31, %gt3A_44 : i32
      %convert_element_type3A_46 = arith.extui %gt3A_45 : i1 to i32
      %cond3A_47 = arith.constant 0 : i32
      %cond3A_48 = arith.cmpi ne, %convert_element_type3A_46, %cond3A_47 : i32
      scf.if %cond3A_48 {
        %dma_wait3A_106 = arith.constant 0 : i32
        %dma_wait3A_107 = tpu.memref_slice %arg5[%dma_wait3A_106] : memref<1440xi32, #tpu.memory_space<vmem>> -> memref<120xi32, #tpu.memory_space<vmem>>
        %dma_wait3A_108 = arith.constant 0 : i32
        %dma_wait3A_109 = arith.constant 0 : i32
        %dma_wait3A_110 = tpu.memref_slice %arg2[%dma_wait3A_108, %dma_wait3A_109] : memref<100001x128xf32, #tpu.memory_space<hbm>> -> memref<100001x128xf32, #tpu.memory_space<hbm>>
        tpu.wait_indirect_dma semaphore(%arg11 : memref<!tpu.dma_semaphore, #tpu.memory_space<semaphore_mem>>) src(%dma_wait3A_110 : memref<100001x128xf32, #tpu.memory_space<hbm>>) dst(%arg8 : memref<120x128xf32, #tpu.memory_space<vmem>>)
        %mul3A_111 = arith.constant 3 : i32
        %mul3A_112 = arith.muli %mul3A_111, %scan3A_31 : i32
        %sub3A_113 = arith.constant 1 : i32
        %sub3A_114 = arith.subi %mul3A_112, %sub3A_113 : i32
        %mul3A_115 = arith.constant 120 : i32
        %mul3A_116 = arith.muli %sub3A_114, %mul3A_115 : i32
        %add3A_117 = arith.addi %mul3A_2, %mul3A_116 : i32
        %dma_start3A_118 = arith.constant 0 : i32
        %dma_start3A_119 = tpu.memref_slice %arg4[%add3A_117, %dma_start3A_118] : memref<46080x128xf32, #tpu.memory_space<hbm>> -> memref<120x128xf32, #tpu.memory_space<hbm>>
        %dma_start3A_120 = arith.constant 0 : i32
        %dma_start3A_121 = tpu.memref_slice %arg4[%add3A_117, %dma_start3A_120] : memref<46080x128xf32, #tpu.memory_space<hbm>> -> memref<120x128xf32, #tpu.memory_space<hbm>>
        tpu.enqueue_dma source(%arg8 : memref<120x128xf32, #tpu.memory_space<vmem>>) target(%dma_start3A_121 : memref<120x128xf32, #tpu.memory_space<hbm>>) target_semaphore(%arg14 : memref<!tpu.dma_semaphore, #tpu.memory_space<semaphore_mem>>)
      } else {
      }
      %mul3A_49 = arith.constant 3 : i32
      %mul3A_50 = arith.muli %mul3A_49, %scan3A_31 : i32
      %add3A_51 = arith.constant 1 : i32
      %add3A_52 = arith.addi %mul3A_50, %add3A_51 : i32
      %gt3A_53 = arith.constant 0 : i32
      %gt3A_54 = arith.cmpi sgt, %scan3A_31, %gt3A_53 : i32
      %convert_element_type3A_55 = arith.extui %gt3A_54 : i1 to i32
      %cond3A_56 = arith.constant 0 : i32
      %cond3A_57 = arith.cmpi ne, %convert_element_type3A_55, %cond3A_56 : i32
      scf.if %cond3A_57 {
        %dma_wait3A_106 = arith.constant 0 : i32
        %dma_wait3A_107 = tpu.memref_slice %arg4[%mul3A_2, %dma_wait3A_106] : memref<46080x128xf32, #tpu.memory_space<hbm>> -> memref<120x128xf32, #tpu.memory_space<hbm>>
        %dma_wait3A_108 = arith.constant 0 : i32
        %dma_wait3A_109 = tpu.memref_slice %arg4[%mul3A_2, %dma_wait3A_108] : memref<46080x128xf32, #tpu.memory_space<hbm>> -> memref<120x128xf32, #tpu.memory_space<hbm>>
        tpu.wait_dma2 semaphore(%arg13 : memref<!tpu.dma_semaphore, #tpu.memory_space<semaphore_mem>>) src(%arg7 : memref<120x128xf32, #tpu.memory_space<vmem>>) dst(%dma_wait3A_109 : memref<120x128xf32, #tpu.memory_space<hbm>>)
      } else {
      }
      %mul3A_58 = arith.constant 120 : i32
      %mul3A_59 = arith.muli %add3A_52, %mul3A_58 : i32
      %dma_start3A_60 = tpu.memref_slice %arg5[%mul3A_59] : memref<1440xi32, #tpu.memory_space<vmem>> -> memref<120xi32, #tpu.memory_space<vmem>>
      %dma_start3A_61 = arith.constant 0 : i32
      %dma_start3A_62 = arith.constant 0 : i32
      %dma_start3A_63 = tpu.memref_slice %arg2[%dma_start3A_61, %dma_start3A_62] : memref<100001x128xf32, #tpu.memory_space<hbm>> -> memref<100001x128xf32, #tpu.memory_space<hbm>>
      tpu.enqueue_indirect_dma source(%dma_start3A_63 : memref<100001x128xf32, #tpu.memory_space<hbm>>) target(%arg7 : memref<120x128xf32, #tpu.memory_space<vmem>>) offsets(%dma_start3A_60 : memref<120xi32, #tpu.memory_space<vmem>>) semaphore(%arg10 : memref<!tpu.dma_semaphore, #tpu.memory_space<semaphore_mem>>)
      %dma_wait3A_64 = arith.constant 0 : i32
      %dma_wait3A_65 = tpu.memref_slice %arg5[%dma_wait3A_64] : memref<1440xi32, #tpu.memory_space<vmem>> -> memref<120xi32, #tpu.memory_space<vmem>>
      %dma_wait3A_66 = arith.constant 0 : i32
      %dma_wait3A_67 = arith.constant 0 : i32
      %dma_wait3A_68 = tpu.memref_slice %arg2[%dma_wait3A_66, %dma_wait3A_67] : memref<100001x128xf32, #tpu.memory_space<hbm>> -> memref<100001x128xf32, #tpu.memory_space<hbm>>
      tpu.wait_indirect_dma semaphore(%arg9 : memref<!tpu.dma_semaphore, #tpu.memory_space<semaphore_mem>>) src(%dma_wait3A_68 : memref<100001x128xf32, #tpu.memory_space<hbm>>) dst(%arg6 : memref<120x128xf32, #tpu.memory_space<vmem>>)
      %sub3A = arith.constant 1 : i32
      %sub3A_69 = arith.subi %add3A_52, %sub3A : i32
      %mul3A_70 = arith.constant 120 : i32
      %mul3A_71 = arith.muli %sub3A_69, %mul3A_70 : i32
      %add3A_72 = arith.addi %mul3A_2, %mul3A_71 : i32
      %dma_start3A_73 = arith.constant 0 : i32
      %dma_start3A_74 = tpu.memref_slice %arg4[%add3A_72, %dma_start3A_73] : memref<46080x128xf32, #tpu.memory_space<hbm>> -> memref<120x128xf32, #tpu.memory_space<hbm>>
      %dma_start3A_75 = arith.constant 0 : i32
      %dma_start3A_76 = tpu.memref_slice %arg4[%add3A_72, %dma_start3A_75] : memref<46080x128xf32, #tpu.memory_space<hbm>> -> memref<120x128xf32, #tpu.memory_space<hbm>>
      tpu.enqueue_dma source(%arg6 : memref<120x128xf32, #tpu.memory_space<vmem>>) target(%dma_start3A_76 : memref<120x128xf32, #tpu.memory_space<hbm>>) target_semaphore(%arg12 : memref<!tpu.dma_semaphore, #tpu.memory_space<semaphore_mem>>)
      %mul3A_77 = arith.constant 3 : i32
      %mul3A_78 = arith.muli %mul3A_77, %scan3A_31 : i32
      %add3A_79 = arith.constant 2 : i32
      %add3A_80 = arith.addi %mul3A_78, %add3A_79 : i32
      %gt3A_81 = arith.constant 0 : i32
      %gt3A_82 = arith.cmpi sgt, %scan3A_31, %gt3A_81 : i32
      %convert_element_type3A_83 = arith.extui %gt3A_82 : i1 to i32
      %cond3A_84 = arith.constant 0 : i32
      %cond3A_85 = arith.cmpi ne, %convert_element_type3A_83, %cond3A_84 : i32
      scf.if %cond3A_85 {
        %dma_wait3A_106 = arith.constant 0 : i32
        %dma_wait3A_107 = tpu.memref_slice %arg4[%mul3A_2, %dma_wait3A_106] : memref<46080x128xf32, #tpu.memory_space<hbm>> -> memref<120x128xf32, #tpu.memory_space<hbm>>
        %dma_wait3A_108 = arith.constant 0 : i32
        %dma_wait3A_109 = tpu.memref_slice %arg4[%mul3A_2, %dma_wait3A_108] : memref<46080x128xf32, #tpu.memory_space<hbm>> -> memref<120x128xf32, #tpu.memory_space<hbm>>
        tpu.wait_dma2 semaphore(%arg14 : memref<!tpu.dma_semaphore, #tpu.memory_space<semaphore_mem>>) src(%arg8 : memref<120x128xf32, #tpu.memory_space<vmem>>) dst(%dma_wait3A_109 : memref<120x128xf32, #tpu.memory_space<hbm>>)
      } else {
      }
      %mul3A_86 = arith.constant 120 : i32
      %mul3A_87 = arith.muli %add3A_80, %mul3A_86 : i32
      %dma_start3A_88 = tpu.memref_slice %arg5[%mul3A_87] : memref<1440xi32, #tpu.memory_space<vmem>> -> memref<120xi32, #tpu.memory_space<vmem>>
      %dma_start3A_89 = arith.constant 0 : i32
      %dma_start3A_90 = arith.constant 0 : i32
      %dma_start3A_91 = tpu.memref_slice %arg2[%dma_start3A_89, %dma_start3A_90] : memref<100001x128xf32, #tpu.memory_space<hbm>> -> memref<100001x128xf32, #tpu.memory_space<hbm>>
      tpu.enqueue_indirect_dma source(%dma_start3A_91 : memref<100001x128xf32, #tpu.memory_space<hbm>>) target(%arg8 : memref<120x128xf32, #tpu.memory_space<vmem>>) offsets(%dma_start3A_88 : memref<120xi32, #tpu.memory_space<vmem>>) semaphore(%arg11 : memref<!tpu.dma_semaphore, #tpu.memory_space<semaphore_mem>>)
      %dma_wait3A_92 = arith.constant 0 : i32
      %dma_wait3A_93 = tpu.memref_slice %arg5[%dma_wait3A_92] : memref<1440xi32, #tpu.memory_space<vmem>> -> memref<120xi32, #tpu.memory_space<vmem>>
      %dma_wait3A_94 = arith.constant 0 : i32
      %dma_wait3A_95 = arith.constant 0 : i32
      %dma_wait3A_96 = tpu.memref_slice %arg2[%dma_wait3A_94, %dma_wait3A_95] : memref<100001x128xf32, #tpu.memory_space<hbm>> -> memref<100001x128xf32, #tpu.memory_space<hbm>>
      tpu.wait_indirect_dma semaphore(%arg10 : memref<!tpu.dma_semaphore, #tpu.memory_space<semaphore_mem>>) src(%dma_wait3A_96 : memref<100001x128xf32, #tpu.memory_space<hbm>>) dst(%arg7 : memref<120x128xf32, #tpu.memory_space<vmem>>)
      %sub3A_97 = arith.constant 1 : i32
      %sub3A_98 = arith.subi %add3A_80, %sub3A_97 : i32
      %mul3A_99 = arith.constant 120 : i32
      %mul3A_100 = arith.muli %sub3A_98, %mul3A_99 : i32
      %add3A_101 = arith.addi %mul3A_2, %mul3A_100 : i32
      %dma_start3A_102 = arith.constant 0 : i32
      %dma_start3A_103 = tpu.memref_slice %arg4[%add3A_101, %dma_start3A_102] : memref<46080x128xf32, #tpu.memory_space<hbm>> -> memref<120x128xf32, #tpu.memory_space<hbm>>
      %dma_start3A_104 = arith.constant 0 : i32
      %dma_start3A_105 = tpu.memref_slice %arg4[%add3A_101, %dma_start3A_104] : memref<46080x128xf32, #tpu.memory_space<hbm>> -> memref<120x128xf32, #tpu.memory_space<hbm>>
      tpu.enqueue_dma source(%arg7 : memref<120x128xf32, #tpu.memory_space<vmem>>) target(%dma_start3A_105 : memref<120x128xf32, #tpu.memory_space<hbm>>) target_semaphore(%arg13 : memref<!tpu.dma_semaphore, #tpu.memory_space<semaphore_mem>>)
    }
    %scan3A_9 = arith.constant 4 : i32
    %dma_wait3A = arith.constant 0 : i32
    %dma_wait3A_10 = tpu.memref_slice %arg5[%dma_wait3A] : memref<1440xi32, #tpu.memory_space<vmem>> -> memref<120xi32, #tpu.memory_space<vmem>>
    %dma_wait3A_11 = arith.constant 0 : i32
    %dma_wait3A_12 = arith.constant 0 : i32
    %dma_wait3A_13 = tpu.memref_slice %arg2[%dma_wait3A_11, %dma_wait3A_12] : memref<100001x128xf32, #tpu.memory_space<hbm>> -> memref<100001x128xf32, #tpu.memory_space<hbm>>
    tpu.wait_indirect_dma semaphore(%arg11 : memref<!tpu.dma_semaphore, #tpu.memory_space<semaphore_mem>>) src(%dma_wait3A_13 : memref<100001x128xf32, #tpu.memory_space<hbm>>) dst(%arg8 : memref<120x128xf32, #tpu.memory_space<vmem>>)
    %add3A_14 = arith.constant 1320 : i32
    %add3A_15 = arith.addi %mul3A_2, %add3A_14 : i32
    %dma_start3A = arith.constant 0 : i32
    %dma_start3A_16 = tpu.memref_slice %arg4[%add3A_15, %dma_start3A] : memref<46080x128xf32, #tpu.memory_space<hbm>> -> memref<120x128xf32, #tpu.memory_space<hbm>>
    %dma_start3A_17 = arith.constant 0 : i32
    %dma_start3A_18 = tpu.memref_slice %arg4[%add3A_15, %dma_start3A_17] : memref<46080x128xf32, #tpu.memory_space<hbm>> -> memref<120x128xf32, #tpu.memory_space<hbm>>
    tpu.enqueue_dma source(%arg8 : memref<120x128xf32, #tpu.memory_space<vmem>>) target(%dma_start3A_18 : memref<120x128xf32, #tpu.memory_space<hbm>>) target_semaphore(%arg14 : memref<!tpu.dma_semaphore, #tpu.memory_space<semaphore_mem>>)
    %dma_wait3A_19 = arith.constant 0 : i32
    %dma_wait3A_20 = tpu.memref_slice %arg4[%mul3A_2, %dma_wait3A_19] : memref<46080x128xf32, #tpu.memory_space<hbm>> -> memref<120x128xf32, #tpu.memory_space<hbm>>
    %dma_wait3A_21 = arith.constant 0 : i32
    %dma_wait3A_22 = tpu.memref_slice %arg4[%mul3A_2, %dma_wait3A_21] : memref<46080x128xf32, #tpu.memory_space<hbm>> -> memref<120x128xf32, #tpu.memory_space<hbm>>
    tpu.wait_dma2 semaphore(%arg12 : memref<!tpu.dma_semaphore, #tpu.memory_space<semaphore_mem>>) src(%arg6 : memref<120x128xf32, #tpu.memory_space<vmem>>) dst(%dma_wait3A_22 : memref<120x128xf32, #tpu.memory_space<hbm>>)
    %dma_wait3A_23 = arith.constant 0 : i32
    %dma_wait3A_24 = tpu.memref_slice %arg4[%mul3A_2, %dma_wait3A_23] : memref<46080x128xf32, #tpu.memory_space<hbm>> -> memref<120x128xf32, #tpu.memory_space<hbm>>
    %dma_wait3A_25 = arith.constant 0 : i32
    %dma_wait3A_26 = tpu.memref_slice %arg4[%mul3A_2, %dma_wait3A_25] : memref<46080x128xf32, #tpu.memory_space<hbm>> -> memref<120x128xf32, #tpu.memory_space<hbm>>
    tpu.wait_dma2 semaphore(%arg13 : memref<!tpu.dma_semaphore, #tpu.memory_space<semaphore_mem>>) src(%arg7 : memref<120x128xf32, #tpu.memory_space<vmem>>) dst(%dma_wait3A_26 : memref<120x128xf32, #tpu.memory_space<hbm>>)
    %dma_wait3A_27 = arith.constant 0 : i32
    %dma_wait3A_28 = tpu.memref_slice %arg4[%mul3A_2, %dma_wait3A_27] : memref<46080x128xf32, #tpu.memory_space<hbm>> -> memref<120x128xf32, #tpu.memory_space<hbm>>
    %dma_wait3A_29 = arith.constant 0 : i32
    %dma_wait3A_30 = tpu.memref_slice %arg4[%mul3A_2, %dma_wait3A_29] : memref<46080x128xf32, #tpu.memory_space<hbm>> -> memref<120x128xf32, #tpu.memory_space<hbm>>
    tpu.wait_dma2 semaphore(%arg14 : memref<!tpu.dma_semaphore, #tpu.memory_space<semaphore_mem>>) src(%arg8 : memref<120x128xf32, #tpu.memory_space<vmem>>) dst(%dma_wait3A_30 : memref<120x128xf32, #tpu.memory_space<hbm>>)
    return
  }
}

#map = affine_map<(d0, d1) -> (0, 0)>
#map1 = affine_map<(d0, d1) -> (0)>
module attributes {stable_mosaic.version = 14 : i64} {
  func.func @gather_kernel(%arg0: i32, %arg1: i32, %arg2: memref<100001x128xf32, #tpu.memory_space<hbm>>, %arg3: memref<184320xi32, #tpu.memory_space<hbm>>, %arg4: memref<46080x128xf32, #tpu.memory_space<hbm>>, %arg5: memref<1440xi32, #tpu.memory_space<vmem>>, %arg6: memref<120x128xf32, #tpu.memory_space<vmem>>, %arg7: memref<120x128xf32, #tpu.memory_space<vmem>>, %arg8: memref<120x128xf32, #tpu.memory_space<vmem>>, %arg9: memref<!tpu.dma_semaphore, #tpu.memory_space<semaphore_mem>>, %arg10: memref<!tpu.dma_semaphore, #tpu.memory_space<semaphore_mem>>, %arg11: memref<!tpu.dma_semaphore, #tpu.memory_space<semaphore_mem>>, %arg12: memref<!tpu.dma_semaphore, #tpu.memory_space<semaphore_mem>>, %arg13: memref<!tpu.dma_semaphore, #tpu.memory_space<semaphore_mem>>, %arg14: memref<!tpu.dma_semaphore, #tpu.memory_space<semaphore_mem>>) attributes {dimension_semantics = [#tpu.dimension_semantics<core_parallel>, #tpu.dimension_semantics<subcore_parallel>], iteration_bounds = array<i64: 2, 16>, scalar_prefetch = 0 : i64, scratch_operands = 10 : i64, tpu.core_type = #tpu.core_type<sc_vector_subcore>, window_params = [{transform_indices = #map}, {transform_indices = #map1}, {transform_indices = #map}]} {
    %mul3A = arith.constant 2 : i32
    %mul3A_0 = arith.muli %arg1, %mul3A : i32
    %add3A = arith.addi %mul3A_0, %arg0 : i32
    %mul3A_1 = arith.constant 1440 : i32
    %mul3A_2 = arith.muli %add3A, %mul3A_1 : i32
    %add3A_3 = arith.constant 138240 : i32
    %add3A_4 = arith.addi %add3A_3, %mul3A_2 : i32
    "tpu.region"() ({
      %run_scoped3A = tpu.sem_alloc : memref<!tpu.dma_semaphore, #tpu.memory_space<semaphore_mem>>
      %dma_start3A_31 = tpu.memref_slice %arg3[%add3A_4] : memref<184320xi32, #tpu.memory_space<hbm>> -> memref<1440xi32, #tpu.memory_space<hbm>>
      %dma_start3A_32 = tpu.memref_slice %arg3[%add3A_4] : memref<184320xi32, #tpu.memory_space<hbm>> -> memref<1440xi32, #tpu.memory_space<hbm>>
      tpu.enqueue_dma source(%dma_start3A_32 : memref<1440xi32, #tpu.memory_space<hbm>>) target(%arg5 : memref<1440xi32, #tpu.memory_space<vmem>>) target_semaphore(%run_scoped3A : memref<!tpu.dma_semaphore, #tpu.memory_space<semaphore_mem>>)
      %dma_wait3A_33 = tpu.memref_slice %arg3[%add3A_4] : memref<184320xi32, #tpu.memory_space<hbm>> -> memref<1440xi32, #tpu.memory_space<hbm>>
      %dma_wait3A_34 = tpu.memref_slice %arg3[%add3A_4] : memref<184320xi32, #tpu.memory_space<hbm>> -> memref<1440xi32, #tpu.memory_space<hbm>>
      tpu.wait_dma2 semaphore(%run_scoped3A : memref<!tpu.dma_semaphore, #tpu.memory_space<semaphore_mem>>) src(%dma_wait3A_34 : memref<1440xi32, #tpu.memory_space<hbm>>) dst(%arg5 : memref<1440xi32, #tpu.memory_space<vmem>>)
      tpu.yield
    }) : () -> ()
    %scan3A = arith.constant 0 : i32
    %scan3A_5 = arith.constant 0 : i32
    %scan3A_6 = arith.constant 4 : i32
    %scan3A_7 = arith.addi %scan3A_5, %scan3A_6 : i32
    %scan3A_8 = arith.constant 1 : i32
    scf.for %scan3A_31 = %scan3A_5 to %scan3A_7 step %scan3A_8  : i32 {
      %mul3A_32 = arith.constant 3 : i32
      %mul3A_33 = arith.muli %mul3A_32, %scan3A_31 : i32
      %add3A_34 = arith.constant 0 : i32
      %add3A_35 = arith.addi %mul3A_33, %add3A_34 : i32
      %gt3A = arith.constant 0 : i32
      %gt3A_36 = arith.cmpi sgt, %scan3A_31, %gt3A : i32
      %convert_element_type3A = arith.extui %gt3A_36 : i1 to i32
      %cond3A = arith.constant 0 : i32
      %cond3A_37 = arith.cmpi ne, %convert_element_type3A, %cond3A : i32
      scf.if %cond3A_37 {
        %dma_wait3A_106 = arith.constant 0 : i32
        %dma_wait3A_107 = tpu.memref_slice %arg4[%mul3A_2, %dma_wait3A_106] : memref<46080x128xf32, #tpu.memory_space<hbm>> -> memref<120x128xf32, #tpu.memory_space<hbm>>
        %dma_wait3A_108 = arith.constant 0 : i32
        %dma_wait3A_109 = tpu.memref_slice %arg4[%mul3A_2, %dma_wait3A_108] : memref<46080x128xf32, #tpu.memory_space<hbm>> -> memref<120x128xf32, #tpu.memory_space<hbm>>
        tpu.wait_dma2 semaphore(%arg12 : memref<!tpu.dma_semaphore, #tpu.memory_space<semaphore_mem>>) src(%arg6 : memref<120x128xf32, #tpu.memory_space<vmem>>) dst(%dma_wait3A_109 : memref<120x128xf32, #tpu.memory_space<hbm>>)
      } else {
      }
      %mul3A_38 = arith.constant 120 : i32
      %mul3A_39 = arith.muli %add3A_35, %mul3A_38 : i32
      %dma_start3A_40 = tpu.memref_slice %arg5[%mul3A_39] : memref<1440xi32, #tpu.memory_space<vmem>> -> memref<120xi32, #tpu.memory_space<vmem>>
      %dma_start3A_41 = arith.constant 0 : i32
      %dma_start3A_42 = arith.constant 0 : i32
      %dma_start3A_43 = tpu.memref_slice %arg2[%dma_start3A_41, %dma_start3A_42] : memref<100001x128xf32, #tpu.memory_space<hbm>> -> memref<100001x128xf32, #tpu.memory_space<hbm>>
      tpu.enqueue_indirect_dma source(%dma_start3A_43 : memref<100001x128xf32, #tpu.memory_space<hbm>>) target(%arg6 : memref<120x128xf32, #tpu.memory_space<vmem>>) offsets(%dma_start3A_40 : memref<120xi32, #tpu.memory_space<vmem>>) semaphore(%arg9 : memref<!tpu.dma_semaphore, #tpu.memory_space<semaphore_mem>>)
      %gt3A_44 = arith.constant 0 : i32
      %gt3A_45 = arith.cmpi sgt, %scan3A_31, %gt3A_44 : i32
      %convert_element_type3A_46 = arith.extui %gt3A_45 : i1 to i32
      %cond3A_47 = arith.constant 0 : i32
      %cond3A_48 = arith.cmpi ne, %convert_element_type3A_46, %cond3A_47 : i32
      scf.if %cond3A_48 {
        %dma_wait3A_106 = arith.constant 0 : i32
        %dma_wait3A_107 = tpu.memref_slice %arg5[%dma_wait3A_106] : memref<1440xi32, #tpu.memory_space<vmem>> -> memref<120xi32, #tpu.memory_space<vmem>>
        %dma_wait3A_108 = arith.constant 0 : i32
        %dma_wait3A_109 = arith.constant 0 : i32
        %dma_wait3A_110 = tpu.memref_slice %arg2[%dma_wait3A_108, %dma_wait3A_109] : memref<100001x128xf32, #tpu.memory_space<hbm>> -> memref<100001x128xf32, #tpu.memory_space<hbm>>
        tpu.wait_indirect_dma semaphore(%arg11 : memref<!tpu.dma_semaphore, #tpu.memory_space<semaphore_mem>>) src(%dma_wait3A_110 : memref<100001x128xf32, #tpu.memory_space<hbm>>) dst(%arg8 : memref<120x128xf32, #tpu.memory_space<vmem>>)
        %mul3A_111 = arith.constant 3 : i32
        %mul3A_112 = arith.muli %mul3A_111, %scan3A_31 : i32
        %sub3A_113 = arith.constant 1 : i32
        %sub3A_114 = arith.subi %mul3A_112, %sub3A_113 : i32
        %mul3A_115 = arith.constant 120 : i32
        %mul3A_116 = arith.muli %sub3A_114, %mul3A_115 : i32
        %add3A_117 = arith.addi %mul3A_2, %mul3A_116 : i32
        %dma_start3A_118 = arith.constant 0 : i32
        %dma_start3A_119 = tpu.memref_slice %arg4[%add3A_117, %dma_start3A_118] : memref<46080x128xf32, #tpu.memory_space<hbm>> -> memref<120x128xf32, #tpu.memory_space<hbm>>
        %dma_start3A_120 = arith.constant 0 : i32
        %dma_start3A_121 = tpu.memref_slice %arg4[%add3A_117, %dma_start3A_120] : memref<46080x128xf32, #tpu.memory_space<hbm>> -> memref<120x128xf32, #tpu.memory_space<hbm>>
        tpu.enqueue_dma source(%arg8 : memref<120x128xf32, #tpu.memory_space<vmem>>) target(%dma_start3A_121 : memref<120x128xf32, #tpu.memory_space<hbm>>) target_semaphore(%arg14 : memref<!tpu.dma_semaphore, #tpu.memory_space<semaphore_mem>>)
      } else {
      }
      %mul3A_49 = arith.constant 3 : i32
      %mul3A_50 = arith.muli %mul3A_49, %scan3A_31 : i32
      %add3A_51 = arith.constant 1 : i32
      %add3A_52 = arith.addi %mul3A_50, %add3A_51 : i32
      %gt3A_53 = arith.constant 0 : i32
      %gt3A_54 = arith.cmpi sgt, %scan3A_31, %gt3A_53 : i32
      %convert_element_type3A_55 = arith.extui %gt3A_54 : i1 to i32
      %cond3A_56 = arith.constant 0 : i32
      %cond3A_57 = arith.cmpi ne, %convert_element_type3A_55, %cond3A_56 : i32
      scf.if %cond3A_57 {
        %dma_wait3A_106 = arith.constant 0 : i32
        %dma_wait3A_107 = tpu.memref_slice %arg4[%mul3A_2, %dma_wait3A_106] : memref<46080x128xf32, #tpu.memory_space<hbm>> -> memref<120x128xf32, #tpu.memory_space<hbm>>
        %dma_wait3A_108 = arith.constant 0 : i32
        %dma_wait3A_109 = tpu.memref_slice %arg4[%mul3A_2, %dma_wait3A_108] : memref<46080x128xf32, #tpu.memory_space<hbm>> -> memref<120x128xf32, #tpu.memory_space<hbm>>
        tpu.wait_dma2 semaphore(%arg13 : memref<!tpu.dma_semaphore, #tpu.memory_space<semaphore_mem>>) src(%arg7 : memref<120x128xf32, #tpu.memory_space<vmem>>) dst(%dma_wait3A_109 : memref<120x128xf32, #tpu.memory_space<hbm>>)
      } else {
      }
      %mul3A_58 = arith.constant 120 : i32
      %mul3A_59 = arith.muli %add3A_52, %mul3A_58 : i32
      %dma_start3A_60 = tpu.memref_slice %arg5[%mul3A_59] : memref<1440xi32, #tpu.memory_space<vmem>> -> memref<120xi32, #tpu.memory_space<vmem>>
      %dma_start3A_61 = arith.constant 0 : i32
      %dma_start3A_62 = arith.constant 0 : i32
      %dma_start3A_63 = tpu.memref_slice %arg2[%dma_start3A_61, %dma_start3A_62] : memref<100001x128xf32, #tpu.memory_space<hbm>> -> memref<100001x128xf32, #tpu.memory_space<hbm>>
      tpu.enqueue_indirect_dma source(%dma_start3A_63 : memref<100001x128xf32, #tpu.memory_space<hbm>>) target(%arg7 : memref<120x128xf32, #tpu.memory_space<vmem>>) offsets(%dma_start3A_60 : memref<120xi32, #tpu.memory_space<vmem>>) semaphore(%arg10 : memref<!tpu.dma_semaphore, #tpu.memory_space<semaphore_mem>>)
      %dma_wait3A_64 = arith.constant 0 : i32
      %dma_wait3A_65 = tpu.memref_slice %arg5[%dma_wait3A_64] : memref<1440xi32, #tpu.memory_space<vmem>> -> memref<120xi32, #tpu.memory_space<vmem>>
      %dma_wait3A_66 = arith.constant 0 : i32
      %dma_wait3A_67 = arith.constant 0 : i32
      %dma_wait3A_68 = tpu.memref_slice %arg2[%dma_wait3A_66, %dma_wait3A_67] : memref<100001x128xf32, #tpu.memory_space<hbm>> -> memref<100001x128xf32, #tpu.memory_space<hbm>>
      tpu.wait_indirect_dma semaphore(%arg9 : memref<!tpu.dma_semaphore, #tpu.memory_space<semaphore_mem>>) src(%dma_wait3A_68 : memref<100001x128xf32, #tpu.memory_space<hbm>>) dst(%arg6 : memref<120x128xf32, #tpu.memory_space<vmem>>)
      %sub3A = arith.constant 1 : i32
      %sub3A_69 = arith.subi %add3A_52, %sub3A : i32
      %mul3A_70 = arith.constant 120 : i32
      %mul3A_71 = arith.muli %sub3A_69, %mul3A_70 : i32
      %add3A_72 = arith.addi %mul3A_2, %mul3A_71 : i32
      %dma_start3A_73 = arith.constant 0 : i32
      %dma_start3A_74 = tpu.memref_slice %arg4[%add3A_72, %dma_start3A_73] : memref<46080x128xf32, #tpu.memory_space<hbm>> -> memref<120x128xf32, #tpu.memory_space<hbm>>
      %dma_start3A_75 = arith.constant 0 : i32
      %dma_start3A_76 = tpu.memref_slice %arg4[%add3A_72, %dma_start3A_75] : memref<46080x128xf32, #tpu.memory_space<hbm>> -> memref<120x128xf32, #tpu.memory_space<hbm>>
      tpu.enqueue_dma source(%arg6 : memref<120x128xf32, #tpu.memory_space<vmem>>) target(%dma_start3A_76 : memref<120x128xf32, #tpu.memory_space<hbm>>) target_semaphore(%arg12 : memref<!tpu.dma_semaphore, #tpu.memory_space<semaphore_mem>>)
      %mul3A_77 = arith.constant 3 : i32
      %mul3A_78 = arith.muli %mul3A_77, %scan3A_31 : i32
      %add3A_79 = arith.constant 2 : i32
      %add3A_80 = arith.addi %mul3A_78, %add3A_79 : i32
      %gt3A_81 = arith.constant 0 : i32
      %gt3A_82 = arith.cmpi sgt, %scan3A_31, %gt3A_81 : i32
      %convert_element_type3A_83 = arith.extui %gt3A_82 : i1 to i32
      %cond3A_84 = arith.constant 0 : i32
      %cond3A_85 = arith.cmpi ne, %convert_element_type3A_83, %cond3A_84 : i32
      scf.if %cond3A_85 {
        %dma_wait3A_106 = arith.constant 0 : i32
        %dma_wait3A_107 = tpu.memref_slice %arg4[%mul3A_2, %dma_wait3A_106] : memref<46080x128xf32, #tpu.memory_space<hbm>> -> memref<120x128xf32, #tpu.memory_space<hbm>>
        %dma_wait3A_108 = arith.constant 0 : i32
        %dma_wait3A_109 = tpu.memref_slice %arg4[%mul3A_2, %dma_wait3A_108] : memref<46080x128xf32, #tpu.memory_space<hbm>> -> memref<120x128xf32, #tpu.memory_space<hbm>>
        tpu.wait_dma2 semaphore(%arg14 : memref<!tpu.dma_semaphore, #tpu.memory_space<semaphore_mem>>) src(%arg8 : memref<120x128xf32, #tpu.memory_space<vmem>>) dst(%dma_wait3A_109 : memref<120x128xf32, #tpu.memory_space<hbm>>)
      } else {
      }
      %mul3A_86 = arith.constant 120 : i32
      %mul3A_87 = arith.muli %add3A_80, %mul3A_86 : i32
      %dma_start3A_88 = tpu.memref_slice %arg5[%mul3A_87] : memref<1440xi32, #tpu.memory_space<vmem>> -> memref<120xi32, #tpu.memory_space<vmem>>
      %dma_start3A_89 = arith.constant 0 : i32
      %dma_start3A_90 = arith.constant 0 : i32
      %dma_start3A_91 = tpu.memref_slice %arg2[%dma_start3A_89, %dma_start3A_90] : memref<100001x128xf32, #tpu.memory_space<hbm>> -> memref<100001x128xf32, #tpu.memory_space<hbm>>
      tpu.enqueue_indirect_dma source(%dma_start3A_91 : memref<100001x128xf32, #tpu.memory_space<hbm>>) target(%arg8 : memref<120x128xf32, #tpu.memory_space<vmem>>) offsets(%dma_start3A_88 : memref<120xi32, #tpu.memory_space<vmem>>) semaphore(%arg11 : memref<!tpu.dma_semaphore, #tpu.memory_space<semaphore_mem>>)
      %dma_wait3A_92 = arith.constant 0 : i32
      %dma_wait3A_93 = tpu.memref_slice %arg5[%dma_wait3A_92] : memref<1440xi32, #tpu.memory_space<vmem>> -> memref<120xi32, #tpu.memory_space<vmem>>
      %dma_wait3A_94 = arith.constant 0 : i32
      %dma_wait3A_95 = arith.constant 0 : i32
      %dma_wait3A_96 = tpu.memref_slice %arg2[%dma_wait3A_94, %dma_wait3A_95] : memref<100001x128xf32, #tpu.memory_space<hbm>> -> memref<100001x128xf32, #tpu.memory_space<hbm>>
      tpu.wait_indirect_dma semaphore(%arg10 : memref<!tpu.dma_semaphore, #tpu.memory_space<semaphore_mem>>) src(%dma_wait3A_96 : memref<100001x128xf32, #tpu.memory_space<hbm>>) dst(%arg7 : memref<120x128xf32, #tpu.memory_space<vmem>>)
      %sub3A_97 = arith.constant 1 : i32
      %sub3A_98 = arith.subi %add3A_80, %sub3A_97 : i32
      %mul3A_99 = arith.constant 120 : i32
      %mul3A_100 = arith.muli %sub3A_98, %mul3A_99 : i32
      %add3A_101 = arith.addi %mul3A_2, %mul3A_100 : i32
      %dma_start3A_102 = arith.constant 0 : i32
      %dma_start3A_103 = tpu.memref_slice %arg4[%add3A_101, %dma_start3A_102] : memref<46080x128xf32, #tpu.memory_space<hbm>> -> memref<120x128xf32, #tpu.memory_space<hbm>>
      %dma_start3A_104 = arith.constant 0 : i32
      %dma_start3A_105 = tpu.memref_slice %arg4[%add3A_101, %dma_start3A_104] : memref<46080x128xf32, #tpu.memory_space<hbm>> -> memref<120x128xf32, #tpu.memory_space<hbm>>
      tpu.enqueue_dma source(%arg7 : memref<120x128xf32, #tpu.memory_space<vmem>>) target(%dma_start3A_105 : memref<120x128xf32, #tpu.memory_space<hbm>>) target_semaphore(%arg13 : memref<!tpu.dma_semaphore, #tpu.memory_space<semaphore_mem>>)
    }
    %scan3A_9 = arith.constant 4 : i32
    %dma_wait3A = arith.constant 0 : i32
    %dma_wait3A_10 = tpu.memref_slice %arg5[%dma_wait3A] : memref<1440xi32, #tpu.memory_space<vmem>> -> memref<120xi32, #tpu.memory_space<vmem>>
    %dma_wait3A_11 = arith.constant 0 : i32
    %dma_wait3A_12 = arith.constant 0 : i32
    %dma_wait3A_13 = tpu.memref_slice %arg2[%dma_wait3A_11, %dma_wait3A_12] : memref<100001x128xf32, #tpu.memory_space<hbm>> -> memref<100001x128xf32, #tpu.memory_space<hbm>>
    tpu.wait_indirect_dma semaphore(%arg11 : memref<!tpu.dma_semaphore, #tpu.memory_space<semaphore_mem>>) src(%dma_wait3A_13 : memref<100001x128xf32, #tpu.memory_space<hbm>>) dst(%arg8 : memref<120x128xf32, #tpu.memory_space<vmem>>)
    %add3A_14 = arith.constant 1320 : i32
    %add3A_15 = arith.addi %mul3A_2, %add3A_14 : i32
    %dma_start3A = arith.constant 0 : i32
    %dma_start3A_16 = tpu.memref_slice %arg4[%add3A_15, %dma_start3A] : memref<46080x128xf32, #tpu.memory_space<hbm>> -> memref<120x128xf32, #tpu.memory_space<hbm>>
    %dma_start3A_17 = arith.constant 0 : i32
    %dma_start3A_18 = tpu.memref_slice %arg4[%add3A_15, %dma_start3A_17] : memref<46080x128xf32, #tpu.memory_space<hbm>> -> memref<120x128xf32, #tpu.memory_space<hbm>>
    tpu.enqueue_dma source(%arg8 : memref<120x128xf32, #tpu.memory_space<vmem>>) target(%dma_start3A_18 : memref<120x128xf32, #tpu.memory_space<hbm>>) target_semaphore(%arg14 : memref<!tpu.dma_semaphore, #tpu.memory_space<semaphore_mem>>)
    %dma_wait3A_19 = arith.constant 0 : i32
    %dma_wait3A_20 = tpu.memref_slice %arg4[%mul3A_2, %dma_wait3A_19] : memref<46080x128xf32, #tpu.memory_space<hbm>> -> memref<120x128xf32, #tpu.memory_space<hbm>>
    %dma_wait3A_21 = arith.constant 0 : i32
    %dma_wait3A_22 = tpu.memref_slice %arg4[%mul3A_2, %dma_wait3A_21] : memref<46080x128xf32, #tpu.memory_space<hbm>> -> memref<120x128xf32, #tpu.memory_space<hbm>>
    tpu.wait_dma2 semaphore(%arg12 : memref<!tpu.dma_semaphore, #tpu.memory_space<semaphore_mem>>) src(%arg6 : memref<120x128xf32, #tpu.memory_space<vmem>>) dst(%dma_wait3A_22 : memref<120x128xf32, #tpu.memory_space<hbm>>)
    %dma_wait3A_23 = arith.constant 0 : i32
    %dma_wait3A_24 = tpu.memref_slice %arg4[%mul3A_2, %dma_wait3A_23] : memref<46080x128xf32, #tpu.memory_space<hbm>> -> memref<120x128xf32, #tpu.memory_space<hbm>>
    %dma_wait3A_25 = arith.constant 0 : i32
    %dma_wait3A_26 = tpu.memref_slice %arg4[%mul3A_2, %dma_wait3A_25] : memref<46080x128xf32, #tpu.memory_space<hbm>> -> memref<120x128xf32, #tpu.memory_space<hbm>>
    tpu.wait_dma2 semaphore(%arg13 : memref<!tpu.dma_semaphore, #tpu.memory_space<semaphore_mem>>) src(%arg7 : memref<120x128xf32, #tpu.memory_space<vmem>>) dst(%dma_wait3A_26 : memref<120x128xf32, #tpu.memory_space<hbm>>)
    %dma_wait3A_27 = arith.constant 0 : i32
    %dma_wait3A_28 = tpu.memref_slice %arg4[%mul3A_2, %dma_wait3A_27] : memref<46080x128xf32, #tpu.memory_space<hbm>> -> memref<120x128xf32, #tpu.memory_space<hbm>>
    %dma_wait3A_29 = arith.constant 0 : i32
    %dma_wait3A_30 = tpu.memref_slice %arg4[%mul3A_2, %dma_wait3A_29] : memref<46080x128xf32, #tpu.memory_space<hbm>> -> memref<120x128xf32, #tpu.memory_space<hbm>>
    tpu.wait_dma2 semaphore(%arg14 : memref<!tpu.dma_semaphore, #tpu.memory_space<semaphore_mem>>) src(%arg8 : memref<120x128xf32, #tpu.memory_space<vmem>>) dst(%dma_wait3A_30 : memref<120x128xf32, #tpu.memory_space<hbm>>)
    return
  }
}

module attributes {stable_mosaic.version = 14 : i64} {
  func.func @_tc_body_first(%arg0: i32, %arg1: memref<1x1440x128xf32, #tpu.memory_space<vmem>>, %arg2: memref<1x1x1425xi32, #tpu.memory_space<vmem>>, %arg3: memref<1x1x1425xi32, #tpu.memory_space<vmem>>, %arg4: memref<1x1x1425xf32, #tpu.memory_space<vmem>>, %arg5: memref<33x32xf32, #tpu.memory_space<vmem>>, %arg6: memref<65x32xf32, #tpu.memory_space<vmem>>, %arg7: memref<193x256xf32, #tpu.memory_space<vmem>>, %arg8: memref<1x256xf32, #tpu.memory_space<vmem>>, %arg9: memref<1x1425x256xf32, #tpu.memory_space<vmem>>) attributes {dimension_semantics = [#tpu.dimension_semantics<arbitrary>], iteration_bounds = array<i64: 32>, scalar_prefetch = 0 : i64, scratch_operands = 0 : i64, tpu.core_type = #tpu.core_type<tc>, window_params = [{transform_indices = @transform_0, window_bounds = array<i64: 1, 1440, 128>}, {transform_indices = @transform_1, window_bounds = array<i64: 1, 1, 1425>}, {transform_indices = @transform_2, window_bounds = array<i64: 1, 1, 1425>}, {transform_indices = @transform_3, window_bounds = array<i64: 1, 1, 1425>}, {pipeline_mode = #tpu.pipeline_mode<synchronous>, transform_indices = @transform_4, window_bounds = array<i64: 33, 32>}, {pipeline_mode = #tpu.pipeline_mode<synchronous>, transform_indices = @transform_5, window_bounds = array<i64: 65, 32>}, {pipeline_mode = #tpu.pipeline_mode<synchronous>, transform_indices = @transform_6, window_bounds = array<i64: 193, 256>}, {pipeline_mode = #tpu.pipeline_mode<synchronous>, transform_indices = @transform_7, window_bounds = array<i64: 1, 256>}, {transform_indices = @transform_8, window_bounds = array<i64: 1, 1425, 256>}]} {
    %get3A = arith.constant 0 : index
    %get3A_0 = arith.constant 0 : index
    %get3A_1 = arith.constant 0 : index
    %get3A_2 = vector.load %arg1[%get3A, %get3A_0, %get3A_1] : memref<1x1440x128xf32, #tpu.memory_space<vmem>>, vector<1x1425x128xf32>
    %get3A_3 = vector.shape_cast %get3A_2 : vector<1x1425x128xf32> to vector<1425x128xf32>
    %convert_element_type3A = arith.truncf %get3A_3 : vector<1425x128xf32> to vector<1425x128xbf16>
    %get3A_4 = arith.constant 0 : index
    %get3A_5 = arith.constant 0 : index
    %get3A_6 = vector.load %arg7[%get3A_4, %get3A_5] : memref<193x256xf32, #tpu.memory_space<vmem>>, vector<128x256xf32>
    %convert_element_type3A_7 = arith.truncf %get3A_6 : vector<128x256xf32> to vector<128x256xbf16>
    %dot_general3A = arith.constant dense<0.000000e+00> : vector<1425x256xf32>
    %dot_general3A_8 = tpu.matmul %convert_element_type3A, %convert_element_type3A_7, %dot_general3A {dimension_numbers = #tpu.dot_dimension_numbers<[1], [0], [0], [1], [0, 0, 1, 1], [], []>, transpose_lhs_hint = false} : vector<1425x128xbf16>, vector<128x256xbf16>, vector<1425x256xf32> -> vector<1425x256xf32>
    %get3A_9 = arith.constant 0 : index
    %get3A_10 = arith.constant 0 : index
    %get3A_11 = arith.constant 0 : index
    %get3A_12 = vector.load %arg2[%get3A_9, %get3A_10, %get3A_11] : memref<1x1x1425xi32, #tpu.memory_space<vmem>>, vector<1x1x1425xi32>
    %get3A_13 = vector.shape_cast %get3A_12 : vector<1x1x1425xi32> to vector<1x1425xi32>
    %get3A_14 = arith.constant 0 : index
    %get3A_15 = arith.constant 0 : index
    %get3A_16 = arith.constant 0 : index
    %get3A_17 = vector.load %arg3[%get3A_14, %get3A_15, %get3A_16] : memref<1x1x1425xi32, #tpu.memory_space<vmem>>, vector<1x1x1425xi32>
    %get3A_18 = vector.shape_cast %get3A_17 : vector<1x1x1425xi32> to vector<1x1425xi32>
    %iota3A = tpu.iota {dimensions = array<i32: 0>} : vector<40x1425xi32>
    %and3A = arith.constant 63 : i32
    %and3A_19 = vector.broadcast %and3A : i32 to vector<1x1425xi32>
    %and3A_20 = arith.andi %get3A_13, %and3A_19 : vector<1x1425xi32>
    %eq3A = vector.broadcast %and3A_20 : vector<1x1425xi32> to vector<40x1425xi32>
    %eq3A_21 = arith.cmpi eq, %eq3A, %iota3A : vector<40x1425xi32>
    %convert_element_type3A_22 = arith.extui %eq3A_21 : vector<40x1425xi1> to vector<40x1425xi32>
    %convert_element_type3A_23 = arith.sitofp %convert_element_type3A_22 : vector<40x1425xi32> to vector<40x1425xf32>
    %convert_element_type3A_24 = arith.truncf %convert_element_type3A_23 : vector<40x1425xf32> to vector<40x1425xbf16>
    %iota3A_25 = tpu.iota {dimensions = array<i32: 0>} : vector<72x1425xi32>
    %shift_right_arithmetic3A = arith.constant 6 : i32
    %shift_right_arithmetic3A_26 = vector.broadcast %shift_right_arithmetic3A : i32 to vector<1x1425xi32>
    %shift_right_arithmetic3A_27 = arith.shrsi %get3A_13, %shift_right_arithmetic3A_26 : vector<1x1425xi32>
    %and3A_28 = arith.constant 127 : i32
    %and3A_29 = vector.broadcast %and3A_28 : i32 to vector<1x1425xi32>
    %and3A_30 = arith.andi %shift_right_arithmetic3A_27, %and3A_29 : vector<1x1425xi32>
    %eq3A_31 = vector.broadcast %and3A_30 : vector<1x1425xi32> to vector<72x1425xi32>
    %eq3A_32 = arith.cmpi eq, %eq3A_31, %iota3A_25 : vector<72x1425xi32>
    %convert_element_type3A_33 = arith.extui %eq3A_32 : vector<72x1425xi1> to vector<72x1425xi32>
    %convert_element_type3A_34 = arith.sitofp %convert_element_type3A_33 : vector<72x1425xi32> to vector<72x1425xf32>
    %convert_element_type3A_35 = arith.truncf %convert_element_type3A_34 : vector<72x1425xf32> to vector<72x1425xbf16>
    %shift_right_arithmetic3A_36 = arith.constant 13 : i32
    %shift_right_arithmetic3A_37 = vector.broadcast %shift_right_arithmetic3A_36 : i32 to vector<1x1425xi32>
    %shift_right_arithmetic3A_38 = arith.shrsi %get3A_13, %shift_right_arithmetic3A_37 : vector<1x1425xi32>
    %and3A_39 = arith.constant 127 : i32
    %and3A_40 = vector.broadcast %and3A_39 : i32 to vector<1x1425xi32>
    %and3A_41 = arith.andi %shift_right_arithmetic3A_38, %and3A_40 : vector<1x1425xi32>
    %eq3A_42 = vector.broadcast %and3A_41 : vector<1x1425xi32> to vector<72x1425xi32>
    %eq3A_43 = arith.cmpi eq, %eq3A_42, %iota3A_25 : vector<72x1425xi32>
    %convert_element_type3A_44 = arith.extui %eq3A_43 : vector<72x1425xi1> to vector<72x1425xi32>
    %convert_element_type3A_45 = arith.sitofp %convert_element_type3A_44 : vector<72x1425xi32> to vector<72x1425xf32>
    %convert_element_type3A_46 = arith.truncf %convert_element_type3A_45 : vector<72x1425xf32> to vector<72x1425xbf16>
    %add3A = arith.addf %convert_element_type3A_35, %convert_element_type3A_46 : vector<72x1425xbf16>
    %shift_right_arithmetic3A_47 = arith.constant 20 : i32
    %shift_right_arithmetic3A_48 = vector.broadcast %shift_right_arithmetic3A_47 : i32 to vector<1x1425xi32>
    %shift_right_arithmetic3A_49 = arith.shrsi %get3A_13, %shift_right_arithmetic3A_48 : vector<1x1425xi32>
    %and3A_50 = arith.constant 127 : i32
    %and3A_51 = vector.broadcast %and3A_50 : i32 to vector<1x1425xi32>
    %and3A_52 = arith.andi %shift_right_arithmetic3A_49, %and3A_51 : vector<1x1425xi32>
    %eq3A_53 = vector.broadcast %and3A_52 : vector<1x1425xi32> to vector<72x1425xi32>
    %eq3A_54 = arith.cmpi eq, %eq3A_53, %iota3A_25 : vector<72x1425xi32>
    %convert_element_type3A_55 = arith.extui %eq3A_54 : vector<72x1425xi1> to vector<72x1425xi32>
    %convert_element_type3A_56 = arith.sitofp %convert_element_type3A_55 : vector<72x1425xi32> to vector<72x1425xf32>
    %convert_element_type3A_57 = arith.truncf %convert_element_type3A_56 : vector<72x1425xf32> to vector<72x1425xbf16>
    %add3A_58 = arith.addf %add3A, %convert_element_type3A_57 : vector<72x1425xbf16>
    %and3A_59 = arith.constant 127 : i32
    %and3A_60 = vector.broadcast %and3A_59 : i32 to vector<1x1425xi32>
    %and3A_61 = arith.andi %get3A_18, %and3A_60 : vector<1x1425xi32>
    %eq3A_62 = vector.broadcast %and3A_61 : vector<1x1425xi32> to vector<72x1425xi32>
    %eq3A_63 = arith.cmpi eq, %eq3A_62, %iota3A_25 : vector<72x1425xi32>
    %convert_element_type3A_64 = arith.extui %eq3A_63 : vector<72x1425xi1> to vector<72x1425xi32>
    %convert_element_type3A_65 = arith.sitofp %convert_element_type3A_64 : vector<72x1425xi32> to vector<72x1425xf32>
    %convert_element_type3A_66 = arith.truncf %convert_element_type3A_65 : vector<72x1425xf32> to vector<72x1425xbf16>
    %add3A_67 = arith.addf %add3A_58, %convert_element_type3A_66 : vector<72x1425xbf16>
    %shift_right_arithmetic3A_68 = arith.constant 7 : i32
    %shift_right_arithmetic3A_69 = vector.broadcast %shift_right_arithmetic3A_68 : i32 to vector<1x1425xi32>
    %shift_right_arithmetic3A_70 = arith.shrsi %get3A_18, %shift_right_arithmetic3A_69 : vector<1x1425xi32>
    %and3A_71 = arith.constant 127 : i32
    %and3A_72 = vector.broadcast %and3A_71 : i32 to vector<1x1425xi32>
    %and3A_73 = arith.andi %shift_right_arithmetic3A_70, %and3A_72 : vector<1x1425xi32>
    %eq3A_74 = vector.broadcast %and3A_73 : vector<1x1425xi32> to vector<72x1425xi32>
    %eq3A_75 = arith.cmpi eq, %eq3A_74, %iota3A_25 : vector<72x1425xi32>
    %convert_element_type3A_76 = arith.extui %eq3A_75 : vector<72x1425xi1> to vector<72x1425xi32>
    %convert_element_type3A_77 = arith.sitofp %convert_element_type3A_76 : vector<72x1425xi32> to vector<72x1425xf32>
    %convert_element_type3A_78 = arith.truncf %convert_element_type3A_77 : vector<72x1425xf32> to vector<72x1425xbf16>
    %add3A_79 = arith.addf %add3A_67, %convert_element_type3A_78 : vector<72x1425xbf16>
    %shift_right_arithmetic3A_80 = arith.constant 14 : i32
    %shift_right_arithmetic3A_81 = vector.broadcast %shift_right_arithmetic3A_80 : i32 to vector<1x1425xi32>
    %shift_right_arithmetic3A_82 = arith.shrsi %get3A_18, %shift_right_arithmetic3A_81 : vector<1x1425xi32>
    %and3A_83 = arith.constant 127 : i32
    %and3A_84 = vector.broadcast %and3A_83 : i32 to vector<1x1425xi32>
    %and3A_85 = arith.andi %shift_right_arithmetic3A_82, %and3A_84 : vector<1x1425xi32>
    %eq3A_86 = vector.broadcast %and3A_85 : vector<1x1425xi32> to vector<72x1425xi32>
    %eq3A_87 = arith.cmpi eq, %eq3A_86, %iota3A_25 : vector<72x1425xi32>
    %convert_element_type3A_88 = arith.extui %eq3A_87 : vector<72x1425xi1> to vector<72x1425xi32>
    %convert_element_type3A_89 = arith.sitofp %convert_element_type3A_88 : vector<72x1425xi32> to vector<72x1425xf32>
    %convert_element_type3A_90 = arith.truncf %convert_element_type3A_89 : vector<72x1425xf32> to vector<72x1425xbf16>
    %add3A_91 = arith.addf %add3A_79, %convert_element_type3A_90 : vector<72x1425xbf16>
    %concatenate3A = tpu.concatenate %convert_element_type3A_24, %add3A_91 in 0 : vector<40x1425xbf16>, vector<72x1425xbf16> -> vector<112x1425xbf16>
    %get3A_92 = arith.constant 0 : index
    %get3A_93 = arith.constant 0 : index
    %get3A_94 = vector.load %arg5[%get3A_92, %get3A_93] : memref<33x32xf32, #tpu.memory_space<vmem>>, vector<33x32xf32>
    %get3A_95 = arith.constant 128 : index
    %get3A_96 = arith.constant 0 : index
    %get3A_97 = vector.load %arg7[%get3A_95, %get3A_96] : memref<193x256xf32, #tpu.memory_space<vmem>>, vector<32x256xf32>
    %dot_general3A_98 = arith.constant dense<0.000000e+00> : vector<33x256xf32>
    %dot_general3A_99 = tpu.matmul %get3A_94, %get3A_97, %dot_general3A_98 {dimension_numbers = #tpu.dot_dimension_numbers<[1], [0], [0], [1], [0, 0, 1, 1], [], []>, transpose_lhs_hint = false} : vector<33x32xf32>, vector<32x256xf32>, vector<33x256xf32> -> vector<33x256xf32>
    %get3A_100 = arith.constant 0 : index
    %get3A_101 = arith.constant 0 : index
    %get3A_102 = vector.load %arg6[%get3A_100, %get3A_101] : memref<65x32xf32, #tpu.memory_space<vmem>>, vector<65x32xf32>
    %get3A_103 = arith.constant 160 : index
    %get3A_104 = arith.constant 0 : index
    %get3A_105 = vector.load %arg7[%get3A_103, %get3A_104] : memref<193x256xf32, #tpu.memory_space<vmem>>, vector<32x256xf32>
    %dot_general3A_106 = arith.constant dense<0.000000e+00> : vector<65x256xf32>
    %dot_general3A_107 = tpu.matmul %get3A_102, %get3A_105, %dot_general3A_106 {dimension_numbers = #tpu.dot_dimension_numbers<[1], [0], [0], [1], [0, 0, 1, 1], [], []>, transpose_lhs_hint = false} : vector<65x32xf32>, vector<32x256xf32>, vector<65x256xf32> -> vector<65x256xf32>
    %mul3A = arith.constant 0.166666672 : f32
    %mul3A_108 = vector.broadcast %mul3A : f32 to vector<65x256xf32>
    %mul3A_109 = arith.mulf %dot_general3A_107, %mul3A_108 : vector<65x256xf32>
    %broadcast_in_dim3A = arith.constant 0.000000e+00 : f32
    %broadcast_in_dim3A_110 = vector.broadcast %broadcast_in_dim3A : f32 to vector<7x256xf32>
    %concatenate3A_111 = tpu.concatenate %dot_general3A_99, %broadcast_in_dim3A_110, %mul3A_109, %broadcast_in_dim3A_110 in 0 : vector<33x256xf32>, vector<7x256xf32>, vector<65x256xf32>, vector<7x256xf32> -> vector<112x256xf32>
    %convert_element_type3A_112 = arith.truncf %concatenate3A_111 : vector<112x256xf32> to vector<112x256xbf16>
    %dot_general3A_113 = arith.constant dense<0.000000e+00> : vector<1425x256xf32>
    %dot_general3A_114 = tpu.matmul %concatenate3A, %convert_element_type3A_112, %dot_general3A_113 {dimension_numbers = #tpu.dot_dimension_numbers<[0], [0], [1], [1], [0, 1, 1, 1], [], []>, transpose_lhs_hint = false} : vector<112x1425xbf16>, vector<112x256xbf16>, vector<1425x256xf32> -> vector<1425x256xf32>
    %add3A_115 = arith.addf %dot_general3A_8, %dot_general3A_114 : vector<1425x256xf32>
    %get3A_116 = arith.constant 0 : index
    %get3A_117 = arith.constant 0 : index
    %get3A_118 = arith.constant 0 : index
    %get3A_119 = vector.load %arg4[%get3A_116, %get3A_117, %get3A_118] : memref<1x1x1425xf32, #tpu.memory_space<vmem>>, vector<1x1x1425xf32>
    %get3A_120 = vector.shape_cast %get3A_119 : vector<1x1x1425xf32> to vector<1x1425xf32>
    %get3A_121 = arith.constant 192 : index
    %get3A_122 = arith.constant 0 : index
    %get3A_123 = vector.load %arg7[%get3A_121, %get3A_122] : memref<193x256xf32, #tpu.memory_space<vmem>>, vector<1x256xf32>
    %dot_general3A_124 = arith.constant dense<0.000000e+00> : vector<1425x256xf32>
    %dot_general3A_125 = tpu.matmul %get3A_120, %get3A_123, %dot_general3A_124 {dimension_numbers = #tpu.dot_dimension_numbers<[0], [0], [1], [1], [0, 1, 1, 1], [], []>, transpose_lhs_hint = false} : vector<1x1425xf32>, vector<1x256xf32>, vector<1425x256xf32> -> vector<1425x256xf32>
    %add3A_126 = arith.addf %add3A_115, %dot_general3A_125 : vector<1425x256xf32>
    %get3A_127 = arith.constant 0 : index
    %get3A_128 = arith.constant 0 : index
    %get3A_129 = vector.load %arg8[%get3A_127, %get3A_128] : memref<1x256xf32, #tpu.memory_space<vmem>>, vector<1x256xf32>
    %add3A_130 = vector.broadcast %get3A_129 : vector<1x256xf32> to vector<1425x256xf32>
    %add3A_131 = arith.addf %add3A_126, %add3A_130 : vector<1425x256xf32>
    %gt3A = arith.constant 0.000000e+00 : f32
    %gt3A_132 = vector.broadcast %gt3A : f32 to vector<1425x256xf32>
    %gt3A_133 = arith.cmpf ogt, %add3A_131, %gt3A_132 : vector<1425x256xf32>
    %exp3A = math.exp %add3A_131 : vector<1425x256xf32>
    %sub3A = arith.constant 1.000000e+00 : f32
    %sub3A_134 = vector.broadcast %sub3A : f32 to vector<1425x256xf32>
    %sub3A_135 = arith.subf %exp3A, %sub3A_134 : vector<1425x256xf32>
    %select_n3A = arith.select %gt3A_133, %add3A_131, %sub3A_135 : vector<1425x256xi1>, vector<1425x256xf32>
    %swap3A = arith.constant 0 : index
    %swap3A_136 = arith.constant 0 : index
    %swap3A_137 = arith.constant 0 : index
    %swap3A_138 = vector.load %arg9[%swap3A, %swap3A_136, %swap3A_137] : memref<1x1425x256xf32, #tpu.memory_space<vmem>>, vector<1x1425x256xf32>
    %swap3A_139 = vector.shape_cast %swap3A_138 : vector<1x1425x256xf32> to vector<1425x256xf32>
    %swap3A_140 = vector.shape_cast %select_n3A : vector<1425x256xf32> to vector<1x1425x256xf32>
    tpu.vector_store %arg9[%swap3A, %swap3A_136, %swap3A_137], %swap3A_140 {strides = array<i32>} : memref<1x1425x256xf32, #tpu.memory_space<vmem>>, vector<1x1425x256xf32>,
    return
  }
  func.func @transform_0(%arg0: i32) -> (i32, i32, i32) {
    %c0_i32 = arith.constant 0 : i32
    %c0_i32_0 = arith.constant 0 : i32
    %c0_i32_1 = arith.constant 0 : i32
    return %arg0, %c0_i32, %c0_i32_0 : i32, i32, i32
  }
  func.func @transform_1(%arg0: i32) -> (i32, i32, i32) {
    %add3A = arith.constant 0 : i32
    %add3A_0 = arith.addi %arg0, %add3A : i32
    %c0_i32 = arith.constant 0 : i32
    %c0_i32_1 = arith.constant 0 : i32
    %c0_i32_2 = arith.constant 0 : i32
    return %add3A_0, %c0_i32, %c0_i32_1 : i32, i32, i32
  }
  func.func @transform_2(%arg0: i32) -> (i32, i32, i32) {
    %add3A = arith.constant 0 : i32
    %add3A_0 = arith.addi %arg0, %add3A : i32
    %c0_i32 = arith.constant 0 : i32
    %c0_i32_1 = arith.constant 0 : i32
    %c0_i32_2 = arith.constant 0 : i32
    return %add3A_0, %c0_i32, %c0_i32_1 : i32, i32, i32
  }
  func.func @transform_3(%arg0: i32) -> (i32, i32, i32) {
    %add3A = arith.constant 0 : i32
    %add3A_0 = arith.addi %arg0, %add3A : i32
    %c0_i32 = arith.constant 0 : i32
    %c0_i32_1 = arith.constant 0 : i32
    %c0_i32_2 = arith.constant 0 : i32
    return %add3A_0, %c0_i32, %c0_i32_1 : i32, i32, i32
  }
  func.func @transform_4(%arg0: i32) -> (i32, i32) {
    %c0_i32 = arith.constant 0 : i32
    %c0_i32_0 = arith.constant 0 : i32
    %c0_i32_1 = arith.constant 0 : i32
    return %c0_i32, %c0_i32_0 : i32, i32
  }
  func.func @transform_5(%arg0: i32) -> (i32, i32) {
    %c0_i32 = arith.constant 0 : i32
    %c0_i32_0 = arith.constant 0 : i32
    %c0_i32_1 = arith.constant 0 : i32
    return %c0_i32, %c0_i32_0 : i32, i32
  }
  func.func @transform_6(%arg0: i32) -> (i32, i32) {
    %c0_i32 = arith.constant 0 : i32
    %c0_i32_0 = arith.constant 0 : i32
    %c0_i32_1 = arith.constant 0 : i32
    return %c0_i32, %c0_i32_0 : i32, i32
  }
  func.func @transform_7(%arg0: i32) -> (i32, i32) {
    %c0_i32 = arith.constant 0 : i32
    %c0_i32_0 = arith.constant 0 : i32
    %c0_i32_1 = arith.constant 0 : i32
    return %c0_i32, %c0_i32_0 : i32, i32
  }
  func.func @transform_8(%arg0: i32) -> (i32, i32, i32) {
    %add3A = arith.constant 0 : i32
    %add3A_0 = arith.addi %arg0, %add3A : i32
    %c0_i32 = arith.constant 0 : i32
    %c0_i32_1 = arith.constant 0 : i32
    %c0_i32_2 = arith.constant 0 : i32
    return %add3A_0, %c0_i32, %c0_i32_1 : i32, i32, i32
  }
}

module attributes {stable_mosaic.version = 14 : i64} {
  func.func @_tc_body_acc(%arg0: i32, %arg1: memref<128x1425x256xf32, #tpu.memory_space<any>>, %arg2: memref<1x1440x128xf32, #tpu.memory_space<vmem>>, %arg3: memref<1x1x1425xi32, #tpu.memory_space<vmem>>, %arg4: memref<1x1x1425xi32, #tpu.memory_space<vmem>>, %arg5: memref<1x1x1425xf32, #tpu.memory_space<vmem>>, %arg6: memref<33x32xf32, #tpu.memory_space<vmem>>, %arg7: memref<65x32xf32, #tpu.memory_space<vmem>>, %arg8: memref<193x256xf32, #tpu.memory_space<vmem>>, %arg9: memref<1x256xf32, #tpu.memory_space<vmem>>, %arg10: memref<1x1425x256xf32, #tpu.memory_space<vmem>>) attributes {dimension_semantics = [#tpu.dimension_semantics<arbitrary>], iteration_bounds = array<i64: 32>, scalar_prefetch = 0 : i64, scratch_operands = 0 : i64, tpu.core_type = #tpu.core_type<tc>, window_params = [{}, {transform_indices = @transform_1, window_bounds = array<i64: 1, 1440, 128>}, {transform_indices = @transform_2, window_bounds = array<i64: 1, 1, 1425>}, {transform_indices = @transform_3, window_bounds = array<i64: 1, 1, 1425>}, {transform_indices = @transform_4, window_bounds = array<i64: 1, 1, 1425>}, {pipeline_mode = #tpu.pipeline_mode<synchronous>, transform_indices = @transform_5, window_bounds = array<i64: 33, 32>}, {pipeline_mode = #tpu.pipeline_mode<synchronous>, transform_indices = @transform_6, window_bounds = array<i64: 65, 32>}, {pipeline_mode = #tpu.pipeline_mode<synchronous>, transform_indices = @transform_7, window_bounds = array<i64: 193, 256>}, {pipeline_mode = #tpu.pipeline_mode<synchronous>, transform_indices = @transform_8, window_bounds = array<i64: 1, 256>}, {transform_indices = @transform_9, window_bounds = array<i64: 1, 1425, 256>}]} {
    %get3A = arith.constant 0 : index
    %get3A_0 = arith.constant 0 : index
    %get3A_1 = arith.constant 0 : index
    %get3A_2 = vector.load %arg2[%get3A, %get3A_0, %get3A_1] : memref<1x1440x128xf32, #tpu.memory_space<vmem>>, vector<1x1425x128xf32>
    %get3A_3 = vector.shape_cast %get3A_2 : vector<1x1425x128xf32> to vector<1425x128xf32>
    %convert_element_type3A = arith.truncf %get3A_3 : vector<1425x128xf32> to vector<1425x128xbf16>
    %get3A_4 = arith.constant 0 : index
    %get3A_5 = arith.constant 0 : index
    %get3A_6 = vector.load %arg8[%get3A_4, %get3A_5] : memref<193x256xf32, #tpu.memory_space<vmem>>, vector<128x256xf32>
    %convert_element_type3A_7 = arith.truncf %get3A_6 : vector<128x256xf32> to vector<128x256xbf16>
    %dot_general3A = arith.constant dense<0.000000e+00> : vector<1425x256xf32>
    %dot_general3A_8 = tpu.matmul %convert_element_type3A, %convert_element_type3A_7, %dot_general3A {dimension_numbers = #tpu.dot_dimension_numbers<[1], [0], [0], [1], [0, 0, 1, 1], [], []>, transpose_lhs_hint = false} : vector<1425x128xbf16>, vector<128x256xbf16>, vector<1425x256xf32> -> vector<1425x256xf32>
    %get3A_9 = arith.constant 0 : index
    %get3A_10 = arith.constant 0 : index
    %get3A_11 = arith.constant 0 : index
    %get3A_12 = vector.load %arg3[%get3A_9, %get3A_10, %get3A_11] : memref<1x1x1425xi32, #tpu.memory_space<vmem>>, vector<1x1x1425xi32>
    %get3A_13 = vector.shape_cast %get3A_12 : vector<1x1x1425xi32> to vector<1x1425xi32>
    %get3A_14 = arith.constant 0 : index
    %get3A_15 = arith.constant 0 : index
    %get3A_16 = arith.constant 0 : index
    %get3A_17 = vector.load %arg4[%get3A_14, %get3A_15, %get3A_16] : memref<1x1x1425xi32, #tpu.memory_space<vmem>>, vector<1x1x1425xi32>
    %get3A_18 = vector.shape_cast %get3A_17 : vector<1x1x1425xi32> to vector<1x1425xi32>
    %iota3A = tpu.iota {dimensions = array<i32: 0>} : vector<40x1425xi32>
    %and3A = arith.constant 63 : i32
    %and3A_19 = vector.broadcast %and3A : i32 to vector<1x1425xi32>
    %and3A_20 = arith.andi %get3A_13, %and3A_19 : vector<1x1425xi32>
    %eq3A = vector.broadcast %and3A_20 : vector<1x1425xi32> to vector<40x1425xi32>
    %eq3A_21 = arith.cmpi eq, %eq3A, %iota3A : vector<40x1425xi32>
    %convert_element_type3A_22 = arith.extui %eq3A_21 : vector<40x1425xi1> to vector<40x1425xi32>
    %convert_element_type3A_23 = arith.sitofp %convert_element_type3A_22 : vector<40x1425xi32> to vector<40x1425xf32>
    %convert_element_type3A_24 = arith.truncf %convert_element_type3A_23 : vector<40x1425xf32> to vector<40x1425xbf16>
    %iota3A_25 = tpu.iota {dimensions = array<i32: 0>} : vector<72x1425xi32>
    %shift_right_arithmetic3A = arith.constant 6 : i32
    %shift_right_arithmetic3A_26 = vector.broadcast %shift_right_arithmetic3A : i32 to vector<1x1425xi32>
    %shift_right_arithmetic3A_27 = arith.shrsi %get3A_13, %shift_right_arithmetic3A_26 : vector<1x1425xi32>
    %and3A_28 = arith.constant 127 : i32
    %and3A_29 = vector.broadcast %and3A_28 : i32 to vector<1x1425xi32>
    %and3A_30 = arith.andi %shift_right_arithmetic3A_27, %and3A_29 : vector<1x1425xi32>
    %eq3A_31 = vector.broadcast %and3A_30 : vector<1x1425xi32> to vector<72x1425xi32>
    %eq3A_32 = arith.cmpi eq, %eq3A_31, %iota3A_25 : vector<72x1425xi32>
    %convert_element_type3A_33 = arith.extui %eq3A_32 : vector<72x1425xi1> to vector<72x1425xi32>
    %convert_element_type3A_34 = arith.sitofp %convert_element_type3A_33 : vector<72x1425xi32> to vector<72x1425xf32>
    %convert_element_type3A_35 = arith.truncf %convert_element_type3A_34 : vector<72x1425xf32> to vector<72x1425xbf16>
    %shift_right_arithmetic3A_36 = arith.constant 13 : i32
    %shift_right_arithmetic3A_37 = vector.broadcast %shift_right_arithmetic3A_36 : i32 to vector<1x1425xi32>
    %shift_right_arithmetic3A_38 = arith.shrsi %get3A_13, %shift_right_arithmetic3A_37 : vector<1x1425xi32>
    %and3A_39 = arith.constant 127 : i32
    %and3A_40 = vector.broadcast %and3A_39 : i32 to vector<1x1425xi32>
    %and3A_41 = arith.andi %shift_right_arithmetic3A_38, %and3A_40 : vector<1x1425xi32>
    %eq3A_42 = vector.broadcast %and3A_41 : vector<1x1425xi32> to vector<72x1425xi32>
    %eq3A_43 = arith.cmpi eq, %eq3A_42, %iota3A_25 : vector<72x1425xi32>
    %convert_element_type3A_44 = arith.extui %eq3A_43 : vector<72x1425xi1> to vector<72x1425xi32>
    %convert_element_type3A_45 = arith.sitofp %convert_element_type3A_44 : vector<72x1425xi32> to vector<72x1425xf32>
    %convert_element_type3A_46 = arith.truncf %convert_element_type3A_45 : vector<72x1425xf32> to vector<72x1425xbf16>
    %add3A = arith.addf %convert_element_type3A_35, %convert_element_type3A_46 : vector<72x1425xbf16>
    %shift_right_arithmetic3A_47 = arith.constant 20 : i32
    %shift_right_arithmetic3A_48 = vector.broadcast %shift_right_arithmetic3A_47 : i32 to vector<1x1425xi32>
    %shift_right_arithmetic3A_49 = arith.shrsi %get3A_13, %shift_right_arithmetic3A_48 : vector<1x1425xi32>
    %and3A_50 = arith.constant 127 : i32
    %and3A_51 = vector.broadcast %and3A_50 : i32 to vector<1x1425xi32>
    %and3A_52 = arith.andi %shift_right_arithmetic3A_49, %and3A_51 : vector<1x1425xi32>
    %eq3A_53 = vector.broadcast %and3A_52 : vector<1x1425xi32> to vector<72x1425xi32>
    %eq3A_54 = arith.cmpi eq, %eq3A_53, %iota3A_25 : vector<72x1425xi32>
    %convert_element_type3A_55 = arith.extui %eq3A_54 : vector<72x1425xi1> to vector<72x1425xi32>
    %convert_element_type3A_56 = arith.sitofp %convert_element_type3A_55 : vector<72x1425xi32> to vector<72x1425xf32>
    %convert_element_type3A_57 = arith.truncf %convert_element_type3A_56 : vector<72x1425xf32> to vector<72x1425xbf16>
    %add3A_58 = arith.addf %add3A, %convert_element_type3A_57 : vector<72x1425xbf16>
    %and3A_59 = arith.constant 127 : i32
    %and3A_60 = vector.broadcast %and3A_59 : i32 to vector<1x1425xi32>
    %and3A_61 = arith.andi %get3A_18, %and3A_60 : vector<1x1425xi32>
    %eq3A_62 = vector.broadcast %and3A_61 : vector<1x1425xi32> to vector<72x1425xi32>
    %eq3A_63 = arith.cmpi eq, %eq3A_62, %iota3A_25 : vector<72x1425xi32>
    %convert_element_type3A_64 = arith.extui %eq3A_63 : vector<72x1425xi1> to vector<72x1425xi32>
    %convert_element_type3A_65 = arith.sitofp %convert_element_type3A_64 : vector<72x1425xi32> to vector<72x1425xf32>
    %convert_element_type3A_66 = arith.truncf %convert_element_type3A_65 : vector<72x1425xf32> to vector<72x1425xbf16>
    %add3A_67 = arith.addf %add3A_58, %convert_element_type3A_66 : vector<72x1425xbf16>
    %shift_right_arithmetic3A_68 = arith.constant 7 : i32
    %shift_right_arithmetic3A_69 = vector.broadcast %shift_right_arithmetic3A_68 : i32 to vector<1x1425xi32>
    %shift_right_arithmetic3A_70 = arith.shrsi %get3A_18, %shift_right_arithmetic3A_69 : vector<1x1425xi32>
    %and3A_71 = arith.constant 127 : i32
    %and3A_72 = vector.broadcast %and3A_71 : i32 to vector<1x1425xi32>
    %and3A_73 = arith.andi %shift_right_arithmetic3A_70, %and3A_72 : vector<1x1425xi32>
    %eq3A_74 = vector.broadcast %and3A_73 : vector<1x1425xi32> to vector<72x1425xi32>
    %eq3A_75 = arith.cmpi eq, %eq3A_74, %iota3A_25 : vector<72x1425xi32>
    %convert_element_type3A_76 = arith.extui %eq3A_75 : vector<72x1425xi1> to vector<72x1425xi32>
    %convert_element_type3A_77 = arith.sitofp %convert_element_type3A_76 : vector<72x1425xi32> to vector<72x1425xf32>
    %convert_element_type3A_78 = arith.truncf %convert_element_type3A_77 : vector<72x1425xf32> to vector<72x1425xbf16>
    %add3A_79 = arith.addf %add3A_67, %convert_element_type3A_78 : vector<72x1425xbf16>
    %shift_right_arithmetic3A_80 = arith.constant 14 : i32
    %shift_right_arithmetic3A_81 = vector.broadcast %shift_right_arithmetic3A_80 : i32 to vector<1x1425xi32>
    %shift_right_arithmetic3A_82 = arith.shrsi %get3A_18, %shift_right_arithmetic3A_81 : vector<1x1425xi32>
    %and3A_83 = arith.constant 127 : i32
    %and3A_84 = vector.broadcast %and3A_83 : i32 to vector<1x1425xi32>
    %and3A_85 = arith.andi %shift_right_arithmetic3A_82, %and3A_84 : vector<1x1425xi32>
    %eq3A_86 = vector.broadcast %and3A_85 : vector<1x1425xi32> to vector<72x1425xi32>
    %eq3A_87 = arith.cmpi eq, %eq3A_86, %iota3A_25 : vector<72x1425xi32>
    %convert_element_type3A_88 = arith.extui %eq3A_87 : vector<72x1425xi1> to vector<72x1425xi32>
    %convert_element_type3A_89 = arith.sitofp %convert_element_type3A_88 : vector<72x1425xi32> to vector<72x1425xf32>
    %convert_element_type3A_90 = arith.truncf %convert_element_type3A_89 : vector<72x1425xf32> to vector<72x1425xbf16>
    %add3A_91 = arith.addf %add3A_79, %convert_element_type3A_90 : vector<72x1425xbf16>
    %concatenate3A = tpu.concatenate %convert_element_type3A_24, %add3A_91 in 0 : vector<40x1425xbf16>, vector<72x1425xbf16> -> vector<112x1425xbf16>
    %get3A_92 = arith.constant 0 : index
    %get3A_93 = arith.constant 0 : index
    %get3A_94 = vector.load %arg6[%get3A_92, %get3A_93] : memref<33x32xf32, #tpu.memory_space<vmem>>, vector<33x32xf32>
    %get3A_95 = arith.constant 128 : index
    %get3A_96 = arith.constant 0 : index
    %get3A_97 = vector.load %arg8[%get3A_95, %get3A_96] : memref<193x256xf32, #tpu.memory_space<vmem>>, vector<32x256xf32>
    %dot_general3A_98 = arith.constant dense<0.000000e+00> : vector<33x256xf32>
    %dot_general3A_99 = tpu.matmul %get3A_94, %get3A_97, %dot_general3A_98 {dimension_numbers = #tpu.dot_dimension_numbers<[1], [0], [0], [1], [0, 0, 1, 1], [], []>, transpose_lhs_hint = false} : vector<33x32xf32>, vector<32x256xf32>, vector<33x256xf32> -> vector<33x256xf32>
    %get3A_100 = arith.constant 0 : index
    %get3A_101 = arith.constant 0 : index
    %get3A_102 = vector.load %arg7[%get3A_100, %get3A_101] : memref<65x32xf32, #tpu.memory_space<vmem>>, vector<65x32xf32>
    %get3A_103 = arith.constant 160 : index
    %get3A_104 = arith.constant 0 : index
    %get3A_105 = vector.load %arg8[%get3A_103, %get3A_104] : memref<193x256xf32, #tpu.memory_space<vmem>>, vector<32x256xf32>
    %dot_general3A_106 = arith.constant dense<0.000000e+00> : vector<65x256xf32>
    %dot_general3A_107 = tpu.matmul %get3A_102, %get3A_105, %dot_general3A_106 {dimension_numbers = #tpu.dot_dimension_numbers<[1], [0], [0], [1], [0, 0, 1, 1], [], []>, transpose_lhs_hint = false} : vector<65x32xf32>, vector<32x256xf32>, vector<65x256xf32> -> vector<65x256xf32>
    %mul3A = arith.constant 0.166666672 : f32
    %mul3A_108 = vector.broadcast %mul3A : f32 to vector<65x256xf32>
    %mul3A_109 = arith.mulf %dot_general3A_107, %mul3A_108 : vector<65x256xf32>
    %broadcast_in_dim3A = arith.constant 0.000000e+00 : f32
    %broadcast_in_dim3A_110 = vector.broadcast %broadcast_in_dim3A : f32 to vector<7x256xf32>
    %concatenate3A_111 = tpu.concatenate %dot_general3A_99, %broadcast_in_dim3A_110, %mul3A_109, %broadcast_in_dim3A_110 in 0 : vector<33x256xf32>, vector<7x256xf32>, vector<65x256xf32>, vector<7x256xf32> -> vector<112x256xf32>
    %convert_element_type3A_112 = arith.truncf %concatenate3A_111 : vector<112x256xf32> to vector<112x256xbf16>
    %dot_general3A_113 = arith.constant dense<0.000000e+00> : vector<1425x256xf32>
    %dot_general3A_114 = tpu.matmul %concatenate3A, %convert_element_type3A_112, %dot_general3A_113 {dimension_numbers = #tpu.dot_dimension_numbers<[0], [0], [1], [1], [0, 1, 1, 1], [], []>, transpose_lhs_hint = false} : vector<112x1425xbf16>, vector<112x256xbf16>, vector<1425x256xf32> -> vector<1425x256xf32>
    %add3A_115 = arith.addf %dot_general3A_8, %dot_general3A_114 : vector<1425x256xf32>
    %get3A_116 = arith.constant 0 : index
    %get3A_117 = arith.constant 0 : index
    %get3A_118 = arith.constant 0 : index
    %get3A_119 = vector.load %arg5[%get3A_116, %get3A_117, %get3A_118] : memref<1x1x1425xf32, #tpu.memory_space<vmem>>, vector<1x1x1425xf32>
    %get3A_120 = vector.shape_cast %get3A_119 : vector<1x1x1425xf32> to vector<1x1425xf32>
    %get3A_121 = arith.constant 192 : index
    %get3A_122 = arith.constant 0 : index
    %get3A_123 = vector.load %arg8[%get3A_121, %get3A_122] : memref<193x256xf32, #tpu.memory_space<vmem>>, vector<1x256xf32>
    %dot_general3A_124 = arith.constant dense<0.000000e+00> : vector<1425x256xf32>
    %dot_general3A_125 = tpu.matmul %get3A_120, %get3A_123, %dot_general3A_124 {dimension_numbers = #tpu.dot_dimension_numbers<[0], [0], [1], [1], [0, 1, 1, 1], [], []>, transpose_lhs_hint = false} : vector<1x1425xf32>, vector<1x256xf32>, vector<1425x256xf32> -> vector<1425x256xf32>
    %add3A_126 = arith.addf %add3A_115, %dot_general3A_125 : vector<1425x256xf32>
    %get3A_127 = arith.constant 0 : index
    %get3A_128 = arith.constant 0 : index
    %get3A_129 = vector.load %arg9[%get3A_127, %get3A_128] : memref<1x256xf32, #tpu.memory_space<vmem>>, vector<1x256xf32>
    %add3A_130 = vector.broadcast %get3A_129 : vector<1x256xf32> to vector<1425x256xf32>
    %add3A_131 = arith.addf %add3A_126, %add3A_130 : vector<1425x256xf32>
    %gt3A = arith.constant 0.000000e+00 : f32
    %gt3A_132 = vector.broadcast %gt3A : f32 to vector<1425x256xf32>
    %gt3A_133 = arith.cmpf ogt, %add3A_131, %gt3A_132 : vector<1425x256xf32>
    %exp3A = math.exp %add3A_131 : vector<1425x256xf32>
    %sub3A = arith.constant 1.000000e+00 : f32
    %sub3A_134 = vector.broadcast %sub3A : f32 to vector<1425x256xf32>
    %sub3A_135 = arith.subf %exp3A, %sub3A_134 : vector<1425x256xf32>
    %select_n3A = arith.select %gt3A_133, %add3A_131, %sub3A_135 : vector<1425x256xi1>, vector<1425x256xf32>
    %swap3A = arith.constant 0 : index
    %swap3A_136 = arith.constant 0 : index
    %swap3A_137 = arith.constant 0 : index
    %swap3A_138 = vector.load %arg10[%swap3A, %swap3A_136, %swap3A_137] : memref<1x1425x256xf32, #tpu.memory_space<vmem>>, vector<1x1425x256xf32>
    %swap3A_139 = vector.shape_cast %swap3A_138 : vector<1x1425x256xf32> to vector<1425x256xf32>
    %swap3A_140 = vector.shape_cast %select_n3A : vector<1425x256xf32> to vector<1x1425x256xf32>
    tpu.vector_store %arg10[%swap3A, %swap3A_136, %swap3A_137], %swap3A_140 {strides = array<i32>} : memref<1x1425x256xf32, #tpu.memory_space<vmem>>, vector<1x1425x256xf32>,
    return
  }
  func.func @transform_1(%arg0: i32) -> (i32, i32, i32) {
    %c0_i32 = arith.constant 0 : i32
    %c0_i32_0 = arith.constant 0 : i32
    %c0_i32_1 = arith.constant 0 : i32
    return %arg0, %c0_i32, %c0_i32_0 : i32, i32, i32
  }
  func.func @transform_2(%arg0: i32) -> (i32, i32, i32) {
    %add3A = arith.constant 32 : i32
    %add3A_0 = arith.addi %arg0, %add3A : i32
    %c0_i32 = arith.constant 0 : i32
    %c0_i32_1 = arith.constant 0 : i32
    %c0_i32_2 = arith.constant 0 : i32
    return %add3A_0, %c0_i32, %c0_i32_1 : i32, i32, i32
  }
  func.func @transform_3(%arg0: i32) -> (i32, i32, i32) {
    %add3A = arith.constant 32 : i32
    %add3A_0 = arith.addi %arg0, %add3A : i32
    %c0_i32 = arith.constant 0 : i32
    %c0_i32_1 = arith.constant 0 : i32
    %c0_i32_2 = arith.constant 0 : i32
    return %add3A_0, %c0_i32, %c0_i32_1 : i32, i32, i32
  }
  func.func @transform_4(%arg0: i32) -> (i32, i32, i32) {
    %add3A = arith.constant 32 : i32
    %add3A_0 = arith.addi %arg0, %add3A : i32
    %c0_i32 = arith.constant 0 : i32
    %c0_i32_1 = arith.constant 0 : i32
    %c0_i32_2 = arith.constant 0 : i32
    return %add3A_0, %c0_i32, %c0_i32_1 : i32, i32, i32
  }
  func.func @transform_5(%arg0: i32) -> (i32, i32) {
    %c0_i32 = arith.constant 0 : i32
    %c0_i32_0 = arith.constant 0 : i32
    %c0_i32_1 = arith.constant 0 : i32
    return %c0_i32, %c0_i32_0 : i32, i32
  }
  func.func @transform_6(%arg0: i32) -> (i32, i32) {
    %c0_i32 = arith.constant 0 : i32
    %c0_i32_0 = arith.constant 0 : i32
    %c0_i32_1 = arith.constant 0 : i32
    return %c0_i32, %c0_i32_0 : i32, i32
  }
  func.func @transform_7(%arg0: i32) -> (i32, i32) {
    %c0_i32 = arith.constant 0 : i32
    %c0_i32_0 = arith.constant 0 : i32
    %c0_i32_1 = arith.constant 0 : i32
    return %c0_i32, %c0_i32_0 : i32, i32
  }
  func.func @transform_8(%arg0: i32) -> (i32, i32) {
    %c0_i32 = arith.constant 0 : i32
    %c0_i32_0 = arith.constant 0 : i32
    %c0_i32_1 = arith.constant 0 : i32
    return %c0_i32, %c0_i32_0 : i32, i32
  }
  func.func @transform_9(%arg0: i32) -> (i32, i32, i32) {
    %add3A = arith.constant 32 : i32
    %add3A_0 = arith.addi %arg0, %add3A : i32
    %c0_i32 = arith.constant 0 : i32
    %c0_i32_1 = arith.constant 0 : i32
    %c0_i32_2 = arith.constant 0 : i32
    return %add3A_0, %c0_i32, %c0_i32_1 : i32, i32, i32
  }
}

module attributes {stable_mosaic.version = 14 : i64} {
  func.func @_tc_body_acc(%arg0: i32, %arg1: memref<128x1425x256xf32, #tpu.memory_space<any>>, %arg2: memref<1x1440x128xf32, #tpu.memory_space<vmem>>, %arg3: memref<1x1x1425xi32, #tpu.memory_space<vmem>>, %arg4: memref<1x1x1425xi32, #tpu.memory_space<vmem>>, %arg5: memref<1x1x1425xf32, #tpu.memory_space<vmem>>, %arg6: memref<33x32xf32, #tpu.memory_space<vmem>>, %arg7: memref<65x32xf32, #tpu.memory_space<vmem>>, %arg8: memref<193x256xf32, #tpu.memory_space<vmem>>, %arg9: memref<1x256xf32, #tpu.memory_space<vmem>>, %arg10: memref<1x1425x256xf32, #tpu.memory_space<vmem>>) attributes {dimension_semantics = [#tpu.dimension_semantics<arbitrary>], iteration_bounds = array<i64: 32>, scalar_prefetch = 0 : i64, scratch_operands = 0 : i64, tpu.core_type = #tpu.core_type<tc>, window_params = [{}, {transform_indices = @transform_1, window_bounds = array<i64: 1, 1440, 128>}, {transform_indices = @transform_2, window_bounds = array<i64: 1, 1, 1425>}, {transform_indices = @transform_3, window_bounds = array<i64: 1, 1, 1425>}, {transform_indices = @transform_4, window_bounds = array<i64: 1, 1, 1425>}, {pipeline_mode = #tpu.pipeline_mode<synchronous>, transform_indices = @transform_5, window_bounds = array<i64: 33, 32>}, {pipeline_mode = #tpu.pipeline_mode<synchronous>, transform_indices = @transform_6, window_bounds = array<i64: 65, 32>}, {pipeline_mode = #tpu.pipeline_mode<synchronous>, transform_indices = @transform_7, window_bounds = array<i64: 193, 256>}, {pipeline_mode = #tpu.pipeline_mode<synchronous>, transform_indices = @transform_8, window_bounds = array<i64: 1, 256>}, {transform_indices = @transform_9, window_bounds = array<i64: 1, 1425, 256>}]} {
    %get3A = arith.constant 0 : index
    %get3A_0 = arith.constant 0 : index
    %get3A_1 = arith.constant 0 : index
    %get3A_2 = vector.load %arg2[%get3A, %get3A_0, %get3A_1] : memref<1x1440x128xf32, #tpu.memory_space<vmem>>, vector<1x1425x128xf32>
    %get3A_3 = vector.shape_cast %get3A_2 : vector<1x1425x128xf32> to vector<1425x128xf32>
    %convert_element_type3A = arith.truncf %get3A_3 : vector<1425x128xf32> to vector<1425x128xbf16>
    %get3A_4 = arith.constant 0 : index
    %get3A_5 = arith.constant 0 : index
    %get3A_6 = vector.load %arg8[%get3A_4, %get3A_5] : memref<193x256xf32, #tpu.memory_space<vmem>>, vector<128x256xf32>
    %convert_element_type3A_7 = arith.truncf %get3A_6 : vector<128x256xf32> to vector<128x256xbf16>
    %dot_general3A = arith.constant dense<0.000000e+00> : vector<1425x256xf32>
    %dot_general3A_8 = tpu.matmul %convert_element_type3A, %convert_element_type3A_7, %dot_general3A {dimension_numbers = #tpu.dot_dimension_numbers<[1], [0], [0], [1], [0, 0, 1, 1], [], []>, transpose_lhs_hint = false} : vector<1425x128xbf16>, vector<128x256xbf16>, vector<1425x256xf32> -> vector<1425x256xf32>
    %get3A_9 = arith.constant 0 : index
    %get3A_10 = arith.constant 0 : index
    %get3A_11 = arith.constant 0 : index
    %get3A_12 = vector.load %arg3[%get3A_9, %get3A_10, %get3A_11] : memref<1x1x1425xi32, #tpu.memory_space<vmem>>, vector<1x1x1425xi32>
    %get3A_13 = vector.shape_cast %get3A_12 : vector<1x1x1425xi32> to vector<1x1425xi32>
    %get3A_14 = arith.constant 0 : index
    %get3A_15 = arith.constant 0 : index
    %get3A_16 = arith.constant 0 : index
    %get3A_17 = vector.load %arg4[%get3A_14, %get3A_15, %get3A_16] : memref<1x1x1425xi32, #tpu.memory_space<vmem>>, vector<1x1x1425xi32>
    %get3A_18 = vector.shape_cast %get3A_17 : vector<1x1x1425xi32> to vector<1x1425xi32>
    %iota3A = tpu.iota {dimensions = array<i32: 0>} : vector<40x1425xi32>
    %and3A = arith.constant 63 : i32
    %and3A_19 = vector.broadcast %and3A : i32 to vector<1x1425xi32>
    %and3A_20 = arith.andi %get3A_13, %and3A_19 : vector<1x1425xi32>
    %eq3A = vector.broadcast %and3A_20 : vector<1x1425xi32> to vector<40x1425xi32>
    %eq3A_21 = arith.cmpi eq, %eq3A, %iota3A : vector<40x1425xi32>
    %convert_element_type3A_22 = arith.extui %eq3A_21 : vector<40x1425xi1> to vector<40x1425xi32>
    %convert_element_type3A_23 = arith.sitofp %convert_element_type3A_22 : vector<40x1425xi32> to vector<40x1425xf32>
    %convert_element_type3A_24 = arith.truncf %convert_element_type3A_23 : vector<40x1425xf32> to vector<40x1425xbf16>
    %iota3A_25 = tpu.iota {dimensions = array<i32: 0>} : vector<72x1425xi32>
    %shift_right_arithmetic3A = arith.constant 6 : i32
    %shift_right_arithmetic3A_26 = vector.broadcast %shift_right_arithmetic3A : i32 to vector<1x1425xi32>
    %shift_right_arithmetic3A_27 = arith.shrsi %get3A_13, %shift_right_arithmetic3A_26 : vector<1x1425xi32>
    %and3A_28 = arith.constant 127 : i32
    %and3A_29 = vector.broadcast %and3A_28 : i32 to vector<1x1425xi32>
    %and3A_30 = arith.andi %shift_right_arithmetic3A_27, %and3A_29 : vector<1x1425xi32>
    %eq3A_31 = vector.broadcast %and3A_30 : vector<1x1425xi32> to vector<72x1425xi32>
    %eq3A_32 = arith.cmpi eq, %eq3A_31, %iota3A_25 : vector<72x1425xi32>
    %convert_element_type3A_33 = arith.extui %eq3A_32 : vector<72x1425xi1> to vector<72x1425xi32>
    %convert_element_type3A_34 = arith.sitofp %convert_element_type3A_33 : vector<72x1425xi32> to vector<72x1425xf32>
    %convert_element_type3A_35 = arith.truncf %convert_element_type3A_34 : vector<72x1425xf32> to vector<72x1425xbf16>
    %shift_right_arithmetic3A_36 = arith.constant 13 : i32
    %shift_right_arithmetic3A_37 = vector.broadcast %shift_right_arithmetic3A_36 : i32 to vector<1x1425xi32>
    %shift_right_arithmetic3A_38 = arith.shrsi %get3A_13, %shift_right_arithmetic3A_37 : vector<1x1425xi32>
    %and3A_39 = arith.constant 127 : i32
    %and3A_40 = vector.broadcast %and3A_39 : i32 to vector<1x1425xi32>
    %and3A_41 = arith.andi %shift_right_arithmetic3A_38, %and3A_40 : vector<1x1425xi32>
    %eq3A_42 = vector.broadcast %and3A_41 : vector<1x1425xi32> to vector<72x1425xi32>
    %eq3A_43 = arith.cmpi eq, %eq3A_42, %iota3A_25 : vector<72x1425xi32>
    %convert_element_type3A_44 = arith.extui %eq3A_43 : vector<72x1425xi1> to vector<72x1425xi32>
    %convert_element_type3A_45 = arith.sitofp %convert_element_type3A_44 : vector<72x1425xi32> to vector<72x1425xf32>
    %convert_element_type3A_46 = arith.truncf %convert_element_type3A_45 : vector<72x1425xf32> to vector<72x1425xbf16>
    %add3A = arith.addf %convert_element_type3A_35, %convert_element_type3A_46 : vector<72x1425xbf16>
    %shift_right_arithmetic3A_47 = arith.constant 20 : i32
    %shift_right_arithmetic3A_48 = vector.broadcast %shift_right_arithmetic3A_47 : i32 to vector<1x1425xi32>
    %shift_right_arithmetic3A_49 = arith.shrsi %get3A_13, %shift_right_arithmetic3A_48 : vector<1x1425xi32>
    %and3A_50 = arith.constant 127 : i32
    %and3A_51 = vector.broadcast %and3A_50 : i32 to vector<1x1425xi32>
    %and3A_52 = arith.andi %shift_right_arithmetic3A_49, %and3A_51 : vector<1x1425xi32>
    %eq3A_53 = vector.broadcast %and3A_52 : vector<1x1425xi32> to vector<72x1425xi32>
    %eq3A_54 = arith.cmpi eq, %eq3A_53, %iota3A_25 : vector<72x1425xi32>
    %convert_element_type3A_55 = arith.extui %eq3A_54 : vector<72x1425xi1> to vector<72x1425xi32>
    %convert_element_type3A_56 = arith.sitofp %convert_element_type3A_55 : vector<72x1425xi32> to vector<72x1425xf32>
    %convert_element_type3A_57 = arith.truncf %convert_element_type3A_56 : vector<72x1425xf32> to vector<72x1425xbf16>
    %add3A_58 = arith.addf %add3A, %convert_element_type3A_57 : vector<72x1425xbf16>
    %and3A_59 = arith.constant 127 : i32
    %and3A_60 = vector.broadcast %and3A_59 : i32 to vector<1x1425xi32>
    %and3A_61 = arith.andi %get3A_18, %and3A_60 : vector<1x1425xi32>
    %eq3A_62 = vector.broadcast %and3A_61 : vector<1x1425xi32> to vector<72x1425xi32>
    %eq3A_63 = arith.cmpi eq, %eq3A_62, %iota3A_25 : vector<72x1425xi32>
    %convert_element_type3A_64 = arith.extui %eq3A_63 : vector<72x1425xi1> to vector<72x1425xi32>
    %convert_element_type3A_65 = arith.sitofp %convert_element_type3A_64 : vector<72x1425xi32> to vector<72x1425xf32>
    %convert_element_type3A_66 = arith.truncf %convert_element_type3A_65 : vector<72x1425xf32> to vector<72x1425xbf16>
    %add3A_67 = arith.addf %add3A_58, %convert_element_type3A_66 : vector<72x1425xbf16>
    %shift_right_arithmetic3A_68 = arith.constant 7 : i32
    %shift_right_arithmetic3A_69 = vector.broadcast %shift_right_arithmetic3A_68 : i32 to vector<1x1425xi32>
    %shift_right_arithmetic3A_70 = arith.shrsi %get3A_18, %shift_right_arithmetic3A_69 : vector<1x1425xi32>
    %and3A_71 = arith.constant 127 : i32
    %and3A_72 = vector.broadcast %and3A_71 : i32 to vector<1x1425xi32>
    %and3A_73 = arith.andi %shift_right_arithmetic3A_70, %and3A_72 : vector<1x1425xi32>
    %eq3A_74 = vector.broadcast %and3A_73 : vector<1x1425xi32> to vector<72x1425xi32>
    %eq3A_75 = arith.cmpi eq, %eq3A_74, %iota3A_25 : vector<72x1425xi32>
    %convert_element_type3A_76 = arith.extui %eq3A_75 : vector<72x1425xi1> to vector<72x1425xi32>
    %convert_element_type3A_77 = arith.sitofp %convert_element_type3A_76 : vector<72x1425xi32> to vector<72x1425xf32>
    %convert_element_type3A_78 = arith.truncf %convert_element_type3A_77 : vector<72x1425xf32> to vector<72x1425xbf16>
    %add3A_79 = arith.addf %add3A_67, %convert_element_type3A_78 : vector<72x1425xbf16>
    %shift_right_arithmetic3A_80 = arith.constant 14 : i32
    %shift_right_arithmetic3A_81 = vector.broadcast %shift_right_arithmetic3A_80 : i32 to vector<1x1425xi32>
    %shift_right_arithmetic3A_82 = arith.shrsi %get3A_18, %shift_right_arithmetic3A_81 : vector<1x1425xi32>
    %and3A_83 = arith.constant 127 : i32
    %and3A_84 = vector.broadcast %and3A_83 : i32 to vector<1x1425xi32>
    %and3A_85 = arith.andi %shift_right_arithmetic3A_82, %and3A_84 : vector<1x1425xi32>
    %eq3A_86 = vector.broadcast %and3A_85 : vector<1x1425xi32> to vector<72x1425xi32>
    %eq3A_87 = arith.cmpi eq, %eq3A_86, %iota3A_25 : vector<72x1425xi32>
    %convert_element_type3A_88 = arith.extui %eq3A_87 : vector<72x1425xi1> to vector<72x1425xi32>
    %convert_element_type3A_89 = arith.sitofp %convert_element_type3A_88 : vector<72x1425xi32> to vector<72x1425xf32>
    %convert_element_type3A_90 = arith.truncf %convert_element_type3A_89 : vector<72x1425xf32> to vector<72x1425xbf16>
    %add3A_91 = arith.addf %add3A_79, %convert_element_type3A_90 : vector<72x1425xbf16>
    %concatenate3A = tpu.concatenate %convert_element_type3A_24, %add3A_91 in 0 : vector<40x1425xbf16>, vector<72x1425xbf16> -> vector<112x1425xbf16>
    %get3A_92 = arith.constant 0 : index
    %get3A_93 = arith.constant 0 : index
    %get3A_94 = vector.load %arg6[%get3A_92, %get3A_93] : memref<33x32xf32, #tpu.memory_space<vmem>>, vector<33x32xf32>
    %get3A_95 = arith.constant 128 : index
    %get3A_96 = arith.constant 0 : index
    %get3A_97 = vector.load %arg8[%get3A_95, %get3A_96] : memref<193x256xf32, #tpu.memory_space<vmem>>, vector<32x256xf32>
    %dot_general3A_98 = arith.constant dense<0.000000e+00> : vector<33x256xf32>
    %dot_general3A_99 = tpu.matmul %get3A_94, %get3A_97, %dot_general3A_98 {dimension_numbers = #tpu.dot_dimension_numbers<[1], [0], [0], [1], [0, 0, 1, 1], [], []>, transpose_lhs_hint = false} : vector<33x32xf32>, vector<32x256xf32>, vector<33x256xf32> -> vector<33x256xf32>
    %get3A_100 = arith.constant 0 : index
    %get3A_101 = arith.constant 0 : index
    %get3A_102 = vector.load %arg7[%get3A_100, %get3A_101] : memref<65x32xf32, #tpu.memory_space<vmem>>, vector<65x32xf32>
    %get3A_103 = arith.constant 160 : index
    %get3A_104 = arith.constant 0 : index
    %get3A_105 = vector.load %arg8[%get3A_103, %get3A_104] : memref<193x256xf32, #tpu.memory_space<vmem>>, vector<32x256xf32>
    %dot_general3A_106 = arith.constant dense<0.000000e+00> : vector<65x256xf32>
    %dot_general3A_107 = tpu.matmul %get3A_102, %get3A_105, %dot_general3A_106 {dimension_numbers = #tpu.dot_dimension_numbers<[1], [0], [0], [1], [0, 0, 1, 1], [], []>, transpose_lhs_hint = false} : vector<65x32xf32>, vector<32x256xf32>, vector<65x256xf32> -> vector<65x256xf32>
    %mul3A = arith.constant 0.166666672 : f32
    %mul3A_108 = vector.broadcast %mul3A : f32 to vector<65x256xf32>
    %mul3A_109 = arith.mulf %dot_general3A_107, %mul3A_108 : vector<65x256xf32>
    %broadcast_in_dim3A = arith.constant 0.000000e+00 : f32
    %broadcast_in_dim3A_110 = vector.broadcast %broadcast_in_dim3A : f32 to vector<7x256xf32>
    %concatenate3A_111 = tpu.concatenate %dot_general3A_99, %broadcast_in_dim3A_110, %mul3A_109, %broadcast_in_dim3A_110 in 0 : vector<33x256xf32>, vector<7x256xf32>, vector<65x256xf32>, vector<7x256xf32> -> vector<112x256xf32>
    %convert_element_type3A_112 = arith.truncf %concatenate3A_111 : vector<112x256xf32> to vector<112x256xbf16>
    %dot_general3A_113 = arith.constant dense<0.000000e+00> : vector<1425x256xf32>
    %dot_general3A_114 = tpu.matmul %concatenate3A, %convert_element_type3A_112, %dot_general3A_113 {dimension_numbers = #tpu.dot_dimension_numbers<[0], [0], [1], [1], [0, 1, 1, 1], [], []>, transpose_lhs_hint = false} : vector<112x1425xbf16>, vector<112x256xbf16>, vector<1425x256xf32> -> vector<1425x256xf32>
    %add3A_115 = arith.addf %dot_general3A_8, %dot_general3A_114 : vector<1425x256xf32>
    %get3A_116 = arith.constant 0 : index
    %get3A_117 = arith.constant 0 : index
    %get3A_118 = arith.constant 0 : index
    %get3A_119 = vector.load %arg5[%get3A_116, %get3A_117, %get3A_118] : memref<1x1x1425xf32, #tpu.memory_space<vmem>>, vector<1x1x1425xf32>
    %get3A_120 = vector.shape_cast %get3A_119 : vector<1x1x1425xf32> to vector<1x1425xf32>
    %get3A_121 = arith.constant 192 : index
    %get3A_122 = arith.constant 0 : index
    %get3A_123 = vector.load %arg8[%get3A_121, %get3A_122] : memref<193x256xf32, #tpu.memory_space<vmem>>, vector<1x256xf32>
    %dot_general3A_124 = arith.constant dense<0.000000e+00> : vector<1425x256xf32>
    %dot_general3A_125 = tpu.matmul %get3A_120, %get3A_123, %dot_general3A_124 {dimension_numbers = #tpu.dot_dimension_numbers<[0], [0], [1], [1], [0, 1, 1, 1], [], []>, transpose_lhs_hint = false} : vector<1x1425xf32>, vector<1x256xf32>, vector<1425x256xf32> -> vector<1425x256xf32>
    %add3A_126 = arith.addf %add3A_115, %dot_general3A_125 : vector<1425x256xf32>
    %get3A_127 = arith.constant 0 : index
    %get3A_128 = arith.constant 0 : index
    %get3A_129 = vector.load %arg9[%get3A_127, %get3A_128] : memref<1x256xf32, #tpu.memory_space<vmem>>, vector<1x256xf32>
    %add3A_130 = vector.broadcast %get3A_129 : vector<1x256xf32> to vector<1425x256xf32>
    %add3A_131 = arith.addf %add3A_126, %add3A_130 : vector<1425x256xf32>
    %gt3A = arith.constant 0.000000e+00 : f32
    %gt3A_132 = vector.broadcast %gt3A : f32 to vector<1425x256xf32>
    %gt3A_133 = arith.cmpf ogt, %add3A_131, %gt3A_132 : vector<1425x256xf32>
    %exp3A = math.exp %add3A_131 : vector<1425x256xf32>
    %sub3A = arith.constant 1.000000e+00 : f32
    %sub3A_134 = vector.broadcast %sub3A : f32 to vector<1425x256xf32>
    %sub3A_135 = arith.subf %exp3A, %sub3A_134 : vector<1425x256xf32>
    %select_n3A = arith.select %gt3A_133, %add3A_131, %sub3A_135 : vector<1425x256xi1>, vector<1425x256xf32>
    %swap3A = arith.constant 0 : index
    %swap3A_136 = arith.constant 0 : index
    %swap3A_137 = arith.constant 0 : index
    %swap3A_138 = vector.load %arg10[%swap3A, %swap3A_136, %swap3A_137] : memref<1x1425x256xf32, #tpu.memory_space<vmem>>, vector<1x1425x256xf32>
    %swap3A_139 = vector.shape_cast %swap3A_138 : vector<1x1425x256xf32> to vector<1425x256xf32>
    %swap3A_140 = vector.shape_cast %select_n3A : vector<1425x256xf32> to vector<1x1425x256xf32>
    tpu.vector_store %arg10[%swap3A, %swap3A_136, %swap3A_137], %swap3A_140 {strides = array<i32>} : memref<1x1425x256xf32, #tpu.memory_space<vmem>>, vector<1x1425x256xf32>,
    return
  }
  func.func @transform_1(%arg0: i32) -> (i32, i32, i32) {
    %c0_i32 = arith.constant 0 : i32
    %c0_i32_0 = arith.constant 0 : i32
    %c0_i32_1 = arith.constant 0 : i32
    return %arg0, %c0_i32, %c0_i32_0 : i32, i32, i32
  }
  func.func @transform_2(%arg0: i32) -> (i32, i32, i32) {
    %add3A = arith.constant 96 : i32
    %add3A_0 = arith.addi %arg0, %add3A : i32
    %c0_i32 = arith.constant 0 : i32
    %c0_i32_1 = arith.constant 0 : i32
    %c0_i32_2 = arith.constant 0 : i32
    return %add3A_0, %c0_i32, %c0_i32_1 : i32, i32, i32
  }
  func.func @transform_3(%arg0: i32) -> (i32, i32, i32) {
    %add3A = arith.constant 96 : i32
    %add3A_0 = arith.addi %arg0, %add3A : i32
    %c0_i32 = arith.constant 0 : i32
    %c0_i32_1 = arith.constant 0 : i32
    %c0_i32_2 = arith.constant 0 : i32
    return %add3A_0, %c0_i32, %c0_i32_1 : i32, i32, i32
  }
  func.func @transform_4(%arg0: i32) -> (i32, i32, i32) {
    %add3A = arith.constant 96 : i32
    %add3A_0 = arith.addi %arg0, %add3A : i32
    %c0_i32 = arith.constant 0 : i32
    %c0_i32_1 = arith.constant 0 : i32
    %c0_i32_2 = arith.constant 0 : i32
    return %add3A_0, %c0_i32, %c0_i32_1 : i32, i32, i32
  }
  func.func @transform_5(%arg0: i32) -> (i32, i32) {
    %c0_i32 = arith.constant 0 : i32
    %c0_i32_0 = arith.constant 0 : i32
    %c0_i32_1 = arith.constant 0 : i32
    return %c0_i32, %c0_i32_0 : i32, i32
  }
  func.func @transform_6(%arg0: i32) -> (i32, i32) {
    %c0_i32 = arith.constant 0 : i32
    %c0_i32_0 = arith.constant 0 : i32
    %c0_i32_1 = arith.constant 0 : i32
    return %c0_i32, %c0_i32_0 : i32, i32
  }
  func.func @transform_7(%arg0: i32) -> (i32, i32) {
    %c0_i32 = arith.constant 0 : i32
    %c0_i32_0 = arith.constant 0 : i32
    %c0_i32_1 = arith.constant 0 : i32
    return %c0_i32, %c0_i32_0 : i32, i32
  }
  func.func @transform_8(%arg0: i32) -> (i32, i32) {
    %c0_i32 = arith.constant 0 : i32
    %c0_i32_0 = arith.constant 0 : i32
    %c0_i32_1 = arith.constant 0 : i32
    return %c0_i32, %c0_i32_0 : i32, i32
  }
  func.func @transform_9(%arg0: i32) -> (i32, i32, i32) {
    %add3A = arith.constant 96 : i32
    %add3A_0 = arith.addi %arg0, %add3A : i32
    %c0_i32 = arith.constant 0 : i32
    %c0_i32_1 = arith.constant 0 : i32
    %c0_i32_2 = arith.constant 0 : i32
    return %add3A_0, %c0_i32, %c0_i32_1 : i32, i32, i32
  }
}

module attributes {stable_mosaic.version = 14 : i64} {
  func.func @_tc_body_acc(%arg0: i32, %arg1: memref<128x1425x256xf32, #tpu.memory_space<any>>, %arg2: memref<1x1440x128xf32, #tpu.memory_space<vmem>>, %arg3: memref<1x1x1425xi32, #tpu.memory_space<vmem>>, %arg4: memref<1x1x1425xi32, #tpu.memory_space<vmem>>, %arg5: memref<1x1x1425xf32, #tpu.memory_space<vmem>>, %arg6: memref<33x32xf32, #tpu.memory_space<vmem>>, %arg7: memref<65x32xf32, #tpu.memory_space<vmem>>, %arg8: memref<193x256xf32, #tpu.memory_space<vmem>>, %arg9: memref<1x256xf32, #tpu.memory_space<vmem>>, %arg10: memref<1x1425x256xf32, #tpu.memory_space<vmem>>) attributes {dimension_semantics = [#tpu.dimension_semantics<arbitrary>], iteration_bounds = array<i64: 32>, scalar_prefetch = 0 : i64, scratch_operands = 0 : i64, tpu.core_type = #tpu.core_type<tc>, window_params = [{}, {transform_indices = @transform_1, window_bounds = array<i64: 1, 1440, 128>}, {transform_indices = @transform_2, window_bounds = array<i64: 1, 1, 1425>}, {transform_indices = @transform_3, window_bounds = array<i64: 1, 1, 1425>}, {transform_indices = @transform_4, window_bounds = array<i64: 1, 1, 1425>}, {pipeline_mode = #tpu.pipeline_mode<synchronous>, transform_indices = @transform_5, window_bounds = array<i64: 33, 32>}, {pipeline_mode = #tpu.pipeline_mode<synchronous>, transform_indices = @transform_6, window_bounds = array<i64: 65, 32>}, {pipeline_mode = #tpu.pipeline_mode<synchronous>, transform_indices = @transform_7, window_bounds = array<i64: 193, 256>}, {pipeline_mode = #tpu.pipeline_mode<synchronous>, transform_indices = @transform_8, window_bounds = array<i64: 1, 256>}, {transform_indices = @transform_9, window_bounds = array<i64: 1, 1425, 256>}]} {
    %get3A = arith.constant 0 : index
    %get3A_0 = arith.constant 0 : index
    %get3A_1 = arith.constant 0 : index
    %get3A_2 = vector.load %arg2[%get3A, %get3A_0, %get3A_1] : memref<1x1440x128xf32, #tpu.memory_space<vmem>>, vector<1x1425x128xf32>
    %get3A_3 = vector.shape_cast %get3A_2 : vector<1x1425x128xf32> to vector<1425x128xf32>
    %convert_element_type3A = arith.truncf %get3A_3 : vector<1425x128xf32> to vector<1425x128xbf16>
    %get3A_4 = arith.constant 0 : index
    %get3A_5 = arith.constant 0 : index
    %get3A_6 = vector.load %arg8[%get3A_4, %get3A_5] : memref<193x256xf32, #tpu.memory_space<vmem>>, vector<128x256xf32>
    %convert_element_type3A_7 = arith.truncf %get3A_6 : vector<128x256xf32> to vector<128x256xbf16>
    %dot_general3A = arith.constant dense<0.000000e+00> : vector<1425x256xf32>
    %dot_general3A_8 = tpu.matmul %convert_element_type3A, %convert_element_type3A_7, %dot_general3A {dimension_numbers = #tpu.dot_dimension_numbers<[1], [0], [0], [1], [0, 0, 1, 1], [], []>, transpose_lhs_hint = false} : vector<1425x128xbf16>, vector<128x256xbf16>, vector<1425x256xf32> -> vector<1425x256xf32>
    %get3A_9 = arith.constant 0 : index
    %get3A_10 = arith.constant 0 : index
    %get3A_11 = arith.constant 0 : index
    %get3A_12 = vector.load %arg3[%get3A_9, %get3A_10, %get3A_11] : memref<1x1x1425xi32, #tpu.memory_space<vmem>>, vector<1x1x1425xi32>
    %get3A_13 = vector.shape_cast %get3A_12 : vector<1x1x1425xi32> to vector<1x1425xi32>
    %get3A_14 = arith.constant 0 : index
    %get3A_15 = arith.constant 0 : index
    %get3A_16 = arith.constant 0 : index
    %get3A_17 = vector.load %arg4[%get3A_14, %get3A_15, %get3A_16] : memref<1x1x1425xi32, #tpu.memory_space<vmem>>, vector<1x1x1425xi32>
    %get3A_18 = vector.shape_cast %get3A_17 : vector<1x1x1425xi32> to vector<1x1425xi32>
    %iota3A = tpu.iota {dimensions = array<i32: 0>} : vector<40x1425xi32>
    %and3A = arith.constant 63 : i32
    %and3A_19 = vector.broadcast %and3A : i32 to vector<1x1425xi32>
    %and3A_20 = arith.andi %get3A_13, %and3A_19 : vector<1x1425xi32>
    %eq3A = vector.broadcast %and3A_20 : vector<1x1425xi32> to vector<40x1425xi32>
    %eq3A_21 = arith.cmpi eq, %eq3A, %iota3A : vector<40x1425xi32>
    %convert_element_type3A_22 = arith.extui %eq3A_21 : vector<40x1425xi1> to vector<40x1425xi32>
    %convert_element_type3A_23 = arith.sitofp %convert_element_type3A_22 : vector<40x1425xi32> to vector<40x1425xf32>
    %convert_element_type3A_24 = arith.truncf %convert_element_type3A_23 : vector<40x1425xf32> to vector<40x1425xbf16>
    %iota3A_25 = tpu.iota {dimensions = array<i32: 0>} : vector<72x1425xi32>
    %shift_right_arithmetic3A = arith.constant 6 : i32
    %shift_right_arithmetic3A_26 = vector.broadcast %shift_right_arithmetic3A : i32 to vector<1x1425xi32>
    %shift_right_arithmetic3A_27 = arith.shrsi %get3A_13, %shift_right_arithmetic3A_26 : vector<1x1425xi32>
    %and3A_28 = arith.constant 127 : i32
    %and3A_29 = vector.broadcast %and3A_28 : i32 to vector<1x1425xi32>
    %and3A_30 = arith.andi %shift_right_arithmetic3A_27, %and3A_29 : vector<1x1425xi32>
    %eq3A_31 = vector.broadcast %and3A_30 : vector<1x1425xi32> to vector<72x1425xi32>
    %eq3A_32 = arith.cmpi eq, %eq3A_31, %iota3A_25 : vector<72x1425xi32>
    %convert_element_type3A_33 = arith.extui %eq3A_32 : vector<72x1425xi1> to vector<72x1425xi32>
    %convert_element_type3A_34 = arith.sitofp %convert_element_type3A_33 : vector<72x1425xi32> to vector<72x1425xf32>
    %convert_element_type3A_35 = arith.truncf %convert_element_type3A_34 : vector<72x1425xf32> to vector<72x1425xbf16>
    %shift_right_arithmetic3A_36 = arith.constant 13 : i32
    %shift_right_arithmetic3A_37 = vector.broadcast %shift_right_arithmetic3A_36 : i32 to vector<1x1425xi32>
    %shift_right_arithmetic3A_38 = arith.shrsi %get3A_13, %shift_right_arithmetic3A_37 : vector<1x1425xi32>
    %and3A_39 = arith.constant 127 : i32
    %and3A_40 = vector.broadcast %and3A_39 : i32 to vector<1x1425xi32>
    %and3A_41 = arith.andi %shift_right_arithmetic3A_38, %and3A_40 : vector<1x1425xi32>
    %eq3A_42 = vector.broadcast %and3A_41 : vector<1x1425xi32> to vector<72x1425xi32>
    %eq3A_43 = arith.cmpi eq, %eq3A_42, %iota3A_25 : vector<72x1425xi32>
    %convert_element_type3A_44 = arith.extui %eq3A_43 : vector<72x1425xi1> to vector<72x1425xi32>
    %convert_element_type3A_45 = arith.sitofp %convert_element_type3A_44 : vector<72x1425xi32> to vector<72x1425xf32>
    %convert_element_type3A_46 = arith.truncf %convert_element_type3A_45 : vector<72x1425xf32> to vector<72x1425xbf16>
    %add3A = arith.addf %convert_element_type3A_35, %convert_element_type3A_46 : vector<72x1425xbf16>
    %shift_right_arithmetic3A_47 = arith.constant 20 : i32
    %shift_right_arithmetic3A_48 = vector.broadcast %shift_right_arithmetic3A_47 : i32 to vector<1x1425xi32>
    %shift_right_arithmetic3A_49 = arith.shrsi %get3A_13, %shift_right_arithmetic3A_48 : vector<1x1425xi32>
    %and3A_50 = arith.constant 127 : i32
    %and3A_51 = vector.broadcast %and3A_50 : i32 to vector<1x1425xi32>
    %and3A_52 = arith.andi %shift_right_arithmetic3A_49, %and3A_51 : vector<1x1425xi32>
    %eq3A_53 = vector.broadcast %and3A_52 : vector<1x1425xi32> to vector<72x1425xi32>
    %eq3A_54 = arith.cmpi eq, %eq3A_53, %iota3A_25 : vector<72x1425xi32>
    %convert_element_type3A_55 = arith.extui %eq3A_54 : vector<72x1425xi1> to vector<72x1425xi32>
    %convert_element_type3A_56 = arith.sitofp %convert_element_type3A_55 : vector<72x1425xi32> to vector<72x1425xf32>
    %convert_element_type3A_57 = arith.truncf %convert_element_type3A_56 : vector<72x1425xf32> to vector<72x1425xbf16>
    %add3A_58 = arith.addf %add3A, %convert_element_type3A_57 : vector<72x1425xbf16>
    %and3A_59 = arith.constant 127 : i32
    %and3A_60 = vector.broadcast %and3A_59 : i32 to vector<1x1425xi32>
    %and3A_61 = arith.andi %get3A_18, %and3A_60 : vector<1x1425xi32>
    %eq3A_62 = vector.broadcast %and3A_61 : vector<1x1425xi32> to vector<72x1425xi32>
    %eq3A_63 = arith.cmpi eq, %eq3A_62, %iota3A_25 : vector<72x1425xi32>
    %convert_element_type3A_64 = arith.extui %eq3A_63 : vector<72x1425xi1> to vector<72x1425xi32>
    %convert_element_type3A_65 = arith.sitofp %convert_element_type3A_64 : vector<72x1425xi32> to vector<72x1425xf32>
    %convert_element_type3A_66 = arith.truncf %convert_element_type3A_65 : vector<72x1425xf32> to vector<72x1425xbf16>
    %add3A_67 = arith.addf %add3A_58, %convert_element_type3A_66 : vector<72x1425xbf16>
    %shift_right_arithmetic3A_68 = arith.constant 7 : i32
    %shift_right_arithmetic3A_69 = vector.broadcast %shift_right_arithmetic3A_68 : i32 to vector<1x1425xi32>
    %shift_right_arithmetic3A_70 = arith.shrsi %get3A_18, %shift_right_arithmetic3A_69 : vector<1x1425xi32>
    %and3A_71 = arith.constant 127 : i32
    %and3A_72 = vector.broadcast %and3A_71 : i32 to vector<1x1425xi32>
    %and3A_73 = arith.andi %shift_right_arithmetic3A_70, %and3A_72 : vector<1x1425xi32>
    %eq3A_74 = vector.broadcast %and3A_73 : vector<1x1425xi32> to vector<72x1425xi32>
    %eq3A_75 = arith.cmpi eq, %eq3A_74, %iota3A_25 : vector<72x1425xi32>
    %convert_element_type3A_76 = arith.extui %eq3A_75 : vector<72x1425xi1> to vector<72x1425xi32>
    %convert_element_type3A_77 = arith.sitofp %convert_element_type3A_76 : vector<72x1425xi32> to vector<72x1425xf32>
    %convert_element_type3A_78 = arith.truncf %convert_element_type3A_77 : vector<72x1425xf32> to vector<72x1425xbf16>
    %add3A_79 = arith.addf %add3A_67, %convert_element_type3A_78 : vector<72x1425xbf16>
    %shift_right_arithmetic3A_80 = arith.constant 14 : i32
    %shift_right_arithmetic3A_81 = vector.broadcast %shift_right_arithmetic3A_80 : i32 to vector<1x1425xi32>
    %shift_right_arithmetic3A_82 = arith.shrsi %get3A_18, %shift_right_arithmetic3A_81 : vector<1x1425xi32>
    %and3A_83 = arith.constant 127 : i32
    %and3A_84 = vector.broadcast %and3A_83 : i32 to vector<1x1425xi32>
    %and3A_85 = arith.andi %shift_right_arithmetic3A_82, %and3A_84 : vector<1x1425xi32>
    %eq3A_86 = vector.broadcast %and3A_85 : vector<1x1425xi32> to vector<72x1425xi32>
    %eq3A_87 = arith.cmpi eq, %eq3A_86, %iota3A_25 : vector<72x1425xi32>
    %convert_element_type3A_88 = arith.extui %eq3A_87 : vector<72x1425xi1> to vector<72x1425xi32>
    %convert_element_type3A_89 = arith.sitofp %convert_element_type3A_88 : vector<72x1425xi32> to vector<72x1425xf32>
    %convert_element_type3A_90 = arith.truncf %convert_element_type3A_89 : vector<72x1425xf32> to vector<72x1425xbf16>
    %add3A_91 = arith.addf %add3A_79, %convert_element_type3A_90 : vector<72x1425xbf16>
    %concatenate3A = tpu.concatenate %convert_element_type3A_24, %add3A_91 in 0 : vector<40x1425xbf16>, vector<72x1425xbf16> -> vector<112x1425xbf16>
    %get3A_92 = arith.constant 0 : index
    %get3A_93 = arith.constant 0 : index
    %get3A_94 = vector.load %arg6[%get3A_92, %get3A_93] : memref<33x32xf32, #tpu.memory_space<vmem>>, vector<33x32xf32>
    %get3A_95 = arith.constant 128 : index
    %get3A_96 = arith.constant 0 : index
    %get3A_97 = vector.load %arg8[%get3A_95, %get3A_96] : memref<193x256xf32, #tpu.memory_space<vmem>>, vector<32x256xf32>
    %dot_general3A_98 = arith.constant dense<0.000000e+00> : vector<33x256xf32>
    %dot_general3A_99 = tpu.matmul %get3A_94, %get3A_97, %dot_general3A_98 {dimension_numbers = #tpu.dot_dimension_numbers<[1], [0], [0], [1], [0, 0, 1, 1], [], []>, transpose_lhs_hint = false} : vector<33x32xf32>, vector<32x256xf32>, vector<33x256xf32> -> vector<33x256xf32>
    %get3A_100 = arith.constant 0 : index
    %get3A_101 = arith.constant 0 : index
    %get3A_102 = vector.load %arg7[%get3A_100, %get3A_101] : memref<65x32xf32, #tpu.memory_space<vmem>>, vector<65x32xf32>
    %get3A_103 = arith.constant 160 : index
    %get3A_104 = arith.constant 0 : index
    %get3A_105 = vector.load %arg8[%get3A_103, %get3A_104] : memref<193x256xf32, #tpu.memory_space<vmem>>, vector<32x256xf32>
    %dot_general3A_106 = arith.constant dense<0.000000e+00> : vector<65x256xf32>
    %dot_general3A_107 = tpu.matmul %get3A_102, %get3A_105, %dot_general3A_106 {dimension_numbers = #tpu.dot_dimension_numbers<[1], [0], [0], [1], [0, 0, 1, 1], [], []>, transpose_lhs_hint = false} : vector<65x32xf32>, vector<32x256xf32>, vector<65x256xf32> -> vector<65x256xf32>
    %mul3A = arith.constant 0.166666672 : f32
    %mul3A_108 = vector.broadcast %mul3A : f32 to vector<65x256xf32>
    %mul3A_109 = arith.mulf %dot_general3A_107, %mul3A_108 : vector<65x256xf32>
    %broadcast_in_dim3A = arith.constant 0.000000e+00 : f32
    %broadcast_in_dim3A_110 = vector.broadcast %broadcast_in_dim3A : f32 to vector<7x256xf32>
    %concatenate3A_111 = tpu.concatenate %dot_general3A_99, %broadcast_in_dim3A_110, %mul3A_109, %broadcast_in_dim3A_110 in 0 : vector<33x256xf32>, vector<7x256xf32>, vector<65x256xf32>, vector<7x256xf32> -> vector<112x256xf32>
    %convert_element_type3A_112 = arith.truncf %concatenate3A_111 : vector<112x256xf32> to vector<112x256xbf16>
    %dot_general3A_113 = arith.constant dense<0.000000e+00> : vector<1425x256xf32>
    %dot_general3A_114 = tpu.matmul %concatenate3A, %convert_element_type3A_112, %dot_general3A_113 {dimension_numbers = #tpu.dot_dimension_numbers<[0], [0], [1], [1], [0, 1, 1, 1], [], []>, transpose_lhs_hint = false} : vector<112x1425xbf16>, vector<112x256xbf16>, vector<1425x256xf32> -> vector<1425x256xf32>
    %add3A_115 = arith.addf %dot_general3A_8, %dot_general3A_114 : vector<1425x256xf32>
    %get3A_116 = arith.constant 0 : index
    %get3A_117 = arith.constant 0 : index
    %get3A_118 = arith.constant 0 : index
    %get3A_119 = vector.load %arg5[%get3A_116, %get3A_117, %get3A_118] : memref<1x1x1425xf32, #tpu.memory_space<vmem>>, vector<1x1x1425xf32>
    %get3A_120 = vector.shape_cast %get3A_119 : vector<1x1x1425xf32> to vector<1x1425xf32>
    %get3A_121 = arith.constant 192 : index
    %get3A_122 = arith.constant 0 : index
    %get3A_123 = vector.load %arg8[%get3A_121, %get3A_122] : memref<193x256xf32, #tpu.memory_space<vmem>>, vector<1x256xf32>
    %dot_general3A_124 = arith.constant dense<0.000000e+00> : vector<1425x256xf32>
    %dot_general3A_125 = tpu.matmul %get3A_120, %get3A_123, %dot_general3A_124 {dimension_numbers = #tpu.dot_dimension_numbers<[0], [0], [1], [1], [0, 1, 1, 1], [], []>, transpose_lhs_hint = false} : vector<1x1425xf32>, vector<1x256xf32>, vector<1425x256xf32> -> vector<1425x256xf32>
    %add3A_126 = arith.addf %add3A_115, %dot_general3A_125 : vector<1425x256xf32>
    %get3A_127 = arith.constant 0 : index
    %get3A_128 = arith.constant 0 : index
    %get3A_129 = vector.load %arg9[%get3A_127, %get3A_128] : memref<1x256xf32, #tpu.memory_space<vmem>>, vector<1x256xf32>
    %add3A_130 = vector.broadcast %get3A_129 : vector<1x256xf32> to vector<1425x256xf32>
    %add3A_131 = arith.addf %add3A_126, %add3A_130 : vector<1425x256xf32>
    %gt3A = arith.constant 0.000000e+00 : f32
    %gt3A_132 = vector.broadcast %gt3A : f32 to vector<1425x256xf32>
    %gt3A_133 = arith.cmpf ogt, %add3A_131, %gt3A_132 : vector<1425x256xf32>
    %exp3A = math.exp %add3A_131 : vector<1425x256xf32>
    %sub3A = arith.constant 1.000000e+00 : f32
    %sub3A_134 = vector.broadcast %sub3A : f32 to vector<1425x256xf32>
    %sub3A_135 = arith.subf %exp3A, %sub3A_134 : vector<1425x256xf32>
    %select_n3A = arith.select %gt3A_133, %add3A_131, %sub3A_135 : vector<1425x256xi1>, vector<1425x256xf32>
    %swap3A = arith.constant 0 : index
    %swap3A_136 = arith.constant 0 : index
    %swap3A_137 = arith.constant 0 : index
    %swap3A_138 = vector.load %arg10[%swap3A, %swap3A_136, %swap3A_137] : memref<1x1425x256xf32, #tpu.memory_space<vmem>>, vector<1x1425x256xf32>
    %swap3A_139 = vector.shape_cast %swap3A_138 : vector<1x1425x256xf32> to vector<1425x256xf32>
    %swap3A_140 = vector.shape_cast %select_n3A : vector<1425x256xf32> to vector<1x1425x256xf32>
    tpu.vector_store %arg10[%swap3A, %swap3A_136, %swap3A_137], %swap3A_140 {strides = array<i32>} : memref<1x1425x256xf32, #tpu.memory_space<vmem>>, vector<1x1425x256xf32>,
    return
  }
  func.func @transform_1(%arg0: i32) -> (i32, i32, i32) {
    %c0_i32 = arith.constant 0 : i32
    %c0_i32_0 = arith.constant 0 : i32
    %c0_i32_1 = arith.constant 0 : i32
    return %arg0, %c0_i32, %c0_i32_0 : i32, i32, i32
  }
  func.func @transform_2(%arg0: i32) -> (i32, i32, i32) {
    %add3A = arith.constant 64 : i32
    %add3A_0 = arith.addi %arg0, %add3A : i32
    %c0_i32 = arith.constant 0 : i32
    %c0_i32_1 = arith.constant 0 : i32
    %c0_i32_2 = arith.constant 0 : i32
    return %add3A_0, %c0_i32, %c0_i32_1 : i32, i32, i32
  }
  func.func @transform_3(%arg0: i32) -> (i32, i32, i32) {
    %add3A = arith.constant 64 : i32
    %add3A_0 = arith.addi %arg0, %add3A : i32
    %c0_i32 = arith.constant 0 : i32
    %c0_i32_1 = arith.constant 0 : i32
    %c0_i32_2 = arith.constant 0 : i32
    return %add3A_0, %c0_i32, %c0_i32_1 : i32, i32, i32
  }
  func.func @transform_4(%arg0: i32) -> (i32, i32, i32) {
    %add3A = arith.constant 64 : i32
    %add3A_0 = arith.addi %arg0, %add3A : i32
    %c0_i32 = arith.constant 0 : i32
    %c0_i32_1 = arith.constant 0 : i32
    %c0_i32_2 = arith.constant 0 : i32
    return %add3A_0, %c0_i32, %c0_i32_1 : i32, i32, i32
  }
  func.func @transform_5(%arg0: i32) -> (i32, i32) {
    %c0_i32 = arith.constant 0 : i32
    %c0_i32_0 = arith.constant 0 : i32
    %c0_i32_1 = arith.constant 0 : i32
    return %c0_i32, %c0_i32_0 : i32, i32
  }
  func.func @transform_6(%arg0: i32) -> (i32, i32) {
    %c0_i32 = arith.constant 0 : i32
    %c0_i32_0 = arith.constant 0 : i32
    %c0_i32_1 = arith.constant 0 : i32
    return %c0_i32, %c0_i32_0 : i32, i32
  }
  func.func @transform_7(%arg0: i32) -> (i32, i32) {
    %c0_i32 = arith.constant 0 : i32
    %c0_i32_0 = arith.constant 0 : i32
    %c0_i32_1 = arith.constant 0 : i32
    return %c0_i32, %c0_i32_0 : i32, i32
  }
  func.func @transform_8(%arg0: i32) -> (i32, i32) {
    %c0_i32 = arith.constant 0 : i32
    %c0_i32_0 = arith.constant 0 : i32
    %c0_i32_1 = arith.constant 0 : i32
    return %c0_i32, %c0_i32_0 : i32, i32
  }
  func.func @transform_9(%arg0: i32) -> (i32, i32, i32) {
    %add3A = arith.constant 64 : i32
    %add3A_0 = arith.addi %arg0, %add3A : i32
    %c0_i32 = arith.constant 0 : i32
    %c0_i32_1 = arith.constant 0 : i32
    %c0_i32_2 = arith.constant 0 : i32
    return %add3A_0, %c0_i32, %c0_i32_1 : i32, i32, i32
  }
}

</mosaic_0001>

<sc_bundles>
// kernel: kernel.10.cloned.1.call-start
scs
__scs_entry_jumppad:
0x0: {  	(pc) =	sbr.rel $0x88, $3  }
0x1: {  	(tag) =	ssettag $0x0;
	lr =	simm.s32 $0x1  }
0x2: {  	[smem:$0x3F9B] =	sst lr;
	_ =	strace $0xD0000000  }
0x3: {  	_ = 	snop  }
0x4: {  	_ = 	snop  }
0x5: {  	_ = 	snop  }
0x6: {  	_ = 	snop  }
0x7: {  	_ = 	snop  }
__scs_overlays_trampoline_lowered:
0x8: {  	[smem:$0x3FAA] =	sst s0  }
0x9: {  	[smem:$0x3FAB] =	sst s1  }
0xa: {  	[smem:$0x3FAC] =	sst s2  }
0xb: {  	[smem:$0x3FAD] =	sst s3  }
0xc: {  	[smem:$0x3FAE] =	sst s4  }
0xd: {  	[smem:$0x3FAF] =	sst s5  }
0xe: {  	[smem:$0x3FB0] =	sst s6  }
0xf: {  	[smem:$0x3FB1] =	sst s7  }
0x10: {  	[smem:$0x3FB2] =	sst s8  }
0x11: {  	[smem:$0x3FB3] =	sst s9;
	s0 =	simm.s32 @!p0 $0x0  }
0x12: {  	s1 =	sld [smem:$0x3F99];
	s0 =	simm.s32 @p0 $0x1  }
0x13: {  	[smem:$0x3FB4] =	sst s0;
	s0 =	simm.s32 @!p1 $0x0  }
0x14: {  	s2 =	sld [smem:$0x3F98];
	s0 =	simm.s32 @p1 $0x1  }
0x15: {  	[smem:$0x3FB5] =	sst s0;
	s0 =	simm.s32 @!p2 $0x0  }
0x16: {  	s3 =	sld [smem:$0x3FDB];
	s0 =	simm.s32 @p2 $0x1  }
0x17: {  	s4 =	simm.s32 $0x1BF5;
	[smem:$0x3FB7] =	sst s0  }
0x18: {  	s0 =	sld [smem:$0x3F9A];
	_ =	swait.ge [sflag:s4], $0x0  }
0x19: {  	s7 =	sld [smem:$0x3F9B]  }
0x1a: {  	s8 =	sadd.s32 $0xFFFFE003, lr  }
0x1b: {  	s9 =	sadd.s32 $0xFFFFFEF7, lr;
	s5 =	simm.s32 $0xFFFFFFFF;
	p2 =	slt.u32 s8, $0xFFFFF086  }
0x1c: {  	p1 =	slt.u32 s9, $0xF7A;
	s5 =	simm.s32 @!p2 $0x0  }
0x1d: {  	s5 =	simm.s32 @p1 $0x1;
	p0 =	seq.s32 s7, s2  }
0x1e: {  	s7 =	smul.u32 @!p0 $0xF7A, s2;
	p2 =	seq.s32 @!p0 s5, $0x0  }
0x1f: {  	s9 =	smul.u32 $0xF7A, s1;
	s8 =	simm.s32 @!p0 $0x1BF5;
	p2 =	por !p2, p0  }
0x20: {  	[sflag:s8] =	ssyncset.s32 @!p0 $0xFFFFF086;
	s6 =	sadd.s32 @!p0 s3, s7;
	s7 =	simm.s32 @!p0 $0x108  }
0x21: {  	s3 =	sadd.s32 s3, s9;
	s6 =	sadd.s32 @!p0 $0x88, s6;
	s7 =	simm.s32 @p2 $0x1082  }
0x22: {  	[simem:s7], [sflag:s8] =	dma.local @!p0 [hbm:s6], $0xF7A  }
0x23: {  	s9 =	sor.u32 $0xD0000000, s2;
	s6 =	simm.s32 $0x108;
	_ =	swait.ge @!p0 [sflag:s8], $0x0  }
0x24: {  	s3 =	sadd.s32 $0x88, s3;
	s6 =	simm.s32 @!p1 $0x1082;
	[sflag:s4] =	ssyncset.s32 $0xFFFFF086  }
0x25: {  	[simem:s6], [sflag:s4] =	dma.local [hbm:s3], $0xF7A  }
0x26: {  	[smem:$0x3F9B] =	sst s1;
	(tag) =	ssettag s2;
	_ =	strace s9  }
0x27: {  	s1 =	sld [smem:$0x3FAB]  }
0x28: {  	s2 =	sld [smem:$0x3FAC]  }
0x29: {  	s4 =	sld [smem:$0x3FAE]  }
0x2a: {  	p0 =	seq.s32 s5, $0x0;
	s5 =	sld [smem:$0x3FAF]  }
0x2b: {  	s6 =	sld [smem:$0x3FB0]  }
0x2c: {  	s7 =	sld [smem:$0x3FB1]  }
0x2d: {  	s3 =	simm.s32 $0x108;
	s8 =	sld [smem:$0x3FB2]  }
0x2e: {  	s3 =	simm.s32 @!p0 $0x1082;
	s9 =	sld [smem:$0x3FB3]  }
0x2f: {  	lr =	sadd.s32 s0, s3;
	s0 =	sld [smem:$0x3FAA]  }
0x30: {  	s3 =	sld [smem:$0x3FAD]  }
0x31: {  	[smem:$0x3FB6] =	sst s10  }
0x32: {  	s10 =	sld [smem:$0x3FB4];
	_ =	sdelay $0x3  }
0x33: {  	p0 =	seq.s32 s10, $0x1;
	s10 =	sld [smem:$0x3FB6];
	_ =	sdelay $0x3  }
0x34: {  	[smem:$0x3FB6] =	sst s10  }
0x35: {  	s10 =	sld [smem:$0x3FB5];
	_ =	sdelay $0x3  }
0x36: {  	p1 =	seq.s32 s10, $0x1;
	s10 =	sld [smem:$0x3FB6];
	_ =	sdelay $0x3  }
0x37: {  	[smem:$0x3FB6] =	sst s10  }
0x38: {  	s10 =	sld [smem:$0x3FB7]  }
0x39: {  	_ = 	snop;
	(pc) =	sbr.ind lr, $3  }
0x3a: {  	_ = 	snop  }
0x3b: {  	_ = 	snop  }
0x3c: {  	p2 =	seq.s32 s10, $0x1;
	s10 =	sld [smem:$0x3FB6]  }
0x3d: {  	_ =	shalt  }
0x3e: {  	_ =	shalt  }
0x3f: {  	_ =	shalt  }
0x40: {  	_ =	shalt  }
0x41: {  	_ =	shalt  }
0x42: {  	_ =	shalt  }
0x43: {  	_ =	shalt  }
0x44: {  	_ =	shalt  }
0x45: {  	_ =	shalt  }
0x46: {  	_ =	shalt  }
0x47: {  	_ =	shalt  }
0x48: {  	_ =	shalt  }
0x49: {  	_ =	shalt  }
0x4a: {  	_ =	shalt  }
0x4b: {  	_ =	shalt  }
0x4c: {  	_ =	shalt  }
0x4d: {  	_ =	shalt  }
0x4e: {  	_ =	shalt  }
0x4f: {  	_ =	shalt  }
0x50: {  	_ =	shalt  }
0x51: {  	_ =	shalt  }
0x52: {  	_ =	shalt  }
0x53: {  	_ =	shalt  }
0x54: {  	_ =	shalt  }
0x55: {  	_ =	shalt  }
0x56: {  	_ =	shalt  }
0x57: {  	_ =	shalt  }
0x58: {  	_ =	shalt  }
0x59: {  	_ =	shalt  }
0x5a: {  	_ =	shalt  }
0x5b: {  	_ =	shalt  }
0x5c: {  	_ =	shalt  }
0x5d: {  	_ =	shalt  }
0x5e: {  	_ =	shalt  }
0x5f: {  	_ =	shalt  }
0x60: {  	_ =	shalt  }
0x61: {  	_ =	shalt  }
0x62: {  	_ =	shalt  }
0x63: {  	_ =	shalt  }
0x64: {  	_ =	shalt  }
0x65: {  	_ =	shalt  }
0x66: {  	_ =	shalt  }
0x67: {  	_ =	shalt  }
0x68: {  	_ =	shalt  }
0x69: {  	_ =	shalt  }
0x6a: {  	_ =	shalt  }
0x6b: {  	_ =	shalt  }
0x6c: {  	_ =	shalt  }
0x6d: {  	_ =	shalt  }
0x6e: {  	_ =	shalt  }
0x6f: {  	_ =	shalt  }
0x70: {  	_ =	shalt  }
0x71: {  	_ =	shalt  }
0x72: {  	_ =	shalt  }
0x73: {  	_ =	shalt  }
0x74: {  	_ =	shalt  }
0x75: {  	_ =	shalt  }
0x76: {  	_ =	shalt  }
0x77: {  	_ =	shalt  }
0x78: {  	_ =	shalt  }
0x79: {  	_ =	shalt  }
0x7a: {  	_ =	shalt  }
0x7b: {  	_ =	shalt  }
0x7c: {  	_ =	shalt  }
0x7d: {  	_ =	shalt  }
0x7e: {  	_ =	shalt  }
0x7f: {  	_ =	shalt  }
0x80: {  	_ =	shalt  }
0x81: {  	_ =	shalt  }
0x82: {  	_ =	shalt  }
0x83: {  	_ =	shalt  }
0x84: {  	_ =	shalt  }
0x85: {  	_ =	shalt  }
0x86: {  	_ =	shalt  }
0x87: {  	_ =	shalt  }
.Lfunc_end0:
.L_simem_size_0:
called_computation_lowered:
.L_overlay_start_0:
0x88: {  	s2 =	sld [smem:$0x3FD9]  }
0x89: {  	s3 =	sld [smem:$0x3FFE];
	_ =	sdelay $0x1  }
0x8a: {  	s1 =	srdreg.scid  }
0x8b: {  	s0 =	sand.u32 $0x1, s1  }
0x8c: {  	s17 =	sshll.u32 s0, $0xA;
	s2 =	sadd.s32 s3, s2  }
0x8d: {  	s2 =	sadd.s32 s2, s17  }
0x8e: {  	[smem:$0x3FC2] =	sst s2  }
0x8f: {  	_ = 	snop  }
0x90: {  	s2 =	sld [smem:$0x3FC8];
	(tm) =	ssettm $0x1  }
0x91: {  	s18 =	sld [smem:$0x3FFB];
	_ =	sdelay $0x3  }
0x92: {  	_ =	strace s18  }
0x93: {  	s3 =	sld [smem:$0x3FFC];
	_ =	sdelay $0x3  }
0x94: {  	_ =	strace s3  }
0x95: {  	s3 =	sld [smem:$0x3FFD];
	_ =	sdelay $0x3  }
0x96: {  	_ =	strace s3  }
0x97: {  	_ =	strace $0x8FFFFFFF  }
0x98: {  	s19 =	sld [smem:$0x3FDB];
	_ =	sdelay $0x1  }
0x99: {  	s4 =	simm.s32 $_scs_section_size  }
0x9a: {  	s5 =	simm.s32 $_size__tile_overlayer_lowered;
	s6 =	simm.s32 $_tile_overlayer_lowered  }
0x9b: {  	s22 =	simm.s32 $0x1BFF;
	s21 =	sshll.u32 s6, $0x1;
	s3 =	sadd.s32 s4, s19  }
0x9c: {  	s7 =	simm.s32 $0x0;
	s20 =	sshll.u32 s5, $0x1;
	s5 =	sadd.s32 s21, s3  }
0x9d: {  	[timem:s7], [sflag:s22] =	dma.local [hbm:s5], s20  }
0x9e: {  	_ =	swait.ge [sflag:s22], s20  }
0x9f: {  	s4 =	ssub.s32 $0x0, s20;
	[sflag:s22] =	ssyncset.done $0x0  }
0xa0: {  	[sflag:s22] =	ssyncadd.s32 s4;
	_ =	sdelay $0x1  }
0xa1: {  	s23 =	simm.s32 $0x1B8B  }
0xa2: {  	_ =	swait.ge [sflag:s23], $0x1  }
0xa3: {  	[sflag:s23] =	ssyncset.done $0x0  }
0xa4: {  	s25 =	simm.s32 $0x1B8E;
	s24 =	sld [smem:$0x3FFE];
	[sflag:s23] =	ssyncadd.s32 $0xFFFFFFFF  }
0xa5: {  	s26 =	simm.s32 $execute0_lowered;
	[smem:$0x3FD2] =	sst s25  }
0xa6: {  	s5 =	sshll.u32 s26, $0x1;
	_ =	strace $0x80000046;
	[dreg:$0x1] =	wrdreg $0xFFFFFFFF  }
0xa7: {  	s28 =	simm.s32 $_size_execute0_lowered;
	s3 =	sadd.s32 s3, s5;
	[dreg:$0x0] =	wrdreg $0x0  }
0xa8: {  	s5 =	sshll.u32 s28, $0x1;
	[dreg:$0x2] =	wrdreg s3  }
0xa9: {  	[dreg:$0x3] =	wrdreg s5  }
0xaa: {  	[dreg:$0x4] =	wrdreg $0xC0  }
0xab: {  	_ =	task [dreg:s7], $0x5FFFF  }
0xac: {  	[dreg:$0x1] =	wrdreg $0xFFFFFFFF  }
0xad: {  	[dreg:$0x0] =	wrdreg $0x60  }
0xae: {  	[dreg:$0x2] =	wrdreg s2  }
0xaf: {  	[dreg:$0x3] =	wrdreg s24  }
0xb0: {  	[dreg:$0x4] =	wrdreg $0x9  }
0xb1: {  	_ =	task.clear_ibuf [dreg:s7], $0x5FFFF;
	_ =	strace $0x90000046  }
0xb2: {  	s29 =	simm.s32 $0x9;
	_ =	strace $0x80000048  }
0xb3: {  	_ =	swait.ge [sflag:s29], $0x1  }
0xb4: {  	[sflag:s29] =	ssyncadd.s32 $0xFFFFFFFF  }
0xb5: {  	_ =	strace $0x90000048  }
0xb6: {  	_ =	sfence  }
0xb7: {  	s30 =	sld [smem:$0x0];
	_ =	sdelay $0x2  }
0xb8: {  	s31 =	sshll.u32 s1, $0xD;
	s1 =	sshrl.u32 s1, $0x2  }
0xb9: {  	s3 =	sand.u32 $0x4000, s31;
	s1 =	sadd.s32 s1, s30  }
0xba: {  	s0 =	sor.u32 s3, s0;
	s1 =	sshll.u32 s1, $0x11  }
0xbb: {  	s0 =	sor.u32 s1, s0  }
0xbc: {  	s0 =	sadd.s32 $0x8F2B, s0  }
0xbd: {  	[sflag:s0] =	ssyncadd.remote.s32 $0x1  }
0xbe: {  	_ =	sfence.sel $0xFFFF  }
0xbf: {  	[dreg:$0x0] =	wrdreg $0xFFFFFFFF;
	(pc) =	sbr.abs _section_cstart, $3  }
0xc0: {  	[dreg:$0x1] =	wrdreg $0xFFFFFFFF  }
0xc1: {  	_ =	task.clear_ibuf [dreg:s7], $0x2FFFF;
	_ =	strace $0x9FFFFFFF  }
0xc2: {  	(tm) =	ssettm $0x7FFFFFFF  }
0xc3: {  	_ =	shalt  }
tec
execute0_lowered:
.L_overlay_start_1:
0x0: {  	(tag) =	ssettag $0x1  }
0x1: {  	s1 =	srdreg.scid;
	s0 =	stileid.u32  }
0x2: {  	s1 =	sand.u32 $0x1, s1;
	s3 =	sshll.u32 s0, $0x1  }
0x3: {  	s4 =	sor.u32 s1, s3  }
0x4: {  	s2 =	rddreg [dreg:$0x0];
	s6 =	smul.u32 $0xB4, s4  }
0x5: {  	s5 =	rddreg [dreg:$0x1];
	s3 =	simm.s32 $0x0;
	s7 =	smul.u32 $0x2D000, s4  }
0x6: {  	[smem:$0x7FF] =	sst s3;
	s4 =	smul.u32 $0x5A00, s4  }
0x7: {  	s6 =	sadd.s32 s6, s5;
	s5 =	sadd.s32 $0xD600, s5;
	s7 =	sshrl.u32 s7, $0x3  }
0x8: {  	_ =	strace $0x80000047;
	s6 =	sadd.s32 $0x7C00, s6;
	s7 =	sadd.s32 s5, s7  }
0x9: {  	s4 =	sadd.s32 s5, s4;
	[dreg:$0x3] =	wrdreg s6;
	s21 =	sadd.s32 $0x5280, s7  }
0xa: {  	s5 =	sadd.s32 $0x780, s4;
	[dreg:$0x4] =	wrdreg s21  }
0xb: {  	s22 =	sadd.s32 $0xF00, s4;
	[dreg:$0x5] =	wrdreg s5  }
0xc: {  	s23 =	sadd.s32 $0x1680, s4;
	[dreg:$0x6] =	wrdreg s22  }
0xd: {  	[dreg:$0x7] =	wrdreg s23  }
0xe: {  	s24 =	sadd.s32 $0x1E00, s4;
	s25 =	rddreg [dreg:$0x3]  }
0xf: {  	s26 =	sadd.s32 $0x2580, s4;
	[dreg:$0x8] =	wrdreg s24  }
0x10: {  	[dreg:$0x9] =	wrdreg s26;
	s5 =	simm.s32 $0x7  }
0x11: {  	[tilespmem:s3], [sflag:$0x7] =	stream.linear.gather [hbm4b:s25+s3], $0x5A0, $0x38;
	[tilespmem:$0xBA00] =	vst v63  }
0x12: {  	_ =	swait.ge [sflag:s5], $0x5A0  }
0x13: {  	[sflag:s5] =	ssyncset.done $0x0  }
0x14: {  	s6 =	simm.s32 $0x78;
	s7 =	simm.s32 $0x600;
	[sflag:s5] =	ssyncadd.s32 $0xFFFFFA60  }
0x15: {  	[tilespmem:s7], [sflag:$0x1] =	stream.indirect.gather [hbm4b:s2+s6], $0x80, s3, s6, $0xb8;
	[tilespmem:$0xBA00] =	vst v63  }
0x16: {  	s8 =	simm.s32 $0x4200;
	s9 =	simm.s32 $0x1  }
0x17: {  	[tilespmem:s8], [sflag:$0x2] =	stream.indirect.gather [hbm4b:s2+s6], $0x80, s6, s6, $0xb8;
	[tilespmem:$0xBA00] =	vst v63  }
0x18: {  	_ =	swait.ge [sflag:s9], $0x3C00  }
0x19: {  	[sflag:s9] =	ssyncset.done $0x0  }
0x1a: {  	[sflag:s9] =	ssyncadd.s32 $0xFFFFC400  }
0x1b: {  	[hbm4b:s4+s3] =	stream.linear.scatter [tilespmem:s7], [sflag:$0x4], $0x3C00, $0x38;
	[tilespmem:$0xBA00] =	vst v63  }
0x1c: {  	s10 =	simm.s32 $0xF0;
	s11 =	simm.s32 $0x7E00;
	s12 =	simm.s32 $0x2  }
0x1d: {  	[tilespmem:s11], [sflag:$0x3] =	stream.indirect.gather [hbm4b:s2+s6], $0x80, s10, s6, $0xb8;
	[tilespmem:$0xBA00] =	vst v63  }
0x1e: {  	_ =	swait.ge [sflag:s12], $0x3C00  }
0x1f: {  	[sflag:s12] =	ssyncset.done $0x0  }
0x20: {  	s13 =	simm.s32 $0x4;
	s14 =	rddreg [dreg:$0x5];
	[sflag:s12] =	ssyncadd.s32 $0xFFFFC400  }
0x21: {  	[hbm4b:s14+s3] =	stream.linear.scatter [tilespmem:s8], [sflag:$0x5], $0x3C00, $0x38;
	[tilespmem:$0xBA00] =	vst v63  }
0x22: {  	_ =	swait.ge [sflag:s13], $0x3C00  }
0x23: {  	[sflag:s13] =	ssyncset.done $0x0  }
0x24: {  	s15 =	simm.s32 $0x3;
	s14 =	simm.s32 $0x168;
	[sflag:s13] =	ssyncadd.s32 $0xFFFFC400  }
0x25: {  	[tilespmem:s7], [sflag:$0x1] =	stream.indirect.gather [hbm4b:s2+s6], $0x80, s14, s6, $0xb8;
	[tilespmem:$0xBA00] =	vst v63  }
0x26: {  	_ =	swait.ge [sflag:s15], $0x3C00  }
0x27: {  	[sflag:s15] =	ssyncset.done $0x0  }
0x28: {  	s16 =	simm.s32 $0x5;
	s17 =	rddreg [dreg:$0x6];
	[sflag:s15] =	ssyncadd.s32 $0xFFFFC400  }
0x29: {  	[hbm4b:s17+s3] =	stream.linear.scatter [tilespmem:s11], [sflag:$0x6], $0x3C00, $0x38;
	[tilespmem:$0xBA00] =	vst v63  }
0x2a: {  	_ =	swait.ge [sflag:s16], $0x3C00  }
0x2b: {  	[sflag:s16] =	ssyncset.done $0x0  }
0x2c: {  	s17 =	simm.s32 $0x1E0;
	[sflag:s16] =	ssyncadd.s32 $0xFFFFC400  }
0x2d: {  	[tilespmem:s8], [sflag:$0x2] =	stream.indirect.gather [hbm4b:s2+s6], $0x80, s17, s6, $0xb8;
	[tilespmem:$0xBA00] =	vst v63  }
0x2e: {  	_ =	swait.ge [sflag:s9], $0x3C00  }
0x2f: {  	[sflag:s9] =	ssyncset.done $0x0  }
0x30: {  	s18 =	simm.s32 $0x6;
	s19 =	rddreg [dreg:$0x7];
	[sflag:s9] =	ssyncadd.s32 $0xFFFFC400  }
0x31: {  	[hbm4b:s19+s3] =	stream.linear.scatter [tilespmem:s7], [sflag:$0x4], $0x3C00, $0x38;
	[tilespmem:$0xBA00] =	vst v63  }
0x32: {  	_ =	swait.ge [sflag:s18], $0x3C00  }
0x33: {  	[sflag:s18] =	ssyncset.done $0x0  }
0x34: {  	s19 =	simm.s32 $0x258;
	[sflag:s18] =	ssyncadd.s32 $0xFFFFC400  }
0x35: {  	[tilespmem:s11], [sflag:$0x3] =	stream.indirect.gather [hbm4b:s2+s6], $0x80, s19, s6, $0xb8;
	[tilespmem:$0xBA00] =	vst v63  }
0x36: {  	_ =	swait.ge [sflag:s12], $0x3C00  }
0x37: {  	[sflag:s12] =	ssyncset.done $0x0  }
0x38: {  	s20 =	rddreg [dreg:$0x8];
	[sflag:s12] =	ssyncadd.s32 $0xFFFFC400  }
0x39: {  	[hbm4b:s20+s3] =	stream.linear.scatter [tilespmem:s8], [sflag:$0x5], $0x3C00, $0x38;
	[tilespmem:$0xBA00] =	vst v63  }
0x3a: {  	_ =	swait.ge [sflag:s13], $0x3C00  }
0x3b: {  	[sflag:s13] =	ssyncset.done $0x0  }
0x3c: {  	s20 =	simm.s32 $0x2D0;
	[sflag:s13] =	ssyncadd.s32 $0xFFFFC400  }
0x3d: {  	[tilespmem:s7], [sflag:$0x1] =	stream.indirect.gather [hbm4b:s2+s6], $0x80, s20, s6, $0xb8;
	[tilespmem:$0xBA00] =	vst v63  }
0x3e: {  	_ =	swait.ge [sflag:s15], $0x3C00  }
0x3f: {  	[sflag:s15] =	ssyncset.done $0x0  }
0x40: {  	s21 =	rddreg [dreg:$0x9];
	[sflag:s15] =	ssyncadd.s32 $0xFFFFC400  }
0x41: {  	[hbm4b:s21+s3] =	stream.linear.scatter [tilespmem:s11], [sflag:$0x6], $0x3C00, $0x38;
	[tilespmem:$0xBA00] =	vst v63  }
0x42: {  	_ =	swait.ge [sflag:s16], $0x3C00  }
0x43: {  	[sflag:s16] =	ssyncset.done $0x0  }
0x44: {  	s21 =	simm.s32 $0x348;
	[sflag:s16] =	ssyncadd.s32 $0xFFFFC400  }
0x45: {  	[tilespmem:s8], [sflag:$0x2] =	stream.indirect.gather [hbm4b:s2+s6], $0x80, s21, s6, $0xb8;
	[tilespmem:$0xBA00] =	vst v63  }
0x46: {  	_ =	swait.ge [sflag:s9], $0x3C00  }
0x47: {  	[sflag:s9] =	ssyncset.done $0x0  }
0x48: {  	s22 =	sadd.s32 $0x2D00, s4;
	[sflag:s9] =	ssyncadd.s32 $0xFFFFC400  }
0x49: {  	[hbm4b:s22+s3] =	stream.linear.scatter [tilespmem:s7], [sflag:$0x4], $0x3C00, $0x38;
	[tilespmem:$0xBA00] =	vst v63  }
0x4a: {  	_ =	swait.ge [sflag:s18], $0x3C00  }
0x4b: {  	[sflag:s18] =	ssyncset.done $0x0  }
0x4c: {  	s23 =	simm.s32 $0x3C0;
	[sflag:s18] =	ssyncadd.s32 $0xFFFFC400  }
0x4d: {  	[tilespmem:s11], [sflag:$0x3] =	stream.indirect.gather [hbm4b:s2+s6], $0x80, s23, s6, $0xb8;
	[tilespmem:$0xBA00] =	vst v63  }
0x4e: {  	_ =	swait.ge [sflag:s12], $0x3C00  }
0x4f: {  	[sflag:s12] =	ssyncset.done $0x0  }
0x50: {  	s24 =	sadd.s32 $0x3480, s4;
	[sflag:s12] =	ssyncadd.s32 $0xFFFFC400  }
0x51: {  	[hbm4b:s24+s3] =	stream.linear.scatter [tilespmem:s8], [sflag:$0x5], $0x3C00, $0x38;
	[tilespmem:$0xBA00] =	vst v63  }
0x52: {  	_ =	swait.ge [sflag:s13], $0x3C00  }
0x53: {  	[sflag:s13] =	ssyncset.done $0x0  }
0x54: {  	s25 =	simm.s32 $0x438;
	[sflag:s13] =	ssyncadd.s32 $0xFFFFC400  }
0x55: {  	[tilespmem:s7], [sflag:$0x1] =	stream.indirect.gather [hbm4b:s2+s6], $0x80, s25, s6, $0xb8;
	[tilespmem:$0xBA00] =	vst v63  }
0x56: {  	_ =	swait.ge [sflag:s15], $0x3C00  }
0x57: {  	[sflag:s15] =	ssyncset.done $0x0  }
0x58: {  	s26 =	sadd.s32 $0x3C00, s4;
	[sflag:s15] =	ssyncadd.s32 $0xFFFFC400  }
0x59: {  	[hbm4b:s26+s3] =	stream.linear.scatter [tilespmem:s11], [sflag:$0x6], $0x3C00, $0x38;
	[tilespmem:$0xBA00] =	vst v63  }
0x5a: {  	_ =	swait.ge [sflag:s16], $0x3C00  }
0x5b: {  	[sflag:s16] =	ssyncset.done $0x0  }
0x5c: {  	s28 =	simm.s32 $0x4B0;
	[sflag:s16] =	ssyncadd.s32 $0xFFFFC400  }
0x5d: {  	[tilespmem:s8], [sflag:$0x2] =	stream.indirect.gather [hbm4b:s2+s6], $0x80, s28, s6, $0xb8;
	[tilespmem:$0xBA00] =	vst v63  }
0x5e: {  	_ =	swait.ge [sflag:s9], $0x3C00  }
0x5f: {  	[sflag:s9] =	ssyncset.done $0x0  }
0x60: {  	s29 =	sadd.s32 $0x4380, s4;
	[sflag:s9] =	ssyncadd.s32 $0xFFFFC400  }
0x61: {  	[hbm4b:s29+s3] =	stream.linear.scatter [tilespmem:s7], [sflag:$0x4], $0x3C00, $0x38;
	[tilespmem:$0xBA00] =	vst v63  }
0x62: {  	_ =	swait.ge [sflag:s18], $0x3C00  }
0x63: {  	[sflag:s18] =	ssyncset.done $0x0  }
0x64: {  	s30 =	simm.s32 $0x528;
	[sflag:s18] =	ssyncadd.s32 $0xFFFFC400  }
0x65: {  	[tilespmem:s11], [sflag:$0x3] =	stream.indirect.gather [hbm4b:s2+s6], $0x80, s30, s6, $0xb8;
	[tilespmem:$0xBA00] =	vst v63  }
0x66: {  	_ =	swait.ge [sflag:s12], $0x3C00  }
0x67: {  	[sflag:s12] =	ssyncset.done $0x0  }
0x68: {  	s31 =	sadd.s32 $0x4B00, s4;
	[sflag:s12] =	ssyncadd.s32 $0xFFFFC400  }
0x69: {  	[hbm4b:s31+s3] =	stream.linear.scatter [tilespmem:s8], [sflag:$0x5], $0x3C00, $0x38;
	[tilespmem:$0xBA00] =	vst v63  }
0x6a: {  	_ =	swait.ge [sflag:s15], $0x3C00  }
0x6b: {  	[sflag:s15] =	ssyncset.done $0x0  }
0x6c: {  	s0 =	rddreg [dreg:$0x4];
	[sflag:s15] =	ssyncadd.s32 $0xFFFFC400  }
0x6d: {  	[hbm4b:s0+s3] =	stream.linear.scatter [tilespmem:s11], [sflag:$0x6], $0x3C00, $0x38;
	[tilespmem:$0xBA00] =	vst v63  }
0x6e: {  	s0 =	ssub.s32 $0x2, s1  }
0x6f: {  	s1 =	sshrl.u32 s0, $0x1  }
0x70: {  	s0 =	ssub.s32 s0, s1  }
0x71: {  	_ =	swait.ge [sflag:s13], $0x3C00;
	s0 =	smax.u32 s0, $0x1  }
0x72: {  	[sflag:s13] =	ssyncset.done $0x0;
	p0 =	sne.s32 s0, $0x1  }
.Ltmp0:
0x73: {  	[sflag:s13] =	ssyncadd.s32 $0xFFFFC400;
	(pc) =	sbr.rel @!p0 .LBB2_2-.Ltmp0, $4  }
0x74: {  	_ =	swait.ge [sflag:s16], $0x3C00  }
0x75: {  	[sflag:s16] =	ssyncset.done $0x0  }
0x76: {  	[sflag:s16] =	ssyncadd.s32 $0xFFFFC400  }
0x77: {  	s1 =	sadd.s32 $0xFFFFFFFF, s0;
	_ =	swait.ge [sflag:s18], $0x3C00  }
.LBB2_1:
0x78: {  	[sflag:s18] =	ssyncset.done $0x0  }
0x79: {  	s0 =	rddreg [dreg:$0x3];
	[sflag:s18] =	ssyncadd.s32 $0xFFFFC400  }
0x7a: {  	[tilespmem:s3], [sflag:$0x7] =	stream.linear.gather [hbm4b:s0+s3], $0x5A0, $0x38;
	[tilespmem:$0xBA00] =	vst v63  }
0x7b: {  	_ =	swait.ge [sflag:s5], $0x5A0  }
0x7c: {  	[sflag:s5] =	ssyncset.done $0x0  }
0x7d: {  	[sflag:s5] =	ssyncadd.s32 $0xFFFFFA60  }
0x7e: {  	[tilespmem:s7], [sflag:$0x1] =	stream.indirect.gather [hbm4b:s2+s6], $0x80, s3, s6, $0xb8;
	[tilespmem:$0xBA00] =	vst v63  }
0x7f: {  	_ = 	snop  }
0x80: {  	[tilespmem:s8], [sflag:$0x2] =	stream.indirect.gather [hbm4b:s2+s6], $0x80, s6, s6, $0xb8;
	[tilespmem:$0xBA00] =	vst v63  }
0x81: {  	_ =	swait.ge [sflag:s9], $0x3C00  }
0x82: {  	[sflag:s9] =	ssyncset.done $0x0  }
0x83: {  	[sflag:s9] =	ssyncadd.s32 $0xFFFFC400  }
0x84: {  	[hbm4b:s4+s3] =	stream.linear.scatter [tilespmem:s7], [sflag:$0x4], $0x3C00, $0x38;
	[tilespmem:$0xBA00] =	vst v63  }
0x85: {  	_ = 	snop  }
0x86: {  	[tilespmem:s11], [sflag:$0x3] =	stream.indirect.gather [hbm4b:s2+s6], $0x80, s10, s6, $0xb8;
	[tilespmem:$0xBA00] =	vst v63  }
0x87: {  	_ =	swait.ge [sflag:s12], $0x3C00  }
0x88: {  	[sflag:s12] =	ssyncset.done $0x0  }
0x89: {  	s0 =	rddreg [dreg:$0x5];
	[sflag:s12] =	ssyncadd.s32 $0xFFFFC400  }
0x8a: {  	[hbm4b:s0+s3] =	stream.linear.scatter [tilespmem:s8], [sflag:$0x5], $0x3C00, $0x38;
	[tilespmem:$0xBA00] =	vst v63  }
0x8b: {  	_ =	swait.ge [sflag:s13], $0x3C00  }
0x8c: {  	[sflag:s13] =	ssyncset.done $0x0  }
0x8d: {  	[sflag:s13] =	ssyncadd.s32 $0xFFFFC400  }
0x8e: {  	[tilespmem:s7], [sflag:$0x1] =	stream.indirect.gather [hbm4b:s2+s6], $0x80, s14, s6, $0xb8;
	[tilespmem:$0xBA00] =	vst v63  }
0x8f: {  	_ =	swait.ge [sflag:s15], $0x3C00  }
0x90: {  	[sflag:s15] =	ssyncset.done $0x0  }
0x91: {  	s0 =	rddreg [dreg:$0x6];
	[sflag:s15] =	ssyncadd.s32 $0xFFFFC400  }
0x92: {  	[hbm4b:s0+s3] =	stream.linear.scatter [tilespmem:s11], [sflag:$0x6], $0x3C00, $0x38;
	[tilespmem:$0xBA00] =	vst v63  }
0x93: {  	_ =	swait.ge [sflag:s16], $0x3C00  }
0x94: {  	[sflag:s16] =	ssyncset.done $0x0  }
0x95: {  	[sflag:s16] =	ssyncadd.s32 $0xFFFFC400  }
0x96: {  	[tilespmem:s8], [sflag:$0x2] =	stream.indirect.gather [hbm4b:s2+s6], $0x80, s17, s6, $0xb8;
	[tilespmem:$0xBA00] =	vst v63  }
0x97: {  	_ =	swait.ge [sflag:s9], $0x3C00  }
0x98: {  	[sflag:s9] =	ssyncset.done $0x0  }
0x99: {  	s0 =	rddreg [dreg:$0x7];
	[sflag:s9] =	ssyncadd.s32 $0xFFFFC400  }
0x9a: {  	[hbm4b:s0+s3] =	stream.linear.scatter [tilespmem:s7], [sflag:$0x4], $0x3C00, $0x38;
	[tilespmem:$0xBA00] =	vst v63  }
0x9b: {  	_ =	swait.ge [sflag:s18], $0x3C00  }
0x9c: {  	[sflag:s18] =	ssyncset.done $0x0  }
0x9d: {  	[sflag:s18] =	ssyncadd.s32 $0xFFFFC400  }
0x9e: {  	[tilespmem:s11], [sflag:$0x3] =	stream.indirect.gather [hbm4b:s2+s6], $0x80, s19, s6, $0xb8;
	[tilespmem:$0xBA00] =	vst v63  }
0x9f: {  	_ =	swait.ge [sflag:s12], $0x3C00  }
0xa0: {  	[sflag:s12] =	ssyncset.done $0x0  }
0xa1: {  	s0 =	rddreg [dreg:$0x8];
	[sflag:s12] =	ssyncadd.s32 $0xFFFFC400  }
0xa2: {  	[hbm4b:s0+s3] =	stream.linear.scatter [tilespmem:s8], [sflag:$0x5], $0x3C00, $0x38;
	[tilespmem:$0xBA00] =	vst v63  }
0xa3: {  	_ =	swait.ge [sflag:s13], $0x3C00  }
0xa4: {  	[sflag:s13] =	ssyncset.done $0x0  }
0xa5: {  	[sflag:s13] =	ssyncadd.s32 $0xFFFFC400  }
0xa6: {  	[tilespmem:s7], [sflag:$0x1] =	stream.indirect.gather [hbm4b:s2+s6], $0x80, s20, s6, $0xb8;
	[tilespmem:$0xBA00] =	vst v63  }
0xa7: {  	_ =	swait.ge [sflag:s15], $0x3C00  }
0xa8: {  	[sflag:s15] =	ssyncset.done $0x0  }
0xa9: {  	s0 =	rddreg [dreg:$0x9];
	[sflag:s15] =	ssyncadd.s32 $0xFFFFC400  }
0xaa: {  	[hbm4b:s0+s3] =	stream.linear.scatter [tilespmem:s11], [sflag:$0x6], $0x3C00, $0x38;
	[tilespmem:$0xBA00] =	vst v63  }
0xab: {  	_ =	swait.ge [sflag:s16], $0x3C00  }
0xac: {  	[sflag:s16] =	ssyncset.done $0x0  }
0xad: {  	[sflag:s16] =	ssyncadd.s32 $0xFFFFC400  }
0xae: {  	[tilespmem:s8], [sflag:$0x2] =	stream.indirect.gather [hbm4b:s2+s6], $0x80, s21, s6, $0xb8;
	[tilespmem:$0xBA00] =	vst v63  }
0xaf: {  	_ =	swait.ge [sflag:s9], $0x3C00  }
0xb0: {  	[sflag:s9] =	ssyncset.done $0x0  }
0xb1: {  	[sflag:s9] =	ssyncadd.s32 $0xFFFFC400  }
0xb2: {  	[hbm4b:s22+s3] =	stream.linear.scatter [tilespmem:s7], [sflag:$0x4], $0x3C00, $0x38;
	[tilespmem:$0xBA00] =	vst v63  }
0xb3: {  	_ =	swait.ge [sflag:s18], $0x3C00  }
0xb4: {  	[sflag:s18] =	ssyncset.done $0x0  }
0xb5: {  	[sflag:s18] =	ssyncadd.s32 $0xFFFFC400  }
0xb6: {  	[tilespmem:s11], [sflag:$0x3] =	stream.indirect.gather [hbm4b:s2+s6], $0x80, s23, s6, $0xb8;
	[tilespmem:$0xBA00] =	vst v63  }
0xb7: {  	_ =	swait.ge [sflag:s12], $0x3C00  }
0xb8: {  	[sflag:s12] =	ssyncset.done $0x0  }
0xb9: {  	[sflag:s12] =	ssyncadd.s32 $0xFFFFC400  }
0xba: {  	[hbm4b:s24+s3] =	stream.linear.scatter [tilespmem:s8], [sflag:$0x5], $0x3C00, $0x38;
	[tilespmem:$0xBA00] =	vst v63  }
0xbb: {  	_ =	swait.ge [sflag:s13], $0x3C00  }
0xbc: {  	[sflag:s13] =	ssyncset.done $0x0  }
0xbd: {  	[sflag:s13] =	ssyncadd.s32 $0xFFFFC400  }
0xbe: {  	[tilespmem:s7], [sflag:$0x1] =	stream.indirect.gather [hbm4b:s2+s6], $0x80, s25, s6, $0xb8;
	[tilespmem:$0xBA00] =	vst v63  }
0xbf: {  	_ =	swait.ge [sflag:s15], $0x3C00  }
0xc0: {  	[sflag:s15] =	ssyncset.done $0x0  }
0xc1: {  	[sflag:s15] =	ssyncadd.s32 $0xFFFFC400  }
0xc2: {  	[hbm4b:s26+s3] =	stream.linear.scatter [tilespmem:s11], [sflag:$0x6], $0x3C00, $0x38;
	[tilespmem:$0xBA00] =	vst v63  }
0xc3: {  	_ =	swait.ge [sflag:s16], $0x3C00  }
0xc4: {  	[sflag:s16] =	ssyncset.done $0x0  }
0xc5: {  	[sflag:s16] =	ssyncadd.s32 $0xFFFFC400  }
0xc6: {  	[tilespmem:s8], [sflag:$0x2] =	stream.indirect.gather [hbm4b:s2+s6], $0x80, s28, s6, $0xb8;
	[tilespmem:$0xBA00] =	vst v63  }
0xc7: {  	_ =	swait.ge [sflag:s9], $0x3C00  }
0xc8: {  	[sflag:s9] =	ssyncset.done $0x0  }
0xc9: {  	[sflag:s9] =	ssyncadd.s32 $0xFFFFC400  }
0xca: {  	[hbm4b:s29+s3] =	stream.linear.scatter [tilespmem:s7], [sflag:$0x4], $0x3C00, $0x38;
	[tilespmem:$0xBA00] =	vst v63  }
0xcb: {  	_ =	swait.ge [sflag:s18], $0x3C00  }
0xcc: {  	[sflag:s18] =	ssyncset.done $0x0  }
0xcd: {  	[sflag:s18] =	ssyncadd.s32 $0xFFFFC400  }
0xce: {  	[tilespmem:s11], [sflag:$0x3] =	stream.indirect.gather [hbm4b:s2+s6], $0x80, s30, s6, $0xb8;
	[tilespmem:$0xBA00] =	vst v63  }
0xcf: {  	_ =	swait.ge [sflag:s12], $0x3C00  }
0xd0: {  	[sflag:s12] =	ssyncset.done $0x0  }
0xd1: {  	[sflag:s12] =	ssyncadd.s32 $0xFFFFC400  }
0xd2: {  	[hbm4b:s31+s3] =	stream.linear.scatter [tilespmem:s8], [sflag:$0x5], $0x3C00, $0x38;
	[tilespmem:$0xBA00] =	vst v63  }
0xd3: {  	_ =	swait.ge [sflag:s15], $0x3C00  }
0xd4: {  	[sflag:s15] =	ssyncset.done $0x0  }
0xd5: {  	s0 =	rddreg [dreg:$0x4];
	[sflag:s15] =	ssyncadd.s32 $0xFFFFC400  }
0xd6: {  	[hbm4b:s0+s3] =	stream.linear.scatter [tilespmem:s11], [sflag:$0x6], $0x3C00, $0x38;
	[tilespmem:$0xBA00] =	vst v63  }
0xd7: {  	_ =	swait.ge [sflag:s13], $0x3C00  }
0xd8: {  	p0 =	sne.s32 s1, $0x1;
	[sflag:s13] =	ssyncset.done $0x0  }
.Ltmp1:
0xd9: {  	[sflag:s13] =	ssyncadd.s32 $0xFFFFC400;
	(pc) =	sbr.rel @p0 .LBB2_1-.Ltmp1, $4  }
0xda: {  	_ =	swait.ge [sflag:s16], $0x3C00  }
0xdb: {  	[sflag:s16] =	ssyncset.done $0x0  }
0xdc: {  	[sflag:s16] =	ssyncadd.s32 $0xFFFFC400  }
0xdd: {  	s1 =	sadd.s32 $0xFFFFFFFF, s1;
	_ =	swait.ge [sflag:s18], $0x3C00  }
.LBB2_2:
0xde: {  	[sflag:s18] =	ssyncset.done $0x0  }
0xdf: {  	[sflag:s18] =	ssyncadd.s32 $0xFFFFC400  }
0xe0: {  	_ =	sfence.sel $0x180000  }
0xe1: {  	[bflag:$0x0] =	sbarrier.arrive $0xFFFF  }
0xe2: {  	_ =	strace $0x90000047  }
0xe3: {  	s0 =	stileid.u32;
	[bflag:$0x2] =	sbarrier.arrive $0xFFFF  }
0xe4: {  	p0 =	sne.s32 s0, $0x0;
	s0 =	rddreg [dreg:$0x2]  }
0xe5: {  	s0 =	sadd.s32 @!p0 $0x100000, s0  }
0xe6: {  	[sflag:s0] =	ssyncadd.tile.s32 @!p0 $0x1;
	_ =	shalt  }
.Lfunc_end2:
_tile_overlayer_lowered:
.L_overlay_start_2:
0xe7: {  	(tag) =	ssettag $0x2  }
0xe8: {  	s0 =	rddreg [dreg:$0x0];
	s2 =	stileid.u32  }
0xe9: {  	s1 =	rddreg [dreg:$0x1];
	p0 =	sne.s32 s2, $0x0  }
0xea: {  	s3 =	rddreg [dreg:$0x2];
	[bflag:$0x3] =	sbarrier.arrive $0xFFFF;
	s2 =	simm.s32 @!p0 $0x1C07  }
0xeb: {  	[timem:s3], [sflag:s2] =	dma.local @!p0 [hbm:s0], s1  }
0xec: {  	s0 =	simm.s32 @!p0 $0x7  }
0xed: {  	_ =	swait.ge @!p0 [sflag:s0], s1  }
0xee: {  	s1 =	ssub.s32 @!p0 $0x0, s1;
	[sflag:s0] =	ssyncset.done @!p0 $0x0  }
0xef: {  	[sflag:s0] =	ssyncadd.s32 @!p0 s1  }
0xf0: {  	[bflag:$0x3] =	sbarrier.arrive $0xFFFF  }
0xf1: {  	_ =	shalt  }

// kernel: kernel.13.cloned.1.call-start
scs
__scs_entry_jumppad:
0x0: {  	(pc) =	sbr.rel $0x88, $3  }
0x1: {  	(tag) =	ssettag $0x0;
	lr =	simm.s32 $0x1  }
0x2: {  	[smem:$0x3F9B] =	sst lr;
	_ =	strace $0xD0000000  }
0x3: {  	_ = 	snop  }
0x4: {  	_ = 	snop  }
0x5: {  	_ = 	snop  }
0x6: {  	_ = 	snop  }
0x7: {  	_ = 	snop  }
__scs_overlays_trampoline_lowered:
0x8: {  	[smem:$0x3FAA] =	sst s0  }
0x9: {  	[smem:$0x3FAB] =	sst s1  }
0xa: {  	[smem:$0x3FAC] =	sst s2  }
0xb: {  	[smem:$0x3FAD] =	sst s3  }
0xc: {  	[smem:$0x3FAE] =	sst s4  }
0xd: {  	[smem:$0x3FAF] =	sst s5  }
0xe: {  	[smem:$0x3FB0] =	sst s6  }
0xf: {  	[smem:$0x3FB1] =	sst s7  }
0x10: {  	[smem:$0x3FB2] =	sst s8  }
0x11: {  	[smem:$0x3FB3] =	sst s9;
	s0 =	simm.s32 @!p0 $0x0  }
0x12: {  	s1 =	sld [smem:$0x3F99];
	s0 =	simm.s32 @p0 $0x1  }
0x13: {  	[smem:$0x3FB4] =	sst s0;
	s0 =	simm.s32 @!p1 $0x0  }
0x14: {  	s2 =	sld [smem:$0x3F98];
	s0 =	simm.s32 @p1 $0x1  }
0x15: {  	[smem:$0x3FB5] =	sst s0;
	s0 =	simm.s32 @!p2 $0x0  }
0x16: {  	s3 =	sld [smem:$0x3FDB];
	s0 =	simm.s32 @p2 $0x1  }
0x17: {  	s4 =	simm.s32 $0x1BF5;
	[smem:$0x3FB7] =	sst s0  }
0x18: {  	s0 =	sld [smem:$0x3F9A];
	_ =	swait.ge [sflag:s4], $0x0  }
0x19: {  	s7 =	sld [smem:$0x3F9B]  }
0x1a: {  	s8 =	sadd.s32 $0xFFFFE003, lr  }
0x1b: {  	s9 =	sadd.s32 $0xFFFFFEF7, lr;
	s5 =	simm.s32 $0xFFFFFFFF;
	p2 =	slt.u32 s8, $0xFFFFF086  }
0x1c: {  	p1 =	slt.u32 s9, $0xF7A;
	s5 =	simm.s32 @!p2 $0x0  }
0x1d: {  	s5 =	simm.s32 @p1 $0x1;
	p0 =	seq.s32 s7, s2  }
0x1e: {  	s7 =	smul.u32 @!p0 $0xF7A, s2;
	p2 =	seq.s32 @!p0 s5, $0x0  }
0x1f: {  	s9 =	smul.u32 $0xF7A, s1;
	s8 =	simm.s32 @!p0 $0x1BF5;
	p2 =	por !p2, p0  }
0x20: {  	[sflag:s8] =	ssyncset.s32 @!p0 $0xFFFFF086;
	s6 =	sadd.s32 @!p0 s3, s7;
	s7 =	simm.s32 @!p0 $0x108  }
0x21: {  	s3 =	sadd.s32 s3, s9;
	s6 =	sadd.s32 @!p0 $0x88, s6;
	s7 =	simm.s32 @p2 $0x1082  }
0x22: {  	[simem:s7], [sflag:s8] =	dma.local @!p0 [hbm:s6], $0xF7A  }
0x23: {  	s9 =	sor.u32 $0xD0000000, s2;
	s6 =	simm.s32 $0x108;
	_ =	swait.ge @!p0 [sflag:s8], $0x0  }
0x24: {  	s3 =	sadd.s32 $0x88, s3;
	s6 =	simm.s32 @!p1 $0x1082;
	[sflag:s4] =	ssyncset.s32 $0xFFFFF086  }
0x25: {  	[simem:s6], [sflag:s4] =	dma.local [hbm:s3], $0xF7A  }
0x26: {  	[smem:$0x3F9B] =	sst s1;
	(tag) =	ssettag s2;
	_ =	strace s9  }
0x27: {  	s1 =	sld [smem:$0x3FAB]  }
0x28: {  	s2 =	sld [smem:$0x3FAC]  }
0x29: {  	s4 =	sld [smem:$0x3FAE]  }
0x2a: {  	p0 =	seq.s32 s5, $0x0;
	s5 =	sld [smem:$0x3FAF]  }
0x2b: {  	s6 =	sld [smem:$0x3FB0]  }
0x2c: {  	s7 =	sld [smem:$0x3FB1]  }
0x2d: {  	s3 =	simm.s32 $0x108;
	s8 =	sld [smem:$0x3FB2]  }
0x2e: {  	s3 =	simm.s32 @!p0 $0x1082;
	s9 =	sld [smem:$0x3FB3]  }
0x2f: {  	lr =	sadd.s32 s0, s3;
	s0 =	sld [smem:$0x3FAA]  }
0x30: {  	s3 =	sld [smem:$0x3FAD]  }
0x31: {  	[smem:$0x3FB6] =	sst s10  }
0x32: {  	s10 =	sld [smem:$0x3FB4];
	_ =	sdelay $0x3  }
0x33: {  	p0 =	seq.s32 s10, $0x1;
	s10 =	sld [smem:$0x3FB6];
	_ =	sdelay $0x3  }
0x34: {  	[smem:$0x3FB6] =	sst s10  }
0x35: {  	s10 =	sld [smem:$0x3FB5];
	_ =	sdelay $0x3  }
0x36: {  	p1 =	seq.s32 s10, $0x1;
	s10 =	sld [smem:$0x3FB6];
	_ =	sdelay $0x3  }
0x37: {  	[smem:$0x3FB6] =	sst s10  }
0x38: {  	s10 =	sld [smem:$0x3FB7]  }
0x39: {  	_ = 	snop;
	(pc) =	sbr.ind lr, $3  }
0x3a: {  	_ = 	snop  }
0x3b: {  	_ = 	snop  }
0x3c: {  	p2 =	seq.s32 s10, $0x1;
	s10 =	sld [smem:$0x3FB6]  }
0x3d: {  	_ =	shalt  }
0x3e: {  	_ =	shalt  }
0x3f: {  	_ =	shalt  }
0x40: {  	_ =	shalt  }
0x41: {  	_ =	shalt  }
0x42: {  	_ =	shalt  }
0x43: {  	_ =	shalt  }
0x44: {  	_ =	shalt  }
0x45: {  	_ =	shalt  }
0x46: {  	_ =	shalt  }
0x47: {  	_ =	shalt  }
0x48: {  	_ =	shalt  }
0x49: {  	_ =	shalt  }
0x4a: {  	_ =	shalt  }
0x4b: {  	_ =	shalt  }
0x4c: {  	_ =	shalt  }
0x4d: {  	_ =	shalt  }
0x4e: {  	_ =	shalt  }
0x4f: {  	_ =	shalt  }
0x50: {  	_ =	shalt  }
0x51: {  	_ =	shalt  }
0x52: {  	_ =	shalt  }
0x53: {  	_ =	shalt  }
0x54: {  	_ =	shalt  }
0x55: {  	_ =	shalt  }
0x56: {  	_ =	shalt  }
0x57: {  	_ =	shalt  }
0x58: {  	_ =	shalt  }
0x59: {  	_ =	shalt  }
0x5a: {  	_ =	shalt  }
0x5b: {  	_ =	shalt  }
0x5c: {  	_ =	shalt  }
0x5d: {  	_ =	shalt  }
0x5e: {  	_ =	shalt  }
0x5f: {  	_ =	shalt  }
0x60: {  	_ =	shalt  }
0x61: {  	_ =	shalt  }
0x62: {  	_ =	shalt  }
0x63: {  	_ =	shalt  }
0x64: {  	_ =	shalt  }
0x65: {  	_ =	shalt  }
0x66: {  	_ =	shalt  }
0x67: {  	_ =	shalt  }
0x68: {  	_ =	shalt  }
0x69: {  	_ =	shalt  }
0x6a: {  	_ =	shalt  }
0x6b: {  	_ =	shalt  }
0x6c: {  	_ =	shalt  }
0x6d: {  	_ =	shalt  }
0x6e: {  	_ =	shalt  }
0x6f: {  	_ =	shalt  }
0x70: {  	_ =	shalt  }
0x71: {  	_ =	shalt  }
0x72: {  	_ =	shalt  }
0x73: {  	_ =	shalt  }
0x74: {  	_ =	shalt  }
0x75: {  	_ =	shalt  }
0x76: {  	_ =	shalt  }
0x77: {  	_ =	shalt  }
0x78: {  	_ =	shalt  }
0x79: {  	_ =	shalt  }
0x7a: {  	_ =	shalt  }
0x7b: {  	_ =	shalt  }
0x7c: {  	_ =	shalt  }
0x7d: {  	_ =	shalt  }
0x7e: {  	_ =	shalt  }
0x7f: {  	_ =	shalt  }
0x80: {  	_ =	shalt  }
0x81: {  	_ =	shalt  }
0x82: {  	_ =	shalt  }
0x83: {  	_ =	shalt  }
0x84: {  	_ =	shalt  }
0x85: {  	_ =	shalt  }
0x86: {  	_ =	shalt  }
0x87: {  	_ =	shalt  }
.Lfunc_end0:
.L_simem_size_0:
called_computation.1_lowered:
.L_overlay_start_0:
0x88: {  	s2 =	sld [smem:$0x3FD9]  }
0x89: {  	s3 =	sld [smem:$0x3FFE];
	_ =	sdelay $0x1  }
0x8a: {  	s1 =	srdreg.scid  }
0x8b: {  	s0 =	sand.u32 $0x1, s1  }
0x8c: {  	s17 =	sshll.u32 s0, $0xA;
	s2 =	sadd.s32 s3, s2  }
0x8d: {  	s2 =	sadd.s32 s2, s17  }
0x8e: {  	[smem:$0x3FC2] =	sst s2  }
0x8f: {  	_ = 	snop  }
0x90: {  	s18 =	sld [smem:$0x3FC8];
	(tm) =	ssettm $0x1  }
0x91: {  	s19 =	sld [smem:$0x3FFB];
	_ =	sdelay $0x3  }
0x92: {  	_ =	strace s19  }
0x93: {  	s2 =	sld [smem:$0x3FFC];
	_ =	sdelay $0x3  }
0x94: {  	_ =	strace s2  }
0x95: {  	s2 =	sld [smem:$0x3FFD];
	_ =	sdelay $0x3  }
0x96: {  	_ =	strace s2  }
0x97: {  	_ =	strace $0x8FFFFFFF  }
0x98: {  	s20 =	sld [smem:$0x3FDB];
	_ =	sdelay $0x1  }
0x99: {  	s4 =	simm.s32 $_scs_section_size  }
0x9a: {  	s5 =	simm.s32 $_size__tile_overlayer_lowered;
	s6 =	simm.s32 $_tile_overlayer_lowered  }
0x9b: {  	s7 =	simm.s32 $0x1BFF;
	s21 =	sshll.u32 s6, $0x1;
	s4 =	sadd.s32 s4, s20  }
0x9c: {  	s22 =	simm.s32 $0x0;
	s5 =	sshll.u32 s5, $0x1;
	s6 =	sadd.s32 s21, s4  }
0x9d: {  	[timem:s22], [sflag:s7] =	dma.local [hbm:s6], s5  }
0x9e: {  	_ =	swait.ge [sflag:s7], s5  }
0x9f: {  	s5 =	ssub.s32 $0x0, s5;
	[sflag:s7] =	ssyncset.done $0x0  }
0xa0: {  	[sflag:s7] =	ssyncadd.s32 s5;
	_ =	sdelay $0x1  }
0xa1: {  	s23 =	simm.s32 $0x1B8B  }
0xa2: {  	_ =	swait.ge [sflag:s23], $0x1  }
0xa3: {  	[sflag:s23] =	ssyncset.done $0x0  }
0xa4: {  	[sflag:s23] =	ssyncadd.s32 $0xFFFFFFFF  }
0xa5: {  	s5 =	sld [smem:$0x0]  }
0xa6: {  	s6 =	sand.u32 $0xFFFFFFFE, s1  }
0xa7: {  	p0 =	sne.s32 s1, s6  }
0xa8: {  	s6 =	sshll.u32 @p0 s6, $0xE  }
0xa9: {  	s6 =	sadd.s32 @p0 $0x11B8D, s6;
	s7 =	sshll.u32 @p0 s5, $0x11  }
0xaa: {  	s6 =	sor.u32 @p0 s7, s6  }
0xab: {  	[sflag:s6] =	ssyncadd.remote.s32 @p0 $0x1;
	_ =	sdelay $0x1  }
0xac: {  	s6 =	simm.s32 @p0 $0x1B8D  }
0xad: {  	_ =	swait.eq @p0 [sflag:s6], $0x1  }
0xae: {  	[sflag:s6] =	ssyncadd.s32 @p0 $0xFFFFFFFF  }
0xaf: {  	s7 =	sshll.u32 @!p0 s1, $0xE  }
0xb0: {  	s7 =	sor.u32 @!p0 $0x4000, s7;
	s6 =	simm.s32 @!p0 $0x1B8D  }
0xb1: {  	s5 =	sshll.u32 @!p0 s5, $0x11;
	s7 =	sadd.s32 @!p0 $0x11B8D, s7;
	_ =	swait.eq @!p0 [sflag:s6], $0x1  }
0xb2: {  	s5 =	sor.u32 @!p0 s5, s7;
	[sflag:s6] =	ssyncadd.s32 @!p0 $0xFFFFFFFF  }
0xb3: {  	s25 =	simm.s32 $0x1B8E;
	s24 =	sld [smem:$0x3FFE];
	[sflag:s5] =	ssyncadd.remote.s32 @!p0 $0x1  }
0xb4: {  	s26 =	simm.s32 $execute0_lowered;
	[smem:$0x3FD2] =	sst s25  }
0xb5: {  	s6 =	sshll.u32 s26, $0x1;
	_ =	strace $0x80000049;
	[dreg:$0x1] =	wrdreg $0xFFFFFFFF  }
0xb6: {  	s28 =	simm.s32 $_size_execute0_lowered;
	s4 =	sadd.s32 s4, s6;
	[dreg:$0x0] =	wrdreg $0x0  }
0xb7: {  	s6 =	sshll.u32 s28, $0x1;
	[dreg:$0x2] =	wrdreg s4  }
0xb8: {  	[dreg:$0x3] =	wrdreg s6  }
0xb9: {  	[dreg:$0x4] =	wrdreg $0xC0  }
0xba: {  	_ =	task [dreg:s22], $0x5FFFF  }
0xbb: {  	[dreg:$0x1] =	wrdreg $0xFFFFFFFF  }
0xbc: {  	[dreg:$0x0] =	wrdreg $0x60  }
0xbd: {  	[dreg:$0x2] =	wrdreg s18  }
0xbe: {  	[dreg:$0x3] =	wrdreg s24  }
0xbf: {  	[dreg:$0x4] =	wrdreg $0xA  }
0xc0: {  	_ =	task.clear_ibuf [dreg:s22], $0x5FFFF;
	_ =	strace $0x90000049  }
0xc1: {  	s29 =	simm.s32 $0xA;
	_ =	strace $0x8000004B  }
0xc2: {  	_ =	swait.ge [sflag:s29], $0x1  }
0xc3: {  	[sflag:s29] =	ssyncadd.s32 $0xFFFFFFFF  }
0xc4: {  	_ =	strace $0x9000004B  }
0xc5: {  	_ =	sfence  }
0xc6: {  	s30 =	sld [smem:$0x0];
	_ =	sdelay $0x2  }
0xc7: {  	s31 =	sshll.u32 s1, $0xD;
	s1 =	sshrl.u32 s1, $0x2  }
0xc8: {  	s4 =	sand.u32 $0x4000, s31;
	s1 =	sadd.s32 s1, s30  }
0xc9: {  	s0 =	sor.u32 s4, s0;
	s1 =	sshll.u32 s1, $0x11  }
0xca: {  	s0 =	sor.u32 s1, s0  }
0xcb: {  	s0 =	sadd.s32 $0x8F2B, s0  }
0xcc: {  	[sflag:s0] =	ssyncadd.remote.s32 $0x1  }
0xcd: {  	_ =	sfence.sel $0xFFFF  }
0xce: {  	[dreg:$0x0] =	wrdreg $0xFFFFFFFF;
	(pc) =	sbr.abs _section_cstart, $3  }
0xcf: {  	[dreg:$0x1] =	wrdreg $0xFFFFFFFF  }
0xd0: {  	_ =	task.clear_ibuf [dreg:s22], $0x2FFFF;
	_ =	strace $0x9FFFFFFF  }
0xd1: {  	(tm) =	ssettm $0x7FFFFFFF  }
tec
execute0_lowered:
.L_overlay_start_1:
0x0: {  	(tag) =	ssettag $0x1  }
0x1: {  	s1 =	srdreg.scid;
	s0 =	stileid.u32  }
0x2: {  	s1 =	sand.u32 $0x1, s1;
	s3 =	sshll.u32 s0, $0x1  }
0x3: {  	s4 =	sor.u32 s1, s3  }
0x4: {  	s6 =	smul.u32 $0x5A0, s4  }
0x5: {  	s7 =	smul.u32 $0x2D000, s4  }
0x6: {  	s5 =	rddreg [dreg:$0x1];
	s4 =	smul.u32 $0x5A00, s4  }
0x7: {  	s8 =	sadd.s32 $0xC1600, s5  }
0x8: {  	s2 =	rddreg [dreg:$0x0];
	s3 =	simm.s32 $0x0;
	s4 =	sadd.s32 s8, s4  }
0x9: {  	[smem:$0x7FF] =	sst s3;
	s21 =	sadd.s32 $0x780, s4  }
0xa: {  	_ =	strace $0x8000004A;
	s22 =	sadd.s32 $0xF00, s4;
	[dreg:$0x5] =	wrdreg s21  }
0xb: {  	s6 =	sshrl.u32 s6, $0x3;
	s23 =	sadd.s32 $0x1680, s4;
	[dreg:$0x6] =	wrdreg s22  }
0xc: {  	s19 =	sshrl.u32 s7, $0x3;
	s24 =	sadd.s32 $0x1E00, s4;
	[dreg:$0x7] =	wrdreg s23  }
0xd: {  	s5 =	sadd.s32 s5, s6;
	s26 =	sadd.s32 $0x2580, s4;
	[dreg:$0x8] =	wrdreg s24  }
0xe: {  	s6 =	sadd.s32 s8, s19;
	s5 =	sadd.s32 $0x9280, s5;
	[dreg:$0x9] =	wrdreg s26  }
0xf: {  	s20 =	sadd.s32 $0x5280, s6;
	[dreg:$0x3] =	wrdreg s5  }
0x10: {  	[dreg:$0x4] =	wrdreg s20  }
0x11: {  	s5 =	simm.s32 $0x7;
	s25 =	rddreg [dreg:$0x3]  }
0x12: {  	[tilespmem:s3], [sflag:$0x7] =	stream.linear.gather [hbm4b:s25+s3], $0x5A0, $0x38;
	[tilespmem:$0xBA00] =	vst v63  }
0x13: {  	_ =	swait.ge [sflag:s5], $0x5A0  }
0x14: {  	[sflag:s5] =	ssyncset.done $0x0  }
0x15: {  	s7 =	simm.s32 $0x600;
	s6 =	simm.s32 $0x78;
	[sflag:s5] =	ssyncadd.s32 $0xFFFFFA60  }
0x16: {  	[tilespmem:s7], [sflag:$0x1] =	stream.indirect.gather [hbm4b:s2+s6], $0x80, s3, s6, $0xb8;
	[tilespmem:$0xBA00] =	vst v63  }
0x17: {  	s9 =	simm.s32 $0x1;
	s8 =	simm.s32 $0x4200  }
0x18: {  	[tilespmem:s8], [sflag:$0x2] =	stream.indirect.gather [hbm4b:s2+s6], $0x80, s6, s6, $0xb8;
	[tilespmem:$0xBA00] =	vst v63  }
0x19: {  	_ =	swait.ge [sflag:s9], $0x3C00  }
0x1a: {  	[sflag:s9] =	ssyncset.done $0x0  }
0x1b: {  	[sflag:s9] =	ssyncadd.s32 $0xFFFFC400  }
0x1c: {  	[hbm4b:s4+s3] =	stream.linear.scatter [tilespmem:s7], [sflag:$0x4], $0x3C00, $0x38;
	[tilespmem:$0xBA00] =	vst v63  }
0x1d: {  	s10 =	simm.s32 $0xF0;
	s11 =	simm.s32 $0x7E00;
	s12 =	simm.s32 $0x2  }
0x1e: {  	[tilespmem:s11], [sflag:$0x3] =	stream.indirect.gather [hbm4b:s2+s6], $0x80, s10, s6, $0xb8;
	[tilespmem:$0xBA00] =	vst v63  }
0x1f: {  	_ =	swait.ge [sflag:s12], $0x3C00  }
0x20: {  	[sflag:s12] =	ssyncset.done $0x0  }
0x21: {  	s13 =	simm.s32 $0x4;
	s14 =	rddreg [dreg:$0x5];
	[sflag:s12] =	ssyncadd.s32 $0xFFFFC400  }
0x22: {  	[hbm4b:s14+s3] =	stream.linear.scatter [tilespmem:s8], [sflag:$0x5], $0x3C00, $0x38;
	[tilespmem:$0xBA00] =	vst v63  }
0x23: {  	_ =	swait.ge [sflag:s13], $0x3C00  }
0x24: {  	[sflag:s13] =	ssyncset.done $0x0  }
0x25: {  	s15 =	simm.s32 $0x3;
	s14 =	simm.s32 $0x168;
	[sflag:s13] =	ssyncadd.s32 $0xFFFFC400  }
0x26: {  	[tilespmem:s7], [sflag:$0x1] =	stream.indirect.gather [hbm4b:s2+s6], $0x80, s14, s6, $0xb8;
	[tilespmem:$0xBA00] =	vst v63  }
0x27: {  	_ =	swait.ge [sflag:s15], $0x3C00  }
0x28: {  	[sflag:s15] =	ssyncset.done $0x0  }
0x29: {  	s16 =	simm.s32 $0x5;
	s17 =	rddreg [dreg:$0x6];
	[sflag:s15] =	ssyncadd.s32 $0xFFFFC400  }
0x2a: {  	[hbm4b:s17+s3] =	stream.linear.scatter [tilespmem:s11], [sflag:$0x6], $0x3C00, $0x38;
	[tilespmem:$0xBA00] =	vst v63  }
0x2b: {  	_ =	swait.ge [sflag:s16], $0x3C00  }
0x2c: {  	[sflag:s16] =	ssyncset.done $0x0  }
0x2d: {  	s17 =	simm.s32 $0x1E0;
	[sflag:s16] =	ssyncadd.s32 $0xFFFFC400  }
0x2e: {  	[tilespmem:s8], [sflag:$0x2] =	stream.indirect.gather [hbm4b:s2+s6], $0x80, s17, s6, $0xb8;
	[tilespmem:$0xBA00] =	vst v63  }
0x2f: {  	_ =	swait.ge [sflag:s9], $0x3C00  }
0x30: {  	[sflag:s9] =	ssyncset.done $0x0  }
0x31: {  	s18 =	simm.s32 $0x6;
	s19 =	rddreg [dreg:$0x7];
	[sflag:s9] =	ssyncadd.s32 $0xFFFFC400  }
0x32: {  	[hbm4b:s19+s3] =	stream.linear.scatter [tilespmem:s7], [sflag:$0x4], $0x3C00, $0x38;
	[tilespmem:$0xBA00] =	vst v63  }
0x33: {  	_ =	swait.ge [sflag:s18], $0x3C00  }
0x34: {  	[sflag:s18] =	ssyncset.done $0x0  }
0x35: {  	s19 =	simm.s32 $0x258;
	[sflag:s18] =	ssyncadd.s32 $0xFFFFC400  }
0x36: {  	[tilespmem:s11], [sflag:$0x3] =	stream.indirect.gather [hbm4b:s2+s6], $0x80, s19, s6, $0xb8;
	[tilespmem:$0xBA00] =	vst v63  }
0x37: {  	_ =	swait.ge [sflag:s12], $0x3C00  }
0x38: {  	[sflag:s12] =	ssyncset.done $0x0  }
0x39: {  	s20 =	rddreg [dreg:$0x8];
	[sflag:s12] =	ssyncadd.s32 $0xFFFFC400  }
0x3a: {  	[hbm4b:s20+s3] =	stream.linear.scatter [tilespmem:s8], [sflag:$0x5], $0x3C00, $0x38;
	[tilespmem:$0xBA00] =	vst v63  }
0x3b: {  	_ =	swait.ge [sflag:s13], $0x3C00  }
0x3c: {  	[sflag:s13] =	ssyncset.done $0x0  }
0x3d: {  	s20 =	simm.s32 $0x2D0;
	[sflag:s13] =	ssyncadd.s32 $0xFFFFC400  }
0x3e: {  	[tilespmem:s7], [sflag:$0x1] =	stream.indirect.gather [hbm4b:s2+s6], $0x80, s20, s6, $0xb8;
	[tilespmem:$0xBA00] =	vst v63  }
0x3f: {  	_ =	swait.ge [sflag:s15], $0x3C00  }
0x40: {  	[sflag:s15] =	ssyncset.done $0x0  }
0x41: {  	s21 =	rddreg [dreg:$0x9];
	[sflag:s15] =	ssyncadd.s32 $0xFFFFC400  }
0x42: {  	[hbm4b:s21+s3] =	stream.linear.scatter [tilespmem:s11], [sflag:$0x6], $0x3C00, $0x38;
	[tilespmem:$0xBA00] =	vst v63  }
0x43: {  	_ =	swait.ge [sflag:s16], $0x3C00  }
0x44: {  	[sflag:s16] =	ssyncset.done $0x0  }
0x45: {  	s21 =	simm.s32 $0x348;
	[sflag:s16] =	ssyncadd.s32 $0xFFFFC400  }
0x46: {  	[tilespmem:s8], [sflag:$0x2] =	stream.indirect.gather [hbm4b:s2+s6], $0x80, s21, s6, $0xb8;
	[tilespmem:$0xBA00] =	vst v63  }
0x47: {  	_ =	swait.ge [sflag:s9], $0x3C00  }
0x48: {  	[sflag:s9] =	ssyncset.done $0x0  }
0x49: {  	s22 =	sadd.s32 $0x2D00, s4;
	[sflag:s9] =	ssyncadd.s32 $0xFFFFC400  }
0x4a: {  	[hbm4b:s22+s3] =	stream.linear.scatter [tilespmem:s7], [sflag:$0x4], $0x3C00, $0x38;
	[tilespmem:$0xBA00] =	vst v63  }
0x4b: {  	_ =	swait.ge [sflag:s18], $0x3C00  }
0x4c: {  	[sflag:s18] =	ssyncset.done $0x0  }
0x4d: {  	s23 =	simm.s32 $0x3C0;
	[sflag:s18] =	ssyncadd.s32 $0xFFFFC400  }
0x4e: {  	[tilespmem:s11], [sflag:$0x3] =	stream.indirect.gather [hbm4b:s2+s6], $0x80, s23, s6, $0xb8;
	[tilespmem:$0xBA00] =	vst v63  }
0x4f: {  	_ =	swait.ge [sflag:s12], $0x3C00  }
0x50: {  	[sflag:s12] =	ssyncset.done $0x0  }
0x51: {  	s24 =	sadd.s32 $0x3480, s4;
	[sflag:s12] =	ssyncadd.s32 $0xFFFFC400  }
0x52: {  	[hbm4b:s24+s3] =	stream.linear.scatter [tilespmem:s8], [sflag:$0x5], $0x3C00, $0x38;
	[tilespmem:$0xBA00] =	vst v63  }
0x53: {  	_ =	swait.ge [sflag:s13], $0x3C00  }
0x54: {  	[sflag:s13] =	ssyncset.done $0x0  }
0x55: {  	s25 =	simm.s32 $0x438;
	[sflag:s13] =	ssyncadd.s32 $0xFFFFC400  }
0x56: {  	[tilespmem:s7], [sflag:$0x1] =	stream.indirect.gather [hbm4b:s2+s6], $0x80, s25, s6, $0xb8;
	[tilespmem:$0xBA00] =	vst v63  }
0x57: {  	_ =	swait.ge [sflag:s15], $0x3C00  }
0x58: {  	[sflag:s15] =	ssyncset.done $0x0  }
0x59: {  	s26 =	sadd.s32 $0x3C00, s4;
	[sflag:s15] =	ssyncadd.s32 $0xFFFFC400  }
0x5a: {  	[hbm4b:s26+s3] =	stream.linear.scatter [tilespmem:s11], [sflag:$0x6], $0x3C00, $0x38;
	[tilespmem:$0xBA00] =	vst v63  }
0x5b: {  	_ =	swait.ge [sflag:s16], $0x3C00  }
0x5c: {  	[sflag:s16] =	ssyncset.done $0x0  }
0x5d: {  	s28 =	simm.s32 $0x4B0;
	[sflag:s16] =	ssyncadd.s32 $0xFFFFC400  }
0x5e: {  	[tilespmem:s8], [sflag:$0x2] =	stream.indirect.gather [hbm4b:s2+s6], $0x80, s28, s6, $0xb8;
	[tilespmem:$0xBA00] =	vst v63  }
0x5f: {  	_ =	swait.ge [sflag:s9], $0x3C00  }
0x60: {  	[sflag:s9] =	ssyncset.done $0x0  }
0x61: {  	s29 =	sadd.s32 $0x4380, s4;
	[sflag:s9] =	ssyncadd.s32 $0xFFFFC400  }
0x62: {  	[hbm4b:s29+s3] =	stream.linear.scatter [tilespmem:s7], [sflag:$0x4], $0x3C00, $0x38;
	[tilespmem:$0xBA00] =	vst v63  }
0x63: {  	_ =	swait.ge [sflag:s18], $0x3C00  }
0x64: {  	[sflag:s18] =	ssyncset.done $0x0  }
0x65: {  	s30 =	simm.s32 $0x528;
	[sflag:s18] =	ssyncadd.s32 $0xFFFFC400  }
0x66: {  	[tilespmem:s11], [sflag:$0x3] =	stream.indirect.gather [hbm4b:s2+s6], $0x80, s30, s6, $0xb8;
	[tilespmem:$0xBA00] =	vst v63  }
0x67: {  	_ =	swait.ge [sflag:s12], $0x3C00  }
0x68: {  	[sflag:s12] =	ssyncset.done $0x0  }
0x69: {  	s31 =	sadd.s32 $0x4B00, s4;
	[sflag:s12] =	ssyncadd.s32 $0xFFFFC400  }
0x6a: {  	[hbm4b:s31+s3] =	stream.linear.scatter [tilespmem:s8], [sflag:$0x5], $0x3C00, $0x38;
	[tilespmem:$0xBA00] =	vst v63  }
0x6b: {  	_ =	swait.ge [sflag:s15], $0x3C00  }
0x6c: {  	[sflag:s15] =	ssyncset.done $0x0  }
0x6d: {  	s0 =	rddreg [dreg:$0x4];
	[sflag:s15] =	ssyncadd.s32 $0xFFFFC400  }
0x6e: {  	[hbm4b:s0+s3] =	stream.linear.scatter [tilespmem:s11], [sflag:$0x6], $0x3C00, $0x38;
	[tilespmem:$0xBA00] =	vst v63  }
0x6f: {  	s0 =	ssub.s32 $0x2, s1  }
0x70: {  	s1 =	sshrl.u32 s0, $0x1  }
0x71: {  	s0 =	ssub.s32 s0, s1  }
0x72: {  	_ =	swait.ge [sflag:s13], $0x3C00;
	s0 =	smax.u32 s0, $0x1  }
0x73: {  	[sflag:s13] =	ssyncset.done $0x0;
	p0 =	sne.s32 s0, $0x1  }
.Ltmp0:
0x74: {  	[sflag:s13] =	ssyncadd.s32 $0xFFFFC400;
	(pc) =	sbr.rel @!p0 .LBB2_2-.Ltmp0, $4  }
0x75: {  	_ =	swait.ge [sflag:s16], $0x3C00  }
0x76: {  	[sflag:s16] =	ssyncset.done $0x0  }
0x77: {  	[sflag:s16] =	ssyncadd.s32 $0xFFFFC400  }
0x78: {  	s1 =	sadd.s32 $0xFFFFFFFF, s0;
	_ =	swait.ge [sflag:s18], $0x3C00  }
.LBB2_1:
0x79: {  	[sflag:s18] =	ssyncset.done $0x0  }
0x7a: {  	s0 =	rddreg [dreg:$0x3];
	[sflag:s18] =	ssyncadd.s32 $0xFFFFC400  }
0x7b: {  	[tilespmem:s3], [sflag:$0x7] =	stream.linear.gather [hbm4b:s0+s3], $0x5A0, $0x38;
	[tilespmem:$0xBA00] =	vst v63  }
0x7c: {  	_ =	swait.ge [sflag:s5], $0x5A0  }
0x7d: {  	[sflag:s5] =	ssyncset.done $0x0  }
0x7e: {  	[sflag:s5] =	ssyncadd.s32 $0xFFFFFA60  }
0x7f: {  	[tilespmem:s7], [sflag:$0x1] =	stream.indirect.gather [hbm4b:s2+s6], $0x80, s3, s6, $0xb8;
	[tilespmem:$0xBA00] =	vst v63  }
0x80: {  	_ = 	snop  }
0x81: {  	[tilespmem:s8], [sflag:$0x2] =	stream.indirect.gather [hbm4b:s2+s6], $0x80, s6, s6, $0xb8;
	[tilespmem:$0xBA00] =	vst v63  }
0x82: {  	_ =	swait.ge [sflag:s9], $0x3C00  }
0x83: {  	[sflag:s9] =	ssyncset.done $0x0  }
0x84: {  	[sflag:s9] =	ssyncadd.s32 $0xFFFFC400  }
0x85: {  	[hbm4b:s4+s3] =	stream.linear.scatter [tilespmem:s7], [sflag:$0x4], $0x3C00, $0x38;
	[tilespmem:$0xBA00] =	vst v63  }
0x86: {  	_ = 	snop  }
0x87: {  	[tilespmem:s11], [sflag:$0x3] =	stream.indirect.gather [hbm4b:s2+s6], $0x80, s10, s6, $0xb8;
	[tilespmem:$0xBA00] =	vst v63  }
0x88: {  	_ =	swait.ge [sflag:s12], $0x3C00  }
0x89: {  	[sflag:s12] =	ssyncset.done $0x0  }
0x8a: {  	s0 =	rddreg [dreg:$0x5];
	[sflag:s12] =	ssyncadd.s32 $0xFFFFC400  }
0x8b: {  	[hbm4b:s0+s3] =	stream.linear.scatter [tilespmem:s8], [sflag:$0x5], $0x3C00, $0x38;
	[tilespmem:$0xBA00] =	vst v63  }
0x8c: {  	_ =	swait.ge [sflag:s13], $0x3C00  }
0x8d: {  	[sflag:s13] =	ssyncset.done $0x0  }
0x8e: {  	[sflag:s13] =	ssyncadd.s32 $0xFFFFC400  }
0x8f: {  	[tilespmem:s7], [sflag:$0x1] =	stream.indirect.gather [hbm4b:s2+s6], $0x80, s14, s6, $0xb8;
	[tilespmem:$0xBA00] =	vst v63  }
0x90: {  	_ =	swait.ge [sflag:s15], $0x3C00  }
0x91: {  	[sflag:s15] =	ssyncset.done $0x0  }
0x92: {  	s0 =	rddreg [dreg:$0x6];
	[sflag:s15] =	ssyncadd.s32 $0xFFFFC400  }
0x93: {  	[hbm4b:s0+s3] =	stream.linear.scatter [tilespmem:s11], [sflag:$0x6], $0x3C00, $0x38;
	[tilespmem:$0xBA00] =	vst v63  }
0x94: {  	_ =	swait.ge [sflag:s16], $0x3C00  }
0x95: {  	[sflag:s16] =	ssyncset.done $0x0  }
0x96: {  	[sflag:s16] =	ssyncadd.s32 $0xFFFFC400  }
0x97: {  	[tilespmem:s8], [sflag:$0x2] =	stream.indirect.gather [hbm4b:s2+s6], $0x80, s17, s6, $0xb8;
	[tilespmem:$0xBA00] =	vst v63  }
0x98: {  	_ =	swait.ge [sflag:s9], $0x3C00  }
0x99: {  	[sflag:s9] =	ssyncset.done $0x0  }
0x9a: {  	s0 =	rddreg [dreg:$0x7];
	[sflag:s9] =	ssyncadd.s32 $0xFFFFC400  }
0x9b: {  	[hbm4b:s0+s3] =	stream.linear.scatter [tilespmem:s7], [sflag:$0x4], $0x3C00, $0x38;
	[tilespmem:$0xBA00] =	vst v63  }
0x9c: {  	_ =	swait.ge [sflag:s18], $0x3C00  }
0x9d: {  	[sflag:s18] =	ssyncset.done $0x0  }
0x9e: {  	[sflag:s18] =	ssyncadd.s32 $0xFFFFC400  }
0x9f: {  	[tilespmem:s11], [sflag:$0x3] =	stream.indirect.gather [hbm4b:s2+s6], $0x80, s19, s6, $0xb8;
	[tilespmem:$0xBA00] =	vst v63  }
0xa0: {  	_ =	swait.ge [sflag:s12], $0x3C00  }
0xa1: {  	[sflag:s12] =	ssyncset.done $0x0  }
0xa2: {  	s0 =	rddreg [dreg:$0x8];
	[sflag:s12] =	ssyncadd.s32 $0xFFFFC400  }
0xa3: {  	[hbm4b:s0+s3] =	stream.linear.scatter [tilespmem:s8], [sflag:$0x5], $0x3C00, $0x38;
	[tilespmem:$0xBA00] =	vst v63  }
0xa4: {  	_ =	swait.ge [sflag:s13], $0x3C00  }
0xa5: {  	[sflag:s13] =	ssyncset.done $0x0  }
0xa6: {  	[sflag:s13] =	ssyncadd.s32 $0xFFFFC400  }
0xa7: {  	[tilespmem:s7], [sflag:$0x1] =	stream.indirect.gather [hbm4b:s2+s6], $0x80, s20, s6, $0xb8;
	[tilespmem:$0xBA00] =	vst v63  }
0xa8: {  	_ =	swait.ge [sflag:s15], $0x3C00  }
0xa9: {  	[sflag:s15] =	ssyncset.done $0x0  }
0xaa: {  	s0 =	rddreg [dreg:$0x9];
	[sflag:s15] =	ssyncadd.s32 $0xFFFFC400  }
0xab: {  	[hbm4b:s0+s3] =	stream.linear.scatter [tilespmem:s11], [sflag:$0x6], $0x3C00, $0x38;
	[tilespmem:$0xBA00] =	vst v63  }
0xac: {  	_ =	swait.ge [sflag:s16], $0x3C00  }
0xad: {  	[sflag:s16] =	ssyncset.done $0x0  }
0xae: {  	[sflag:s16] =	ssyncadd.s32 $0xFFFFC400  }
0xaf: {  	[tilespmem:s8], [sflag:$0x2] =	stream.indirect.gather [hbm4b:s2+s6], $0x80, s21, s6, $0xb8;
	[tilespmem:$0xBA00] =	vst v63  }
0xb0: {  	_ =	swait.ge [sflag:s9], $0x3C00  }
0xb1: {  	[sflag:s9] =	ssyncset.done $0x0  }
0xb2: {  	[sflag:s9] =	ssyncadd.s32 $0xFFFFC400  }
0xb3: {  	[hbm4b:s22+s3] =	stream.linear.scatter [tilespmem:s7], [sflag:$0x4], $0x3C00, $0x38;
	[tilespmem:$0xBA00] =	vst v63  }
0xb4: {  	_ =	swait.ge [sflag:s18], $0x3C00  }
0xb5: {  	[sflag:s18] =	ssyncset.done $0x0  }
0xb6: {  	[sflag:s18] =	ssyncadd.s32 $0xFFFFC400  }
0xb7: {  	[tilespmem:s11], [sflag:$0x3] =	stream.indirect.gather [hbm4b:s2+s6], $0x80, s23, s6, $0xb8;
	[tilespmem:$0xBA00] =	vst v63  }
0xb8: {  	_ =	swait.ge [sflag:s12], $0x3C00  }
0xb9: {  	[sflag:s12] =	ssyncset.done $0x0  }
0xba: {  	[sflag:s12] =	ssyncadd.s32 $0xFFFFC400  }
0xbb: {  	[hbm4b:s24+s3] =	stream.linear.scatter [tilespmem:s8], [sflag:$0x5], $0x3C00, $0x38;
	[tilespmem:$0xBA00] =	vst v63  }
0xbc: {  	_ =	swait.ge [sflag:s13], $0x3C00  }
0xbd: {  	[sflag:s13] =	ssyncset.done $0x0  }
0xbe: {  	[sflag:s13] =	ssyncadd.s32 $0xFFFFC400  }
0xbf: {  	[tilespmem:s7], [sflag:$0x1] =	stream.indirect.gather [hbm4b:s2+s6], $0x80, s25, s6, $0xb8;
	[tilespmem:$0xBA00] =	vst v63  }
0xc0: {  	_ =	swait.ge [sflag:s15], $0x3C00  }
0xc1: {  	[sflag:s15] =	ssyncset.done $0x0  }
0xc2: {  	[sflag:s15] =	ssyncadd.s32 $0xFFFFC400  }
0xc3: {  	[hbm4b:s26+s3] =	stream.linear.scatter [tilespmem:s11], [sflag:$0x6], $0x3C00, $0x38;
	[tilespmem:$0xBA00] =	vst v63  }
0xc4: {  	_ =	swait.ge [sflag:s16], $0x3C00  }
0xc5: {  	[sflag:s16] =	ssyncset.done $0x0  }
0xc6: {  	[sflag:s16] =	ssyncadd.s32 $0xFFFFC400  }
0xc7: {  	[tilespmem:s8], [sflag:$0x2] =	stream.indirect.gather [hbm4b:s2+s6], $0x80, s28, s6, $0xb8;
	[tilespmem:$0xBA00] =	vst v63  }
0xc8: {  	_ =	swait.ge [sflag:s9], $0x3C00  }
0xc9: {  	[sflag:s9] =	ssyncset.done $0x0  }
0xca: {  	[sflag:s9] =	ssyncadd.s32 $0xFFFFC400  }
0xcb: {  	[hbm4b:s29+s3] =	stream.linear.scatter [tilespmem:s7], [sflag:$0x4], $0x3C00, $0x38;
	[tilespmem:$0xBA00] =	vst v63  }
0xcc: {  	_ =	swait.ge [sflag:s18], $0x3C00  }
0xcd: {  	[sflag:s18] =	ssyncset.done $0x0  }
0xce: {  	[sflag:s18] =	ssyncadd.s32 $0xFFFFC400  }
0xcf: {  	[tilespmem:s11], [sflag:$0x3] =	stream.indirect.gather [hbm4b:s2+s6], $0x80, s30, s6, $0xb8;
	[tilespmem:$0xBA00] =	vst v63  }
0xd0: {  	_ =	swait.ge [sflag:s12], $0x3C00  }
0xd1: {  	[sflag:s12] =	ssyncset.done $0x0  }
0xd2: {  	[sflag:s12] =	ssyncadd.s32 $0xFFFFC400  }
0xd3: {  	[hbm4b:s31+s3] =	stream.linear.scatter [tilespmem:s8], [sflag:$0x5], $0x3C00, $0x38;
	[tilespmem:$0xBA00] =	vst v63  }
0xd4: {  	_ =	swait.ge [sflag:s15], $0x3C00  }
0xd5: {  	[sflag:s15] =	ssyncset.done $0x0  }
0xd6: {  	s0 =	rddreg [dreg:$0x4];
	[sflag:s15] =	ssyncadd.s32 $0xFFFFC400  }
0xd7: {  	[hbm4b:s0+s3] =	stream.linear.scatter [tilespmem:s11], [sflag:$0x6], $0x3C00, $0x38;
	[tilespmem:$0xBA00] =	vst v63  }
0xd8: {  	_ =	swait.ge [sflag:s13], $0x3C00  }
0xd9: {  	p0 =	sne.s32 s1, $0x1;
	[sflag:s13] =	ssyncset.done $0x0  }
.Ltmp1:
0xda: {  	[sflag:s13] =	ssyncadd.s32 $0xFFFFC400;
	(pc) =	sbr.rel @p0 .LBB2_1-.Ltmp1, $4  }
0xdb: {  	_ =	swait.ge [sflag:s16], $0x3C00  }
0xdc: {  	[sflag:s16] =	ssyncset.done $0x0  }
0xdd: {  	[sflag:s16] =	ssyncadd.s32 $0xFFFFC400  }
0xde: {  	s1 =	sadd.s32 $0xFFFFFFFF, s1;
	_ =	swait.ge [sflag:s18], $0x3C00  }
.LBB2_2:
0xdf: {  	[sflag:s18] =	ssyncset.done $0x0  }
0xe0: {  	[sflag:s18] =	ssyncadd.s32 $0xFFFFC400  }
0xe1: {  	_ =	sfence.sel $0x180000  }
0xe2: {  	[bflag:$0x0] =	sbarrier.arrive $0xFFFF  }
0xe3: {  	_ =	strace $0x9000004A  }
0xe4: {  	s0 =	stileid.u32;
	[bflag:$0x2] =	sbarrier.arrive $0xFFFF  }
0xe5: {  	p0 =	sne.s32 s0, $0x0;
	s0 =	rddreg [dreg:$0x2]  }
0xe6: {  	s0 =	sadd.s32 @!p0 $0x100000, s0  }
0xe7: {  	[sflag:s0] =	ssyncadd.tile.s32 @!p0 $0x1;
	_ =	shalt  }
.Lfunc_end2:
_tile_overlayer_lowered:
.L_overlay_start_2:
0xe8: {  	(tag) =	ssettag $0x2  }
0xe9: {  	s0 =	rddreg [dreg:$0x0];
	s2 =	stileid.u32  }
0xea: {  	s1 =	rddreg [dreg:$0x1];
	p0 =	sne.s32 s2, $0x0  }
0xeb: {  	s3 =	rddreg [dreg:$0x2];
	[bflag:$0x3] =	sbarrier.arrive $0xFFFF;
	s2 =	simm.s32 @!p0 $0x1C07  }
0xec: {  	[timem:s3], [sflag:s2] =	dma.local @!p0 [hbm:s0], s1  }
0xed: {  	s0 =	simm.s32 @!p0 $0x7  }
0xee: {  	_ =	swait.ge @!p0 [sflag:s0], s1  }
0xef: {  	s1 =	ssub.s32 @!p0 $0x0, s1;
	[sflag:s0] =	ssyncset.done @!p0 $0x0  }
0xf0: {  	[sflag:s0] =	ssyncadd.s32 @!p0 s1  }
0xf1: {  	[bflag:$0x3] =	sbarrier.arrive $0xFFFF  }
0xf2: {  	_ =	shalt  }

// kernel: kernel.16.cloned.1.call-start
scs
__scs_entry_jumppad:
0x0: {  	(pc) =	sbr.rel $0x88, $3  }
0x1: {  	(tag) =	ssettag $0x0;
	lr =	simm.s32 $0x1  }
0x2: {  	[smem:$0x3F9B] =	sst lr;
	_ =	strace $0xD0000000  }
0x3: {  	_ = 	snop  }
0x4: {  	_ = 	snop  }
0x5: {  	_ = 	snop  }
0x6: {  	_ = 	snop  }
0x7: {  	_ = 	snop  }
__scs_overlays_trampoline_lowered:
0x8: {  	[smem:$0x3FAA] =	sst s0  }
0x9: {  	[smem:$0x3FAB] =	sst s1  }
0xa: {  	[smem:$0x3FAC] =	sst s2  }
0xb: {  	[smem:$0x3FAD] =	sst s3  }
0xc: {  	[smem:$0x3FAE] =	sst s4  }
0xd: {  	[smem:$0x3FAF] =	sst s5  }
0xe: {  	[smem:$0x3FB0] =	sst s6  }
0xf: {  	[smem:$0x3FB1] =	sst s7  }
0x10: {  	[smem:$0x3FB2] =	sst s8  }
0x11: {  	[smem:$0x3FB3] =	sst s9;
	s0 =	simm.s32 @!p0 $0x0  }
0x12: {  	s1 =	sld [smem:$0x3F99];
	s0 =	simm.s32 @p0 $0x1  }
0x13: {  	[smem:$0x3FB4] =	sst s0;
	s0 =	simm.s32 @!p1 $0x0  }
0x14: {  	s2 =	sld [smem:$0x3F98];
	s0 =	simm.s32 @p1 $0x1  }
0x15: {  	[smem:$0x3FB5] =	sst s0;
	s0 =	simm.s32 @!p2 $0x0  }
0x16: {  	s3 =	sld [smem:$0x3FDB];
	s0 =	simm.s32 @p2 $0x1  }
0x17: {  	s4 =	simm.s32 $0x1BF5;
	[smem:$0x3FB7] =	sst s0  }
0x18: {  	s0 =	sld [smem:$0x3F9A];
	_ =	swait.ge [sflag:s4], $0x0  }
0x19: {  	s7 =	sld [smem:$0x3F9B]  }
0x1a: {  	s8 =	sadd.s32 $0xFFFFE003, lr  }
0x1b: {  	s9 =	sadd.s32 $0xFFFFFEF7, lr;
	s5 =	simm.s32 $0xFFFFFFFF;
	p2 =	slt.u32 s8, $0xFFFFF086  }
0x1c: {  	p1 =	slt.u32 s9, $0xF7A;
	s5 =	simm.s32 @!p2 $0x0  }
0x1d: {  	s5 =	simm.s32 @p1 $0x1;
	p0 =	seq.s32 s7, s2  }
0x1e: {  	s7 =	smul.u32 @!p0 $0xF7A, s2;
	p2 =	seq.s32 @!p0 s5, $0x0  }
0x1f: {  	s9 =	smul.u32 $0xF7A, s1;
	s8 =	simm.s32 @!p0 $0x1BF5;
	p2 =	por !p2, p0  }
0x20: {  	[sflag:s8] =	ssyncset.s32 @!p0 $0xFFFFF086;
	s6 =	sadd.s32 @!p0 s3, s7;
	s7 =	simm.s32 @!p0 $0x108  }
0x21: {  	s3 =	sadd.s32 s3, s9;
	s6 =	sadd.s32 @!p0 $0x88, s6;
	s7 =	simm.s32 @p2 $0x1082  }
0x22: {  	[simem:s7], [sflag:s8] =	dma.local @!p0 [hbm:s6], $0xF7A  }
0x23: {  	s9 =	sor.u32 $0xD0000000, s2;
	s6 =	simm.s32 $0x108;
	_ =	swait.ge @!p0 [sflag:s8], $0x0  }
0x24: {  	s3 =	sadd.s32 $0x88, s3;
	s6 =	simm.s32 @!p1 $0x1082;
	[sflag:s4] =	ssyncset.s32 $0xFFFFF086  }
0x25: {  	[simem:s6], [sflag:s4] =	dma.local [hbm:s3], $0xF7A  }
0x26: {  	[smem:$0x3F9B] =	sst s1;
	(tag) =	ssettag s2;
	_ =	strace s9  }
0x27: {  	s1 =	sld [smem:$0x3FAB]  }
0x28: {  	s2 =	sld [smem:$0x3FAC]  }
0x29: {  	s4 =	sld [smem:$0x3FAE]  }
0x2a: {  	p0 =	seq.s32 s5, $0x0;
	s5 =	sld [smem:$0x3FAF]  }
0x2b: {  	s6 =	sld [smem:$0x3FB0]  }
0x2c: {  	s7 =	sld [smem:$0x3FB1]  }
0x2d: {  	s3 =	simm.s32 $0x108;
	s8 =	sld [smem:$0x3FB2]  }
0x2e: {  	s3 =	simm.s32 @!p0 $0x1082;
	s9 =	sld [smem:$0x3FB3]  }
0x2f: {  	lr =	sadd.s32 s0, s3;
	s0 =	sld [smem:$0x3FAA]  }
0x30: {  	s3 =	sld [smem:$0x3FAD]  }
0x31: {  	[smem:$0x3FB6] =	sst s10  }
0x32: {  	s10 =	sld [smem:$0x3FB4];
	_ =	sdelay $0x3  }
0x33: {  	p0 =	seq.s32 s10, $0x1;
	s10 =	sld [smem:$0x3FB6];
	_ =	sdelay $0x3  }
0x34: {  	[smem:$0x3FB6] =	sst s10  }
0x35: {  	s10 =	sld [smem:$0x3FB5];
	_ =	sdelay $0x3  }
0x36: {  	p1 =	seq.s32 s10, $0x1;
	s10 =	sld [smem:$0x3FB6];
	_ =	sdelay $0x3  }
0x37: {  	[smem:$0x3FB6] =	sst s10  }
0x38: {  	s10 =	sld [smem:$0x3FB7]  }
0x39: {  	_ = 	snop;
	(pc) =	sbr.ind lr, $3  }
0x3a: {  	_ = 	snop  }
0x3b: {  	_ = 	snop  }
0x3c: {  	p2 =	seq.s32 s10, $0x1;
	s10 =	sld [smem:$0x3FB6]  }
0x3d: {  	_ =	shalt  }
0x3e: {  	_ =	shalt  }
0x3f: {  	_ =	shalt  }
0x40: {  	_ =	shalt  }
0x41: {  	_ =	shalt  }
0x42: {  	_ =	shalt  }
0x43: {  	_ =	shalt  }
0x44: {  	_ =	shalt  }
0x45: {  	_ =	shalt  }
0x46: {  	_ =	shalt  }
0x47: {  	_ =	shalt  }
0x48: {  	_ =	shalt  }
0x49: {  	_ =	shalt  }
0x4a: {  	_ =	shalt  }
0x4b: {  	_ =	shalt  }
0x4c: {  	_ =	shalt  }
0x4d: {  	_ =	shalt  }
0x4e: {  	_ =	shalt  }
0x4f: {  	_ =	shalt  }
0x50: {  	_ =	shalt  }
0x51: {  	_ =	shalt  }
0x52: {  	_ =	shalt  }
0x53: {  	_ =	shalt  }
0x54: {  	_ =	shalt  }
0x55: {  	_ =	shalt  }
0x56: {  	_ =	shalt  }
0x57: {  	_ =	shalt  }
0x58: {  	_ =	shalt  }
0x59: {  	_ =	shalt  }
0x5a: {  	_ =	shalt  }
0x5b: {  	_ =	shalt  }
0x5c: {  	_ =	shalt  }
0x5d: {  	_ =	shalt  }
0x5e: {  	_ =	shalt  }
0x5f: {  	_ =	shalt  }
0x60: {  	_ =	shalt  }
0x61: {  	_ =	shalt  }
0x62: {  	_ =	shalt  }
0x63: {  	_ =	shalt  }
0x64: {  	_ =	shalt  }
0x65: {  	_ =	shalt  }
0x66: {  	_ =	shalt  }
0x67: {  	_ =	shalt  }
0x68: {  	_ =	shalt  }
0x69: {  	_ =	shalt  }
0x6a: {  	_ =	shalt  }
0x6b: {  	_ =	shalt  }
0x6c: {  	_ =	shalt  }
0x6d: {  	_ =	shalt  }
0x6e: {  	_ =	shalt  }
0x6f: {  	_ =	shalt  }
0x70: {  	_ =	shalt  }
0x71: {  	_ =	shalt  }
0x72: {  	_ =	shalt  }
0x73: {  	_ =	shalt  }
0x74: {  	_ =	shalt  }
0x75: {  	_ =	shalt  }
0x76: {  	_ =	shalt  }
0x77: {  	_ =	shalt  }
0x78: {  	_ =	shalt  }
0x79: {  	_ =	shalt  }
0x7a: {  	_ =	shalt  }
0x7b: {  	_ =	shalt  }
0x7c: {  	_ =	shalt  }
0x7d: {  	_ =	shalt  }
0x7e: {  	_ =	shalt  }
0x7f: {  	_ =	shalt  }
0x80: {  	_ =	shalt  }
0x81: {  	_ =	shalt  }
0x82: {  	_ =	shalt  }
0x83: {  	_ =	shalt  }
0x84: {  	_ =	shalt  }
0x85: {  	_ =	shalt  }
0x86: {  	_ =	shalt  }
0x87: {  	_ =	shalt  }
.Lfunc_end0:
.L_simem_size_0:
called_computation.2_lowered:
.L_overlay_start_0:
0x88: {  	s2 =	sld [smem:$0x3FD9]  }
0x89: {  	s3 =	sld [smem:$0x3FFE];
	_ =	sdelay $0x1  }
0x8a: {  	s1 =	srdreg.scid  }
0x8b: {  	s0 =	sand.u32 $0x1, s1  }
0x8c: {  	s17 =	sshll.u32 s0, $0xA;
	s2 =	sadd.s32 s3, s2  }
0x8d: {  	s2 =	sadd.s32 s2, s17  }
0x8e: {  	[smem:$0x3FC2] =	sst s2  }
0x8f: {  	_ = 	snop  }
0x90: {  	s18 =	sld [smem:$0x3FC8];
	(tm) =	ssettm $0x1  }
0x91: {  	s19 =	sld [smem:$0x3FFB];
	_ =	sdelay $0x3  }
0x92: {  	_ =	strace s19  }
0x93: {  	s2 =	sld [smem:$0x3FFC];
	_ =	sdelay $0x3  }
0x94: {  	_ =	strace s2  }
0x95: {  	s2 =	sld [smem:$0x3FFD];
	_ =	sdelay $0x3  }
0x96: {  	_ =	strace s2  }
0x97: {  	_ =	strace $0x8FFFFFFF  }
0x98: {  	s20 =	sld [smem:$0x3FDB];
	_ =	sdelay $0x1  }
0x99: {  	s4 =	simm.s32 $_scs_section_size  }
0x9a: {  	s5 =	simm.s32 $_size__tile_overlayer_lowered;
	s6 =	simm.s32 $_tile_overlayer_lowered  }
0x9b: {  	s7 =	simm.s32 $0x1BFF;
	s21 =	sshll.u32 s6, $0x1;
	s4 =	sadd.s32 s4, s20  }
0x9c: {  	s22 =	simm.s32 $0x0;
	s5 =	sshll.u32 s5, $0x1;
	s6 =	sadd.s32 s21, s4  }
0x9d: {  	[timem:s22], [sflag:s7] =	dma.local [hbm:s6], s5  }
0x9e: {  	_ =	swait.ge [sflag:s7], s5  }
0x9f: {  	s5 =	ssub.s32 $0x0, s5;
	[sflag:s7] =	ssyncset.done $0x0  }
0xa0: {  	[sflag:s7] =	ssyncadd.s32 s5;
	_ =	sdelay $0x1  }
0xa1: {  	s23 =	simm.s32 $0x1B8B  }
0xa2: {  	_ =	swait.ge [sflag:s23], $0x1  }
0xa3: {  	[sflag:s23] =	ssyncset.done $0x0  }
0xa4: {  	[sflag:s23] =	ssyncadd.s32 $0xFFFFFFFF  }
0xa5: {  	s5 =	sld [smem:$0x0]  }
0xa6: {  	s6 =	sand.u32 $0xFFFFFFFE, s1  }
0xa7: {  	p0 =	sne.s32 s1, s6  }
0xa8: {  	s6 =	sshll.u32 @p0 s6, $0xE  }
0xa9: {  	s6 =	sadd.s32 @p0 $0x11B8D, s6;
	s7 =	sshll.u32 @p0 s5, $0x11  }
0xaa: {  	s6 =	sor.u32 @p0 s7, s6  }
0xab: {  	[sflag:s6] =	ssyncadd.remote.s32 @p0 $0x1;
	_ =	sdelay $0x1  }
0xac: {  	s6 =	simm.s32 @p0 $0x1B8D  }
0xad: {  	_ =	swait.eq @p0 [sflag:s6], $0x1  }
0xae: {  	[sflag:s6] =	ssyncadd.s32 @p0 $0xFFFFFFFF  }
0xaf: {  	s7 =	sshll.u32 @!p0 s1, $0xE  }
0xb0: {  	s7 =	sor.u32 @!p0 $0x4000, s7;
	s6 =	simm.s32 @!p0 $0x1B8D  }
0xb1: {  	s5 =	sshll.u32 @!p0 s5, $0x11;
	s7 =	sadd.s32 @!p0 $0x11B8D, s7;
	_ =	swait.eq @!p0 [sflag:s6], $0x1  }
0xb2: {  	s5 =	sor.u32 @!p0 s5, s7;
	[sflag:s6] =	ssyncadd.s32 @!p0 $0xFFFFFFFF  }
0xb3: {  	s25 =	simm.s32 $0x1B8E;
	s24 =	sld [smem:$0x3FFE];
	[sflag:s5] =	ssyncadd.remote.s32 @!p0 $0x1  }
0xb4: {  	s26 =	simm.s32 $execute0_lowered;
	[smem:$0x3FD2] =	sst s25  }
0xb5: {  	s6 =	sshll.u32 s26, $0x1;
	_ =	strace $0x8000004C;
	[dreg:$0x1] =	wrdreg $0xFFFFFFFF  }
0xb6: {  	s28 =	simm.s32 $_size_execute0_lowered;
	s4 =	sadd.s32 s4, s6;
	[dreg:$0x0] =	wrdreg $0x0  }
0xb7: {  	s6 =	sshll.u32 s28, $0x1;
	[dreg:$0x2] =	wrdreg s4  }
0xb8: {  	[dreg:$0x3] =	wrdreg s6  }
0xb9: {  	[dreg:$0x4] =	wrdreg $0xC0  }
0xba: {  	_ =	task [dreg:s22], $0x5FFFF  }
0xbb: {  	[dreg:$0x1] =	wrdreg $0xFFFFFFFF  }
0xbc: {  	[dreg:$0x0] =	wrdreg $0x60  }
0xbd: {  	[dreg:$0x2] =	wrdreg s18  }
0xbe: {  	[dreg:$0x3] =	wrdreg s24  }
0xbf: {  	[dreg:$0x4] =	wrdreg $0xB  }
0xc0: {  	_ =	task.clear_ibuf [dreg:s22], $0x5FFFF;
	_ =	strace $0x9000004C  }
0xc1: {  	s29 =	simm.s32 $0xB;
	_ =	strace $0x8000004E  }
0xc2: {  	_ =	swait.ge [sflag:s29], $0x1  }
0xc3: {  	[sflag:s29] =	ssyncadd.s32 $0xFFFFFFFF  }
0xc4: {  	_ =	strace $0x9000004E  }
0xc5: {  	_ =	sfence  }
0xc6: {  	s30 =	sld [smem:$0x0];
	_ =	sdelay $0x2  }
0xc7: {  	s31 =	sshll.u32 s1, $0xD;
	s1 =	sshrl.u32 s1, $0x2  }
0xc8: {  	s4 =	sand.u32 $0x4000, s31;
	s1 =	sadd.s32 s1, s30  }
0xc9: {  	s0 =	sor.u32 s4, s0;
	s1 =	sshll.u32 s1, $0x11  }
0xca: {  	s0 =	sor.u32 s1, s0  }
0xcb: {  	s0 =	sadd.s32 $0x8F2B, s0  }
0xcc: {  	[sflag:s0] =	ssyncadd.remote.s32 $0x1  }
0xcd: {  	_ =	sfence.sel $0xFFFF  }
0xce: {  	[dreg:$0x0] =	wrdreg $0xFFFFFFFF;
	(pc) =	sbr.abs _section_cstart, $3  }
0xcf: {  	[dreg:$0x1] =	wrdreg $0xFFFFFFFF  }
0xd0: {  	_ =	task.clear_ibuf [dreg:s22], $0x2FFFF;
	_ =	strace $0x9FFFFFFF  }
0xd1: {  	(tm) =	ssettm $0x7FFFFFFF  }
tec
execute0_lowered:
.L_overlay_start_1:
0x0: {  	(tag) =	ssettag $0x1  }
0x1: {  	s1 =	srdreg.scid;
	s0 =	stileid.u32  }
0x2: {  	s1 =	sand.u32 $0x1, s1;
	s3 =	sshll.u32 s0, $0x1  }
0x3: {  	s4 =	sor.u32 s1, s3  }
0x4: {  	s6 =	smul.u32 $0x5A0, s4  }
0x5: {  	s7 =	smul.u32 $0x2D000, s4  }
0x6: {  	s5 =	rddreg [dreg:$0x1];
	s4 =	smul.u32 $0x5A00, s4  }
0x7: {  	s8 =	sadd.s32 $0x175600, s5  }
0x8: {  	s2 =	rddreg [dreg:$0x0];
	s3 =	simm.s32 $0x0;
	s4 =	sadd.s32 s8, s4  }
0x9: {  	[smem:$0x7FF] =	sst s3;
	s21 =	sadd.s32 $0x780, s4  }
0xa: {  	_ =	strace $0x8000004D;
	s22 =	sadd.s32 $0xF00, s4;
	[dreg:$0x5] =	wrdreg s21  }
0xb: {  	s6 =	sshrl.u32 s6, $0x3;
	s23 =	sadd.s32 $0x1680, s4;
	[dreg:$0x6] =	wrdreg s22  }
0xc: {  	s19 =	sshrl.u32 s7, $0x3;
	s24 =	sadd.s32 $0x1E00, s4;
	[dreg:$0x7] =	wrdreg s23  }
0xd: {  	s5 =	sadd.s32 s5, s6;
	s26 =	sadd.s32 $0x2580, s4;
	[dreg:$0x8] =	wrdreg s24  }
0xe: {  	s6 =	sadd.s32 s8, s19;
	s5 =	sadd.s32 $0xA900, s5;
	[dreg:$0x9] =	wrdreg s26  }
0xf: {  	s20 =	sadd.s32 $0x5280, s6;
	[dreg:$0x3] =	wrdreg s5  }
0x10: {  	[dreg:$0x4] =	wrdreg s20  }
0x11: {  	s5 =	simm.s32 $0x7;
	s25 =	rddreg [dreg:$0x3]  }
0x12: {  	[tilespmem:s3], [sflag:$0x7] =	stream.linear.gather [hbm4b:s25+s3], $0x5A0, $0x38;
	[tilespmem:$0xBA00] =	vst v63  }
0x13: {  	_ =	swait.ge [sflag:s5], $0x5A0  }
0x14: {  	[sflag:s5] =	ssyncset.done $0x0  }
0x15: {  	s7 =	simm.s32 $0x600;
	s6 =	simm.s32 $0x78;
	[sflag:s5] =	ssyncadd.s32 $0xFFFFFA60  }
0x16: {  	[tilespmem:s7], [sflag:$0x1] =	stream.indirect.gather [hbm4b:s2+s6], $0x80, s3, s6, $0xb8;
	[tilespmem:$0xBA00] =	vst v63  }
0x17: {  	s9 =	simm.s32 $0x1;
	s8 =	simm.s32 $0x4200  }
0x18: {  	[tilespmem:s8], [sflag:$0x2] =	stream.indirect.gather [hbm4b:s2+s6], $0x80, s6, s6, $0xb8;
	[tilespmem:$0xBA00] =	vst v63  }
0x19: {  	_ =	swait.ge [sflag:s9], $0x3C00  }
0x1a: {  	[sflag:s9] =	ssyncset.done $0x0  }
0x1b: {  	[sflag:s9] =	ssyncadd.s32 $0xFFFFC400  }
0x1c: {  	[hbm4b:s4+s3] =	stream.linear.scatter [tilespmem:s7], [sflag:$0x4], $0x3C00, $0x38;
	[tilespmem:$0xBA00] =	vst v63  }
0x1d: {  	s10 =	simm.s32 $0xF0;
	s11 =	simm.s32 $0x7E00;
	s12 =	simm.s32 $0x2  }
0x1e: {  	[tilespmem:s11], [sflag:$0x3] =	stream.indirect.gather [hbm4b:s2+s6], $0x80, s10, s6, $0xb8;
	[tilespmem:$0xBA00] =	vst v63  }
0x1f: {  	_ =	swait.ge [sflag:s12], $0x3C00  }
0x20: {  	[sflag:s12] =	ssyncset.done $0x0  }
0x21: {  	s13 =	simm.s32 $0x4;
	s14 =	rddreg [dreg:$0x5];
	[sflag:s12] =	ssyncadd.s32 $0xFFFFC400  }
0x22: {  	[hbm4b:s14+s3] =	stream.linear.scatter [tilespmem:s8], [sflag:$0x5], $0x3C00, $0x38;
	[tilespmem:$0xBA00] =	vst v63  }
0x23: {  	_ =	swait.ge [sflag:s13], $0x3C00  }
0x24: {  	[sflag:s13] =	ssyncset.done $0x0  }
0x25: {  	s15 =	simm.s32 $0x3;
	s14 =	simm.s32 $0x168;
	[sflag:s13] =	ssyncadd.s32 $0xFFFFC400  }
0x26: {  	[tilespmem:s7], [sflag:$0x1] =	stream.indirect.gather [hbm4b:s2+s6], $0x80, s14, s6, $0xb8;
	[tilespmem:$0xBA00] =	vst v63  }
0x27: {  	_ =	swait.ge [sflag:s15], $0x3C00  }
0x28: {  	[sflag:s15] =	ssyncset.done $0x0  }
0x29: {  	s16 =	simm.s32 $0x5;
	s17 =	rddreg [dreg:$0x6];
	[sflag:s15] =	ssyncadd.s32 $0xFFFFC400  }
0x2a: {  	[hbm4b:s17+s3] =	stream.linear.scatter [tilespmem:s11], [sflag:$0x6], $0x3C00, $0x38;
	[tilespmem:$0xBA00] =	vst v63  }
0x2b: {  	_ =	swait.ge [sflag:s16], $0x3C00  }
0x2c: {  	[sflag:s16] =	ssyncset.done $0x0  }
0x2d: {  	s17 =	simm.s32 $0x1E0;
	[sflag:s16] =	ssyncadd.s32 $0xFFFFC400  }
0x2e: {  	[tilespmem:s8], [sflag:$0x2] =	stream.indirect.gather [hbm4b:s2+s6], $0x80, s17, s6, $0xb8;
	[tilespmem:$0xBA00] =	vst v63  }
0x2f: {  	_ =	swait.ge [sflag:s9], $0x3C00  }
0x30: {  	[sflag:s9] =	ssyncset.done $0x0  }
0x31: {  	s18 =	simm.s32 $0x6;
	s19 =	rddreg [dreg:$0x7];
	[sflag:s9] =	ssyncadd.s32 $0xFFFFC400  }
0x32: {  	[hbm4b:s19+s3] =	stream.linear.scatter [tilespmem:s7], [sflag:$0x4], $0x3C00, $0x38;
	[tilespmem:$0xBA00] =	vst v63  }
0x33: {  	_ =	swait.ge [sflag:s18], $0x3C00  }
0x34: {  	[sflag:s18] =	ssyncset.done $0x0  }
0x35: {  	s19 =	simm.s32 $0x258;
	[sflag:s18] =	ssyncadd.s32 $0xFFFFC400  }
0x36: {  	[tilespmem:s11], [sflag:$0x3] =	stream.indirect.gather [hbm4b:s2+s6], $0x80, s19, s6, $0xb8;
	[tilespmem:$0xBA00] =	vst v63  }
0x37: {  	_ =	swait.ge [sflag:s12], $0x3C00  }
0x38: {  	[sflag:s12] =	ssyncset.done $0x0  }
0x39: {  	s20 =	rddreg [dreg:$0x8];
	[sflag:s12] =	ssyncadd.s32 $0xFFFFC400  }
0x3a: {  	[hbm4b:s20+s3] =	stream.linear.scatter [tilespmem:s8], [sflag:$0x5], $0x3C00, $0x38;
	[tilespmem:$0xBA00] =	vst v63  }
0x3b: {  	_ =	swait.ge [sflag:s13], $0x3C00  }
0x3c: {  	[sflag:s13] =	ssyncset.done $0x0  }
0x3d: {  	s20 =	simm.s32 $0x2D0;
	[sflag:s13] =	ssyncadd.s32 $0xFFFFC400  }
0x3e: {  	[tilespmem:s7], [sflag:$0x1] =	stream.indirect.gather [hbm4b:s2+s6], $0x80, s20, s6, $0xb8;
	[tilespmem:$0xBA00] =	vst v63  }
0x3f: {  	_ =	swait.ge [sflag:s15], $0x3C00  }
0x40: {  	[sflag:s15] =	ssyncset.done $0x0  }
0x41: {  	s21 =	rddreg [dreg:$0x9];
	[sflag:s15] =	ssyncadd.s32 $0xFFFFC400  }
0x42: {  	[hbm4b:s21+s3] =	stream.linear.scatter [tilespmem:s11], [sflag:$0x6], $0x3C00, $0x38;
	[tilespmem:$0xBA00] =	vst v63  }
0x43: {  	_ =	swait.ge [sflag:s16], $0x3C00  }
0x44: {  	[sflag:s16] =	ssyncset.done $0x0  }
0x45: {  	s21 =	simm.s32 $0x348;
	[sflag:s16] =	ssyncadd.s32 $0xFFFFC400  }
0x46: {  	[tilespmem:s8], [sflag:$0x2] =	stream.indirect.gather [hbm4b:s2+s6], $0x80, s21, s6, $0xb8;
	[tilespmem:$0xBA00] =	vst v63  }
0x47: {  	_ =	swait.ge [sflag:s9], $0x3C00  }
0x48: {  	[sflag:s9] =	ssyncset.done $0x0  }
0x49: {  	s22 =	sadd.s32 $0x2D00, s4;
	[sflag:s9] =	ssyncadd.s32 $0xFFFFC400  }
0x4a: {  	[hbm4b:s22+s3] =	stream.linear.scatter [tilespmem:s7], [sflag:$0x4], $0x3C00, $0x38;
	[tilespmem:$0xBA00] =	vst v63  }
0x4b: {  	_ =	swait.ge [sflag:s18], $0x3C00  }
0x4c: {  	[sflag:s18] =	ssyncset.done $0x0  }
0x4d: {  	s23 =	simm.s32 $0x3C0;
	[sflag:s18] =	ssyncadd.s32 $0xFFFFC400  }
0x4e: {  	[tilespmem:s11], [sflag:$0x3] =	stream.indirect.gather [hbm4b:s2+s6], $0x80, s23, s6, $0xb8;
	[tilespmem:$0xBA00] =	vst v63  }
0x4f: {  	_ =	swait.ge [sflag:s12], $0x3C00  }
0x50: {  	[sflag:s12] =	ssyncset.done $0x0  }
0x51: {  	s24 =	sadd.s32 $0x3480, s4;
	[sflag:s12] =	ssyncadd.s32 $0xFFFFC400  }
0x52: {  	[hbm4b:s24+s3] =	stream.linear.scatter [tilespmem:s8], [sflag:$0x5], $0x3C00, $0x38;
	[tilespmem:$0xBA00] =	vst v63  }
0x53: {  	_ =	swait.ge [sflag:s13], $0x3C00  }
0x54: {  	[sflag:s13] =	ssyncset.done $0x0  }
0x55: {  	s25 =	simm.s32 $0x438;
	[sflag:s13] =	ssyncadd.s32 $0xFFFFC400  }
0x56: {  	[tilespmem:s7], [sflag:$0x1] =	stream.indirect.gather [hbm4b:s2+s6], $0x80, s25, s6, $0xb8;
	[tilespmem:$0xBA00] =	vst v63  }
0x57: {  	_ =	swait.ge [sflag:s15], $0x3C00  }
0x58: {  	[sflag:s15] =	ssyncset.done $0x0  }
0x59: {  	s26 =	sadd.s32 $0x3C00, s4;
	[sflag:s15] =	ssyncadd.s32 $0xFFFFC400  }
0x5a: {  	[hbm4b:s26+s3] =	stream.linear.scatter [tilespmem:s11], [sflag:$0x6], $0x3C00, $0x38;
	[tilespmem:$0xBA00] =	vst v63  }
0x5b: {  	_ =	swait.ge [sflag:s16], $0x3C00  }
0x5c: {  	[sflag:s16] =	ssyncset.done $0x0  }
0x5d: {  	s28 =	simm.s32 $0x4B0;
	[sflag:s16] =	ssyncadd.s32 $0xFFFFC400  }
0x5e: {  	[tilespmem:s8], [sflag:$0x2] =	stream.indirect.gather [hbm4b:s2+s6], $0x80, s28, s6, $0xb8;
	[tilespmem:$0xBA00] =	vst v63  }
0x5f: {  	_ =	swait.ge [sflag:s9], $0x3C00  }
0x60: {  	[sflag:s9] =	ssyncset.done $0x0  }
0x61: {  	s29 =	sadd.s32 $0x4380, s4;
	[sflag:s9] =	ssyncadd.s32 $0xFFFFC400  }
0x62: {  	[hbm4b:s29+s3] =	stream.linear.scatter [tilespmem:s7], [sflag:$0x4], $0x3C00, $0x38;
	[tilespmem:$0xBA00] =	vst v63  }
0x63: {  	_ =	swait.ge [sflag:s18], $0x3C00  }
0x64: {  	[sflag:s18] =	ssyncset.done $0x0  }
0x65: {  	s30 =	simm.s32 $0x528;
	[sflag:s18] =	ssyncadd.s32 $0xFFFFC400  }
0x66: {  	[tilespmem:s11], [sflag:$0x3] =	stream.indirect.gather [hbm4b:s2+s6], $0x80, s30, s6, $0xb8;
	[tilespmem:$0xBA00] =	vst v63  }
0x67: {  	_ =	swait.ge [sflag:s12], $0x3C00  }
0x68: {  	[sflag:s12] =	ssyncset.done $0x0  }
0x69: {  	s31 =	sadd.s32 $0x4B00, s4;
	[sflag:s12] =	ssyncadd.s32 $0xFFFFC400  }
0x6a: {  	[hbm4b:s31+s3] =	stream.linear.scatter [tilespmem:s8], [sflag:$0x5], $0x3C00, $0x38;
	[tilespmem:$0xBA00] =	vst v63  }
0x6b: {  	_ =	swait.ge [sflag:s15], $0x3C00  }
0x6c: {  	[sflag:s15] =	ssyncset.done $0x0  }
0x6d: {  	s0 =	rddreg [dreg:$0x4];
	[sflag:s15] =	ssyncadd.s32 $0xFFFFC400  }
0x6e: {  	[hbm4b:s0+s3] =	stream.linear.scatter [tilespmem:s11], [sflag:$0x6], $0x3C00, $0x38;
	[tilespmem:$0xBA00] =	vst v63  }
0x6f: {  	s0 =	ssub.s32 $0x2, s1  }
0x70: {  	s1 =	sshrl.u32 s0, $0x1  }
0x71: {  	s0 =	ssub.s32 s0, s1  }
0x72: {  	_ =	swait.ge [sflag:s13], $0x3C00;
	s0 =	smax.u32 s0, $0x1  }
0x73: {  	[sflag:s13] =	ssyncset.done $0x0;
	p0 =	sne.s32 s0, $0x1  }
.Ltmp0:
0x74: {  	[sflag:s13] =	ssyncadd.s32 $0xFFFFC400;
	(pc) =	sbr.rel @!p0 .LBB2_2-.Ltmp0, $4  }
0x75: {  	_ =	swait.ge [sflag:s16], $0x3C00  }
0x76: {  	[sflag:s16] =	ssyncset.done $0x0  }
0x77: {  	[sflag:s16] =	ssyncadd.s32 $0xFFFFC400  }
0x78: {  	s1 =	sadd.s32 $0xFFFFFFFF, s0;
	_ =	swait.ge [sflag:s18], $0x3C00  }
.LBB2_1:
0x79: {  	[sflag:s18] =	ssyncset.done $0x0  }
0x7a: {  	s0 =	rddreg [dreg:$0x3];
	[sflag:s18] =	ssyncadd.s32 $0xFFFFC400  }
0x7b: {  	[tilespmem:s3], [sflag:$0x7] =	stream.linear.gather [hbm4b:s0+s3], $0x5A0, $0x38;
	[tilespmem:$0xBA00] =	vst v63  }
0x7c: {  	_ =	swait.ge [sflag:s5], $0x5A0  }
0x7d: {  	[sflag:s5] =	ssyncset.done $0x0  }
0x7e: {  	[sflag:s5] =	ssyncadd.s32 $0xFFFFFA60  }
0x7f: {  	[tilespmem:s7], [sflag:$0x1] =	stream.indirect.gather [hbm4b:s2+s6], $0x80, s3, s6, $0xb8;
	[tilespmem:$0xBA00] =	vst v63  }
0x80: {  	_ = 	snop  }
0x81: {  	[tilespmem:s8], [sflag:$0x2] =	stream.indirect.gather [hbm4b:s2+s6], $0x80, s6, s6, $0xb8;
	[tilespmem:$0xBA00] =	vst v63  }
0x82: {  	_ =	swait.ge [sflag:s9], $0x3C00  }
0x83: {  	[sflag:s9] =	ssyncset.done $0x0  }
0x84: {  	[sflag:s9] =	ssyncadd.s32 $0xFFFFC400  }
0x85: {  	[hbm4b:s4+s3] =	stream.linear.scatter [tilespmem:s7], [sflag:$0x4], $0x3C00, $0x38;
	[tilespmem:$0xBA00] =	vst v63  }
0x86: {  	_ = 	snop  }
0x87: {  	[tilespmem:s11], [sflag:$0x3] =	stream.indirect.gather [hbm4b:s2+s6], $0x80, s10, s6, $0xb8;
	[tilespmem:$0xBA00] =	vst v63  }
0x88: {  	_ =	swait.ge [sflag:s12], $0x3C00  }
0x89: {  	[sflag:s12] =	ssyncset.done $0x0  }
0x8a: {  	s0 =	rddreg [dreg:$0x5];
	[sflag:s12] =	ssyncadd.s32 $0xFFFFC400  }
0x8b: {  	[hbm4b:s0+s3] =	stream.linear.scatter [tilespmem:s8], [sflag:$0x5], $0x3C00, $0x38;
	[tilespmem:$0xBA00] =	vst v63  }
0x8c: {  	_ =	swait.ge [sflag:s13], $0x3C00  }
0x8d: {  	[sflag:s13] =	ssyncset.done $0x0  }
0x8e: {  	[sflag:s13] =	ssyncadd.s32 $0xFFFFC400  }
0x8f: {  	[tilespmem:s7], [sflag:$0x1] =	stream.indirect.gather [hbm4b:s2+s6], $0x80, s14, s6, $0xb8;
	[tilespmem:$0xBA00] =	vst v63  }
0x90: {  	_ =	swait.ge [sflag:s15], $0x3C00  }
0x91: {  	[sflag:s15] =	ssyncset.done $0x0  }
0x92: {  	s0 =	rddreg [dreg:$0x6];
	[sflag:s15] =	ssyncadd.s32 $0xFFFFC400  }
0x93: {  	[hbm4b:s0+s3] =	stream.linear.scatter [tilespmem:s11], [sflag:$0x6], $0x3C00, $0x38;
	[tilespmem:$0xBA00] =	vst v63  }
0x94: {  	_ =	swait.ge [sflag:s16], $0x3C00  }
0x95: {  	[sflag:s16] =	ssyncset.done $0x0  }
0x96: {  	[sflag:s16] =	ssyncadd.s32 $0xFFFFC400  }
0x97: {  	[tilespmem:s8], [sflag:$0x2] =	stream.indirect.gather [hbm4b:s2+s6], $0x80, s17, s6, $0xb8;
	[tilespmem:$0xBA00] =	vst v63  }
0x98: {  	_ =	swait.ge [sflag:s9], $0x3C00  }
0x99: {  	[sflag:s9] =	ssyncset.done $0x0  }
0x9a: {  	s0 =	rddreg [dreg:$0x7];
	[sflag:s9] =	ssyncadd.s32 $0xFFFFC400  }
0x9b: {  	[hbm4b:s0+s3] =	stream.linear.scatter [tilespmem:s7], [sflag:$0x4], $0x3C00, $0x38;
	[tilespmem:$0xBA00] =	vst v63  }
0x9c: {  	_ =	swait.ge [sflag:s18], $0x3C00  }
0x9d: {  	[sflag:s18] =	ssyncset.done $0x0  }
0x9e: {  	[sflag:s18] =	ssyncadd.s32 $0xFFFFC400  }
0x9f: {  	[tilespmem:s11], [sflag:$0x3] =	stream.indirect.gather [hbm4b:s2+s6], $0x80, s19, s6, $0xb8;
	[tilespmem:$0xBA00] =	vst v63  }
0xa0: {  	_ =	swait.ge [sflag:s12], $0x3C00  }
0xa1: {  	[sflag:s12] =	ssyncset.done $0x0  }
0xa2: {  	s0 =	rddreg [dreg:$0x8];
	[sflag:s12] =	ssyncadd.s32 $0xFFFFC400  }
0xa3: {  	[hbm4b:s0+s3] =	stream.linear.scatter [tilespmem:s8], [sflag:$0x5], $0x3C00, $0x38;
	[tilespmem:$0xBA00] =	vst v63  }
0xa4: {  	_ =	swait.ge [sflag:s13], $0x3C00  }
0xa5: {  	[sflag:s13] =	ssyncset.done $0x0  }
0xa6: {  	[sflag:s13] =	ssyncadd.s32 $0xFFFFC400  }
0xa7: {  	[tilespmem:s7], [sflag:$0x1] =	stream.indirect.gather [hbm4b:s2+s6], $0x80, s20, s6, $0xb8;
	[tilespmem:$0xBA00] =	vst v63  }
0xa8: {  	_ =	swait.ge [sflag:s15], $0x3C00  }
0xa9: {  	[sflag:s15] =	ssyncset.done $0x0  }
0xaa: {  	s0 =	rddreg [dreg:$0x9];
	[sflag:s15] =	ssyncadd.s32 $0xFFFFC400  }
0xab: {  	[hbm4b:s0+s3] =	stream.linear.scatter [tilespmem:s11], [sflag:$0x6], $0x3C00, $0x38;
	[tilespmem:$0xBA00] =	vst v63  }
0xac: {  	_ =	swait.ge [sflag:s16], $0x3C00  }
0xad: {  	[sflag:s16] =	ssyncset.done $0x0  }
0xae: {  	[sflag:s16] =	ssyncadd.s32 $0xFFFFC400  }
0xaf: {  	[tilespmem:s8], [sflag:$0x2] =	stream.indirect.gather [hbm4b:s2+s6], $0x80, s21, s6, $0xb8;
	[tilespmem:$0xBA00] =	vst v63  }
0xb0: {  	_ =	swait.ge [sflag:s9], $0x3C00  }
0xb1: {  	[sflag:s9] =	ssyncset.done $0x0  }
0xb2: {  	[sflag:s9] =	ssyncadd.s32 $0xFFFFC400  }
0xb3: {  	[hbm4b:s22+s3] =	stream.linear.scatter [tilespmem:s7], [sflag:$0x4], $0x3C00, $0x38;
	[tilespmem:$0xBA00] =	vst v63  }
0xb4: {  	_ =	swait.ge [sflag:s18], $0x3C00  }
0xb5: {  	[sflag:s18] =	ssyncset.done $0x0  }
0xb6: {  	[sflag:s18] =	ssyncadd.s32 $0xFFFFC400  }
0xb7: {  	[tilespmem:s11], [sflag:$0x3] =	stream.indirect.gather [hbm4b:s2+s6], $0x80, s23, s6, $0xb8;
	[tilespmem:$0xBA00] =	vst v63  }
0xb8: {  	_ =	swait.ge [sflag:s12], $0x3C00  }
0xb9: {  	[sflag:s12] =	ssyncset.done $0x0  }
0xba: {  	[sflag:s12] =	ssyncadd.s32 $0xFFFFC400  }
0xbb: {  	[hbm4b:s24+s3] =	stream.linear.scatter [tilespmem:s8], [sflag:$0x5], $0x3C00, $0x38;
	[tilespmem:$0xBA00] =	vst v63  }
0xbc: {  	_ =	swait.ge [sflag:s13], $0x3C00  }
0xbd: {  	[sflag:s13] =	ssyncset.done $0x0  }
0xbe: {  	[sflag:s13] =	ssyncadd.s32 $0xFFFFC400  }
0xbf: {  	[tilespmem:s7], [sflag:$0x1] =	stream.indirect.gather [hbm4b:s2+s6], $0x80, s25, s6, $0xb8;
	[tilespmem:$0xBA00] =	vst v63  }
0xc0: {  	_ =	swait.ge [sflag:s15], $0x3C00  }
0xc1: {  	[sflag:s15] =	ssyncset.done $0x0  }
0xc2: {  	[sflag:s15] =	ssyncadd.s32 $0xFFFFC400  }
0xc3: {  	[hbm4b:s26+s3] =	stream.linear.scatter [tilespmem:s11], [sflag:$0x6], $0x3C00, $0x38;
	[tilespmem:$0xBA00] =	vst v63  }
0xc4: {  	_ =	swait.ge [sflag:s16], $0x3C00  }
0xc5: {  	[sflag:s16] =	ssyncset.done $0x0  }
0xc6: {  	[sflag:s16] =	ssyncadd.s32 $0xFFFFC400  }
0xc7: {  	[tilespmem:s8], [sflag:$0x2] =	stream.indirect.gather [hbm4b:s2+s6], $0x80, s28, s6, $0xb8;
	[tilespmem:$0xBA00] =	vst v63  }
0xc8: {  	_ =	swait.ge [sflag:s9], $0x3C00  }
0xc9: {  	[sflag:s9] =	ssyncset.done $0x0  }
0xca: {  	[sflag:s9] =	ssyncadd.s32 $0xFFFFC400  }
0xcb: {  	[hbm4b:s29+s3] =	stream.linear.scatter [tilespmem:s7], [sflag:$0x4], $0x3C00, $0x38;
	[tilespmem:$0xBA00] =	vst v63  }
0xcc: {  	_ =	swait.ge [sflag:s18], $0x3C00  }
0xcd: {  	[sflag:s18] =	ssyncset.done $0x0  }
0xce: {  	[sflag:s18] =	ssyncadd.s32 $0xFFFFC400  }
0xcf: {  	[tilespmem:s11], [sflag:$0x3] =	stream.indirect.gather [hbm4b:s2+s6], $0x80, s30, s6, $0xb8;
	[tilespmem:$0xBA00] =	vst v63  }
0xd0: {  	_ =	swait.ge [sflag:s12], $0x3C00  }
0xd1: {  	[sflag:s12] =	ssyncset.done $0x0  }
0xd2: {  	[sflag:s12] =	ssyncadd.s32 $0xFFFFC400  }
0xd3: {  	[hbm4b:s31+s3] =	stream.linear.scatter [tilespmem:s8], [sflag:$0x5], $0x3C00, $0x38;
	[tilespmem:$0xBA00] =	vst v63  }
0xd4: {  	_ =	swait.ge [sflag:s15], $0x3C00  }
0xd5: {  	[sflag:s15] =	ssyncset.done $0x0  }
0xd6: {  	s0 =	rddreg [dreg:$0x4];
	[sflag:s15] =	ssyncadd.s32 $0xFFFFC400  }
0xd7: {  	[hbm4b:s0+s3] =	stream.linear.scatter [tilespmem:s11], [sflag:$0x6], $0x3C00, $0x38;
	[tilespmem:$0xBA00] =	vst v63  }
0xd8: {  	_ =	swait.ge [sflag:s13], $0x3C00  }
0xd9: {  	p0 =	sne.s32 s1, $0x1;
	[sflag:s13] =	ssyncset.done $0x0  }
.Ltmp1:
0xda: {  	[sflag:s13] =	ssyncadd.s32 $0xFFFFC400;
	(pc) =	sbr.rel @p0 .LBB2_1-.Ltmp1, $4  }
0xdb: {  	_ =	swait.ge [sflag:s16], $0x3C00  }
0xdc: {  	[sflag:s16] =	ssyncset.done $0x0  }
0xdd: {  	[sflag:s16] =	ssyncadd.s32 $0xFFFFC400  }
0xde: {  	s1 =	sadd.s32 $0xFFFFFFFF, s1;
	_ =	swait.ge [sflag:s18], $0x3C00  }
.LBB2_2:
0xdf: {  	[sflag:s18] =	ssyncset.done $0x0  }
0xe0: {  	[sflag:s18] =	ssyncadd.s32 $0xFFFFC400  }
0xe1: {  	_ =	sfence.sel $0x180000  }
0xe2: {  	[bflag:$0x0] =	sbarrier.arrive $0xFFFF  }
0xe3: {  	_ =	strace $0x9000004D  }
0xe4: {  	s0 =	stileid.u32;
	[bflag:$0x2] =	sbarrier.arrive $0xFFFF  }
0xe5: {  	p0 =	sne.s32 s0, $0x0;
	s0 =	rddreg [dreg:$0x2]  }
0xe6: {  	s0 =	sadd.s32 @!p0 $0x100000, s0  }
0xe7: {  	[sflag:s0] =	ssyncadd.tile.s32 @!p0 $0x1;
	_ =	shalt  }
.Lfunc_end2:
_tile_overlayer_lowered:
.L_overlay_start_2:
0xe8: {  	(tag) =	ssettag $0x2  }
0xe9: {  	s0 =	rddreg [dreg:$0x0];
	s2 =	stileid.u32  }
0xea: {  	s1 =	rddreg [dreg:$0x1];
	p0 =	sne.s32 s2, $0x0  }
0xeb: {  	s3 =	rddreg [dreg:$0x2];
	[bflag:$0x3] =	sbarrier.arrive $0xFFFF;
	s2 =	simm.s32 @!p0 $0x1C07  }
0xec: {  	[timem:s3], [sflag:s2] =	dma.local @!p0 [hbm:s0], s1  }
0xed: {  	s0 =	simm.s32 @!p0 $0x7  }
0xee: {  	_ =	swait.ge @!p0 [sflag:s0], s1  }
0xef: {  	s1 =	ssub.s32 @!p0 $0x0, s1;
	[sflag:s0] =	ssyncset.done @!p0 $0x0  }
0xf0: {  	[sflag:s0] =	ssyncadd.s32 @!p0 s1  }
0xf1: {  	[bflag:$0x3] =	sbarrier.arrive $0xFFFF  }
0xf2: {  	_ =	shalt  }

// kernel: kernel.19.cloned.1.call-start
scs
__scs_entry_jumppad:
0x0: {  	(pc) =	sbr.rel $0x88, $3  }
0x1: {  	(tag) =	ssettag $0x0;
	lr =	simm.s32 $0x1  }
0x2: {  	[smem:$0x3F9B] =	sst lr;
	_ =	strace $0xD0000000  }
0x3: {  	_ = 	snop  }
0x4: {  	_ = 	snop  }
0x5: {  	_ = 	snop  }
0x6: {  	_ = 	snop  }
0x7: {  	_ = 	snop  }
__scs_overlays_trampoline_lowered:
0x8: {  	[smem:$0x3FAA] =	sst s0  }
0x9: {  	[smem:$0x3FAB] =	sst s1  }
0xa: {  	[smem:$0x3FAC] =	sst s2  }
0xb: {  	[smem:$0x3FAD] =	sst s3  }
0xc: {  	[smem:$0x3FAE] =	sst s4  }
0xd: {  	[smem:$0x3FAF] =	sst s5  }
0xe: {  	[smem:$0x3FB0] =	sst s6  }
0xf: {  	[smem:$0x3FB1] =	sst s7  }
0x10: {  	[smem:$0x3FB2] =	sst s8  }
0x11: {  	[smem:$0x3FB3] =	sst s9;
	s0 =	simm.s32 @!p0 $0x0  }
0x12: {  	s1 =	sld [smem:$0x3F99];
	s0 =	simm.s32 @p0 $0x1  }
0x13: {  	[smem:$0x3FB4] =	sst s0;
	s0 =	simm.s32 @!p1 $0x0  }
0x14: {  	s2 =	sld [smem:$0x3F98];
	s0 =	simm.s32 @p1 $0x1  }
0x15: {  	[smem:$0x3FB5] =	sst s0;
	s0 =	simm.s32 @!p2 $0x0  }
0x16: {  	s3 =	sld [smem:$0x3FDB];
	s0 =	simm.s32 @p2 $0x1  }
0x17: {  	s4 =	simm.s32 $0x1BF5;
	[smem:$0x3FB7] =	sst s0  }
0x18: {  	s0 =	sld [smem:$0x3F9A];
	_ =	swait.ge [sflag:s4], $0x0  }
0x19: {  	s7 =	sld [smem:$0x3F9B]  }
0x1a: {  	s8 =	sadd.s32 $0xFFFFE003, lr  }
0x1b: {  	s9 =	sadd.s32 $0xFFFFFEF7, lr;
	s5 =	simm.s32 $0xFFFFFFFF;
	p2 =	slt.u32 s8, $0xFFFFF086  }
0x1c: {  	p1 =	slt.u32 s9, $0xF7A;
	s5 =	simm.s32 @!p2 $0x0  }
0x1d: {  	s5 =	simm.s32 @p1 $0x1;
	p0 =	seq.s32 s7, s2  }
0x1e: {  	s7 =	smul.u32 @!p0 $0xF7A, s2;
	p2 =	seq.s32 @!p0 s5, $0x0  }
0x1f: {  	s9 =	smul.u32 $0xF7A, s1;
	s8 =	simm.s32 @!p0 $0x1BF5;
	p2 =	por !p2, p0  }
0x20: {  	[sflag:s8] =	ssyncset.s32 @!p0 $0xFFFFF086;
	s6 =	sadd.s32 @!p0 s3, s7;
	s7 =	simm.s32 @!p0 $0x108  }
0x21: {  	s3 =	sadd.s32 s3, s9;
	s6 =	sadd.s32 @!p0 $0x88, s6;
	s7 =	simm.s32 @p2 $0x1082  }
0x22: {  	[simem:s7], [sflag:s8] =	dma.local @!p0 [hbm:s6], $0xF7A  }
0x23: {  	s9 =	sor.u32 $0xD0000000, s2;
	s6 =	simm.s32 $0x108;
	_ =	swait.ge @!p0 [sflag:s8], $0x0  }
0x24: {  	s3 =	sadd.s32 $0x88, s3;
	s6 =	simm.s32 @!p1 $0x1082;
	[sflag:s4] =	ssyncset.s32 $0xFFFFF086  }
0x25: {  	[simem:s6], [sflag:s4] =	dma.local [hbm:s3], $0xF7A  }
0x26: {  	[smem:$0x3F9B] =	sst s1;
	(tag) =	ssettag s2;
	_ =	strace s9  }
0x27: {  	s1 =	sld [smem:$0x3FAB]  }
0x28: {  	s2 =	sld [smem:$0x3FAC]  }
0x29: {  	s4 =	sld [smem:$0x3FAE]  }
0x2a: {  	p0 =	seq.s32 s5, $0x0;
	s5 =	sld [smem:$0x3FAF]  }
0x2b: {  	s6 =	sld [smem:$0x3FB0]  }
0x2c: {  	s7 =	sld [smem:$0x3FB1]  }
0x2d: {  	s3 =	simm.s32 $0x108;
	s8 =	sld [smem:$0x3FB2]  }
0x2e: {  	s3 =	simm.s32 @!p0 $0x1082;
	s9 =	sld [smem:$0x3FB3]  }
0x2f: {  	lr =	sadd.s32 s0, s3;
	s0 =	sld [smem:$0x3FAA]  }
0x30: {  	s3 =	sld [smem:$0x3FAD]  }
0x31: {  	[smem:$0x3FB6] =	sst s10  }
0x32: {  	s10 =	sld [smem:$0x3FB4];
	_ =	sdelay $0x3  }
0x33: {  	p0 =	seq.s32 s10, $0x1;
	s10 =	sld [smem:$0x3FB6];
	_ =	sdelay $0x3  }
0x34: {  	[smem:$0x3FB6] =	sst s10  }
0x35: {  	s10 =	sld [smem:$0x3FB5];
	_ =	sdelay $0x3  }
0x36: {  	p1 =	seq.s32 s10, $0x1;
	s10 =	sld [smem:$0x3FB6];
	_ =	sdelay $0x3  }
0x37: {  	[smem:$0x3FB6] =	sst s10  }
0x38: {  	s10 =	sld [smem:$0x3FB7]  }
0x39: {  	_ = 	snop;
	(pc) =	sbr.ind lr, $3  }
0x3a: {  	_ = 	snop  }
0x3b: {  	_ = 	snop  }
0x3c: {  	p2 =	seq.s32 s10, $0x1;
	s10 =	sld [smem:$0x3FB6]  }
0x3d: {  	_ =	shalt  }
0x3e: {  	_ =	shalt  }
0x3f: {  	_ =	shalt  }
0x40: {  	_ =	shalt  }
0x41: {  	_ =	shalt  }
0x42: {  	_ =	shalt  }
0x43: {  	_ =	shalt  }
0x44: {  	_ =	shalt  }
0x45: {  	_ =	shalt  }
0x46: {  	_ =	shalt  }
0x47: {  	_ =	shalt  }
0x48: {  	_ =	shalt  }
0x49: {  	_ =	shalt  }
0x4a: {  	_ =	shalt  }
0x4b: {  	_ =	shalt  }
0x4c: {  	_ =	shalt  }
0x4d: {  	_ =	shalt  }
0x4e: {  	_ =	shalt  }
0x4f: {  	_ =	shalt  }
0x50: {  	_ =	shalt  }
0x51: {  	_ =	shalt  }
0x52: {  	_ =	shalt  }
0x53: {  	_ =	shalt  }
0x54: {  	_ =	shalt  }
0x55: {  	_ =	shalt  }
0x56: {  	_ =	shalt  }
0x57: {  	_ =	shalt  }
0x58: {  	_ =	shalt  }
0x59: {  	_ =	shalt  }
0x5a: {  	_ =	shalt  }
0x5b: {  	_ =	shalt  }
0x5c: {  	_ =	shalt  }
0x5d: {  	_ =	shalt  }
0x5e: {  	_ =	shalt  }
0x5f: {  	_ =	shalt  }
0x60: {  	_ =	shalt  }
0x61: {  	_ =	shalt  }
0x62: {  	_ =	shalt  }
0x63: {  	_ =	shalt  }
0x64: {  	_ =	shalt  }
0x65: {  	_ =	shalt  }
0x66: {  	_ =	shalt  }
0x67: {  	_ =	shalt  }
0x68: {  	_ =	shalt  }
0x69: {  	_ =	shalt  }
0x6a: {  	_ =	shalt  }
0x6b: {  	_ =	shalt  }
0x6c: {  	_ =	shalt  }
0x6d: {  	_ =	shalt  }
0x6e: {  	_ =	shalt  }
0x6f: {  	_ =	shalt  }
0x70: {  	_ =	shalt  }
0x71: {  	_ =	shalt  }
0x72: {  	_ =	shalt  }
0x73: {  	_ =	shalt  }
0x74: {  	_ =	shalt  }
0x75: {  	_ =	shalt  }
0x76: {  	_ =	shalt  }
0x77: {  	_ =	shalt  }
0x78: {  	_ =	shalt  }
0x79: {  	_ =	shalt  }
0x7a: {  	_ =	shalt  }
0x7b: {  	_ =	shalt  }
0x7c: {  	_ =	shalt  }
0x7d: {  	_ =	shalt  }
0x7e: {  	_ =	shalt  }
0x7f: {  	_ =	shalt  }
0x80: {  	_ =	shalt  }
0x81: {  	_ =	shalt  }
0x82: {  	_ =	shalt  }
0x83: {  	_ =	shalt  }
0x84: {  	_ =	shalt  }
0x85: {  	_ =	shalt  }
0x86: {  	_ =	shalt  }
0x87: {  	_ =	shalt  }
.Lfunc_end0:
.L_simem_size_0:
called_computation.3_lowered:
.L_overlay_start_0:
0x88: {  	s2 =	sld [smem:$0x3FD9]  }
0x89: {  	s3 =	sld [smem:$0x3FFE];
	_ =	sdelay $0x1  }
0x8a: {  	s1 =	srdreg.scid  }
0x8b: {  	s0 =	sand.u32 $0x1, s1  }
0x8c: {  	s17 =	sshll.u32 s0, $0xA;
	s2 =	sadd.s32 s3, s2  }
0x8d: {  	s2 =	sadd.s32 s2, s17  }
0x8e: {  	[smem:$0x3FC2] =	sst s2  }
0x8f: {  	_ = 	snop  }
0x90: {  	s4 =	sld [smem:$0x3FC8]  }
0x91: {  	s18 =	sld [smem:$0x3FD0];
	(tm) =	ssettm $0x1  }
0x92: {  	s19 =	sld [smem:$0x3FFB];
	_ =	sdelay $0x3  }
0x93: {  	_ =	strace s19  }
0x94: {  	s2 =	sld [smem:$0x3FFC];
	_ =	sdelay $0x3  }
0x95: {  	_ =	strace s2  }
0x96: {  	s2 =	sld [smem:$0x3FFD];
	_ =	sdelay $0x3  }
0x97: {  	_ =	strace s2  }
0x98: {  	_ =	strace $0x8FFFFFFF  }
0x99: {  	s20 =	sld [smem:$0x3FDB];
	_ =	sdelay $0x1  }
0x9a: {  	s5 =	simm.s32 $_scs_section_size  }
0x9b: {  	s6 =	simm.s32 $_size__tile_overlayer_lowered;
	s7 =	simm.s32 $_tile_overlayer_lowered  }
0x9c: {  	s8 =	simm.s32 $0x1BFF;
	s21 =	sshll.u32 s7, $0x1;
	s5 =	sadd.s32 s5, s20  }
0x9d: {  	s22 =	simm.s32 $0x0;
	s6 =	sshll.u32 s6, $0x1;
	s7 =	sadd.s32 s21, s5  }
0x9e: {  	[timem:s22], [sflag:s8] =	dma.local [hbm:s7], s6  }
0x9f: {  	_ =	swait.ge [sflag:s8], s6  }
0xa0: {  	s6 =	ssub.s32 $0x0, s6;
	[sflag:s8] =	ssyncset.done $0x0  }
0xa1: {  	[sflag:s8] =	ssyncadd.s32 s6;
	_ =	sdelay $0x1  }
0xa2: {  	s23 =	simm.s32 $0x1B8B  }
0xa3: {  	_ =	swait.ge [sflag:s23], $0x1  }
0xa4: {  	[sflag:s23] =	ssyncset.done $0x0  }
0xa5: {  	[sflag:s23] =	ssyncadd.s32 $0xFFFFFFFF  }
0xa6: {  	s6 =	sld [smem:$0x0]  }
0xa7: {  	s7 =	sand.u32 $0xFFFFFFFE, s1  }
0xa8: {  	p0 =	sne.s32 s1, s7  }
0xa9: {  	s7 =	sshll.u32 @p0 s7, $0xE  }
0xaa: {  	s7 =	sadd.s32 @p0 $0x11B8D, s7;
	s8 =	sshll.u32 @p0 s6, $0x11  }
0xab: {  	s7 =	sor.u32 @p0 s8, s7  }
0xac: {  	[sflag:s7] =	ssyncadd.remote.s32 @p0 $0x1;
	_ =	sdelay $0x1  }
0xad: {  	s7 =	simm.s32 @p0 $0x1B8D  }
0xae: {  	_ =	swait.eq @p0 [sflag:s7], $0x1  }
0xaf: {  	[sflag:s7] =	ssyncadd.s32 @p0 $0xFFFFFFFF  }
0xb0: {  	s8 =	sshll.u32 @!p0 s1, $0xE  }
0xb1: {  	s8 =	sor.u32 @!p0 $0x4000, s8;
	s7 =	simm.s32 @!p0 $0x1B8D  }
0xb2: {  	s6 =	sshll.u32 @!p0 s6, $0x11;
	s8 =	sadd.s32 @!p0 $0x11B8D, s8;
	_ =	swait.eq @!p0 [sflag:s7], $0x1  }
0xb3: {  	s6 =	sor.u32 @!p0 s6, s8;
	[sflag:s7] =	ssyncadd.s32 @!p0 $0xFFFFFFFF  }
0xb4: {  	s25 =	simm.s32 $0x1B8E;
	s24 =	sld [smem:$0x3FFE];
	[sflag:s6] =	ssyncadd.remote.s32 @!p0 $0x1  }
0xb5: {  	s26 =	simm.s32 $execute0_lowered;
	[smem:$0x3FD2] =	sst s25  }
0xb6: {  	s7 =	sshll.u32 s26, $0x1;
	_ =	strace $0x8000004F;
	[dreg:$0x1] =	wrdreg $0xFFFFFFFF  }
0xb7: {  	s28 =	simm.s32 $_size_execute0_lowered;
	s5 =	sadd.s32 s5, s7;
	[dreg:$0x0] =	wrdreg $0x0  }
0xb8: {  	s7 =	sshll.u32 s28, $0x1;
	[dreg:$0x2] =	wrdreg s5  }
0xb9: {  	[dreg:$0x3] =	wrdreg s7  }
0xba: {  	[dreg:$0x4] =	wrdreg $0xC0  }
0xbb: {  	_ =	task [dreg:s22], $0x5FFFF  }
0xbc: {  	[dreg:$0x1] =	wrdreg $0xFFFFFFFF  }
0xbd: {  	[dreg:$0x0] =	wrdreg $0x60  }
0xbe: {  	[dreg:$0x2] =	wrdreg s4  }
0xbf: {  	[dreg:$0x3] =	wrdreg s24  }
0xc0: {  	[dreg:$0x4] =	wrdreg s18  }
0xc1: {  	[dreg:$0x5] =	wrdreg $0xC  }
0xc2: {  	_ =	task.clear_ibuf [dreg:s22], $0x6FFFF;
	_ =	strace $0x9000004F  }
0xc3: {  	s29 =	simm.s32 $0xC;
	_ =	strace $0x80000051  }
0xc4: {  	_ =	swait.ge [sflag:s29], $0x1  }
0xc5: {  	[sflag:s29] =	ssyncadd.s32 $0xFFFFFFFF  }
0xc6: {  	_ =	strace $0x90000051  }
0xc7: {  	_ =	sfence  }
0xc8: {  	s30 =	sld [smem:$0x0];
	_ =	sdelay $0x2  }
0xc9: {  	s31 =	sshll.u32 s1, $0xD;
	s1 =	sshrl.u32 s1, $0x2  }
0xca: {  	s4 =	sand.u32 $0x4000, s31;
	s1 =	sadd.s32 s1, s30  }
0xcb: {  	s0 =	sor.u32 s4, s0;
	s1 =	sshll.u32 s1, $0x11  }
0xcc: {  	s0 =	sor.u32 s1, s0  }
0xcd: {  	s0 =	sadd.s32 $0x8F2B, s0  }
0xce: {  	[sflag:s0] =	ssyncadd.remote.s32 $0x1  }
0xcf: {  	_ =	sfence.sel $0xFFFF  }
0xd0: {  	[dreg:$0x0] =	wrdreg $0xFFFFFFFF;
	(pc) =	sbr.abs _section_cstart, $3  }
0xd1: {  	[dreg:$0x1] =	wrdreg $0xFFFFFFFF  }
0xd2: {  	_ =	task.clear_ibuf [dreg:s22], $0x2FFFF;
	_ =	strace $0x9FFFFFFF  }
0xd3: {  	(tm) =	ssettm $0x7FFFFFFF  }
tec
execute0_lowered:
.L_overlay_start_1:
0x0: {  	(tag) =	ssettag $0x1  }
0x1: {  	s1 =	srdreg.scid;
	s0 =	stileid.u32  }
0x2: {  	s1 =	sand.u32 $0x1, s1;
	s3 =	sshll.u32 s0, $0x1  }
0x3: {  	s5 =	sor.u32 s1, s3  }
0x4: {  	s2 =	rddreg [dreg:$0x0];
	s7 =	smul.u32 $0x5A0, s5  }
0x5: {  	s4 =	rddreg [dreg:$0x1];
	s8 =	smul.u32 $0x2D000, s5  }
0x6: {  	s6 =	rddreg [dreg:$0x2];
	s3 =	simm.s32 $0x0;
	s7 =	sshrl.u32 s7, $0x3  }
0x7: {  	[smem:$0x7FF] =	sst s3;
	s21 =	sshrl.u32 s8, $0x3;
	s4 =	sadd.s32 s4, s7  }
0x8: {  	s5 =	smul.u32 $0x5A00, s5;
	s7 =	sadd.s32 s6, s21;
	s4 =	sadd.s32 $0xBF80, s4  }
0x9: {  	_ =	strace $0x80000050;
	s7 =	sadd.s32 $0x5280, s7;
	[dreg:$0x4] =	wrdreg s4  }
0xa: {  	s4 =	sadd.s32 s6, s5;
	[dreg:$0x5] =	wrdreg s7  }
0xb: {  	s5 =	sadd.s32 $0x780, s4;
	s25 =	rddreg [dreg:$0x4]  }
0xc: {  	s22 =	sadd.s32 $0xF00, s4;
	[dreg:$0x6] =	wrdreg s5  }
0xd: {  	s23 =	sadd.s32 $0x1680, s4;
	[dreg:$0x7] =	wrdreg s22  }
0xe: {  	s24 =	sadd.s32 $0x1E00, s4;
	[dreg:$0x8] =	wrdreg s23  }
0xf: {  	s26 =	sadd.s32 $0x2580, s4;
	[dreg:$0x9] =	wrdreg s24  }
0x10: {  	[dreg:$0xa] =	wrdreg s26;
	s5 =	simm.s32 $0x7  }
0x11: {  	[tilespmem:s3], [sflag:$0x7] =	stream.linear.gather [hbm4b:s25+s3], $0x5A0, $0x38;
	[tilespmem:$0xBA00] =	vst v63  }
0x12: {  	_ =	swait.ge [sflag:s5], $0x5A0  }
0x13: {  	[sflag:s5] =	ssyncset.done $0x0  }
0x14: {  	s6 =	simm.s32 $0x78;
	s7 =	simm.s32 $0x600;
	[sflag:s5] =	ssyncadd.s32 $0xFFFFFA60  }
0x15: {  	[tilespmem:s7], [sflag:$0x1] =	stream.indirect.gather [hbm4b:s2+s6], $0x80, s3, s6, $0xb8;
	[tilespmem:$0xBA00] =	vst v63  }
0x16: {  	s9 =	simm.s32 $0x1;
	s8 =	simm.s32 $0x4200  }
0x17: {  	[tilespmem:s8], [sflag:$0x2] =	stream.indirect.gather [hbm4b:s2+s6], $0x80, s6, s6, $0xb8;
	[tilespmem:$0xBA00] =	vst v63  }
0x18: {  	_ =	swait.ge [sflag:s9], $0x3C00  }
0x19: {  	[sflag:s9] =	ssyncset.done $0x0  }
0x1a: {  	[sflag:s9] =	ssyncadd.s32 $0xFFFFC400  }
0x1b: {  	[hbm4b:s4+s3] =	stream.linear.scatter [tilespmem:s7], [sflag:$0x4], $0x3C00, $0x38;
	[tilespmem:$0xBA00] =	vst v63  }
0x1c: {  	s10 =	simm.s32 $0xF0;
	s11 =	simm.s32 $0x7E00;
	s12 =	simm.s32 $0x2  }
0x1d: {  	[tilespmem:s11], [sflag:$0x3] =	stream.indirect.gather [hbm4b:s2+s6], $0x80, s10, s6, $0xb8;
	[tilespmem:$0xBA00] =	vst v63  }
0x1e: {  	_ =	swait.ge [sflag:s12], $0x3C00  }
0x1f: {  	[sflag:s12] =	ssyncset.done $0x0  }
0x20: {  	s13 =	simm.s32 $0x4;
	s14 =	rddreg [dreg:$0x6];
	[sflag:s12] =	ssyncadd.s32 $0xFFFFC400  }
0x21: {  	[hbm4b:s14+s3] =	stream.linear.scatter [tilespmem:s8], [sflag:$0x5], $0x3C00, $0x38;
	[tilespmem:$0xBA00] =	vst v63  }
0x22: {  	_ =	swait.ge [sflag:s13], $0x3C00  }
0x23: {  	[sflag:s13] =	ssyncset.done $0x0  }
0x24: {  	s15 =	simm.s32 $0x3;
	s14 =	simm.s32 $0x168;
	[sflag:s13] =	ssyncadd.s32 $0xFFFFC400  }
0x25: {  	[tilespmem:s7], [sflag:$0x1] =	stream.indirect.gather [hbm4b:s2+s6], $0x80, s14, s6, $0xb8;
	[tilespmem:$0xBA00] =	vst v63  }
0x26: {  	_ =	swait.ge [sflag:s15], $0x3C00  }
0x27: {  	[sflag:s15] =	ssyncset.done $0x0  }
0x28: {  	s16 =	simm.s32 $0x5;
	s17 =	rddreg [dreg:$0x7];
	[sflag:s15] =	ssyncadd.s32 $0xFFFFC400  }
0x29: {  	[hbm4b:s17+s3] =	stream.linear.scatter [tilespmem:s11], [sflag:$0x6], $0x3C00, $0x38;
	[tilespmem:$0xBA00] =	vst v63  }
0x2a: {  	_ =	swait.ge [sflag:s16], $0x3C00  }
0x2b: {  	[sflag:s16] =	ssyncset.done $0x0  }
0x2c: {  	s17 =	simm.s32 $0x1E0;
	[sflag:s16] =	ssyncadd.s32 $0xFFFFC400  }
0x2d: {  	[tilespmem:s8], [sflag:$0x2] =	stream.indirect.gather [hbm4b:s2+s6], $0x80, s17, s6, $0xb8;
	[tilespmem:$0xBA00] =	vst v63  }
0x2e: {  	_ =	swait.ge [sflag:s9], $0x3C00  }
0x2f: {  	[sflag:s9] =	ssyncset.done $0x0  }
0x30: {  	s18 =	simm.s32 $0x6;
	s19 =	rddreg [dreg:$0x8];
	[sflag:s9] =	ssyncadd.s32 $0xFFFFC400  }
0x31: {  	[hbm4b:s19+s3] =	stream.linear.scatter [tilespmem:s7], [sflag:$0x4], $0x3C00, $0x38;
	[tilespmem:$0xBA00] =	vst v63  }
0x32: {  	_ =	swait.ge [sflag:s18], $0x3C00  }
0x33: {  	[sflag:s18] =	ssyncset.done $0x0  }
0x34: {  	s19 =	simm.s32 $0x258;
	[sflag:s18] =	ssyncadd.s32 $0xFFFFC400  }
0x35: {  	[tilespmem:s11], [sflag:$0x3] =	stream.indirect.gather [hbm4b:s2+s6], $0x80, s19, s6, $0xb8;
	[tilespmem:$0xBA00] =	vst v63  }
0x36: {  	_ =	swait.ge [sflag:s12], $0x3C00  }
0x37: {  	[sflag:s12] =	ssyncset.done $0x0  }
0x38: {  	s20 =	rddreg [dreg:$0x9];
	[sflag:s12] =	ssyncadd.s32 $0xFFFFC400  }
0x39: {  	[hbm4b:s20+s3] =	stream.linear.scatter [tilespmem:s8], [sflag:$0x5], $0x3C00, $0x38;
	[tilespmem:$0xBA00] =	vst v63  }
0x3a: {  	_ =	swait.ge [sflag:s13], $0x3C00  }
0x3b: {  	[sflag:s13] =	ssyncset.done $0x0  }
0x3c: {  	s20 =	simm.s32 $0x2D0;
	[sflag:s13] =	ssyncadd.s32 $0xFFFFC400  }
0x3d: {  	[tilespmem:s7], [sflag:$0x1] =	stream.indirect.gather [hbm4b:s2+s6], $0x80, s20, s6, $0xb8;
	[tilespmem:$0xBA00] =	vst v63  }
0x3e: {  	_ =	swait.ge [sflag:s15], $0x3C00  }
0x3f: {  	[sflag:s15] =	ssyncset.done $0x0  }
0x40: {  	s21 =	rddreg [dreg:$0xa];
	[sflag:s15] =	ssyncadd.s32 $0xFFFFC400  }
0x41: {  	[hbm4b:s21+s3] =	stream.linear.scatter [tilespmem:s11], [sflag:$0x6], $0x3C00, $0x38;
	[tilespmem:$0xBA00] =	vst v63  }
0x42: {  	_ =	swait.ge [sflag:s16], $0x3C00  }
0x43: {  	[sflag:s16] =	ssyncset.done $0x0  }
0x44: {  	s21 =	simm.s32 $0x348;
	[sflag:s16] =	ssyncadd.s32 $0xFFFFC400  }
0x45: {  	[tilespmem:s8], [sflag:$0x2] =	stream.indirect.gather [hbm4b:s2+s6], $0x80, s21, s6, $0xb8;
	[tilespmem:$0xBA00] =	vst v63  }
0x46: {  	_ =	swait.ge [sflag:s9], $0x3C00  }
0x47: {  	[sflag:s9] =	ssyncset.done $0x0  }
0x48: {  	s22 =	sadd.s32 $0x2D00, s4;
	[sflag:s9] =	ssyncadd.s32 $0xFFFFC400  }
0x49: {  	[hbm4b:s22+s3] =	stream.linear.scatter [tilespmem:s7], [sflag:$0x4], $0x3C00, $0x38;
	[tilespmem:$0xBA00] =	vst v63  }
0x4a: {  	_ =	swait.ge [sflag:s18], $0x3C00  }
0x4b: {  	[sflag:s18] =	ssyncset.done $0x0  }
0x4c: {  	s23 =	simm.s32 $0x3C0;
	[sflag:s18] =	ssyncadd.s32 $0xFFFFC400  }
0x4d: {  	[tilespmem:s11], [sflag:$0x3] =	stream.indirect.gather [hbm4b:s2+s6], $0x80, s23, s6, $0xb8;
	[tilespmem:$0xBA00] =	vst v63  }
0x4e: {  	_ =	swait.ge [sflag:s12], $0x3C00  }
0x4f: {  	[sflag:s12] =	ssyncset.done $0x0  }
0x50: {  	s24 =	sadd.s32 $0x3480, s4;
	[sflag:s12] =	ssyncadd.s32 $0xFFFFC400  }
0x51: {  	[hbm4b:s24+s3] =	stream.linear.scatter [tilespmem:s8], [sflag:$0x5], $0x3C00, $0x38;
	[tilespmem:$0xBA00] =	vst v63  }
0x52: {  	_ =	swait.ge [sflag:s13], $0x3C00  }
0x53: {  	[sflag:s13] =	ssyncset.done $0x0  }
0x54: {  	s25 =	simm.s32 $0x438;
	[sflag:s13] =	ssyncadd.s32 $0xFFFFC400  }
0x55: {  	[tilespmem:s7], [sflag:$0x1] =	stream.indirect.gather [hbm4b:s2+s6], $0x80, s25, s6, $0xb8;
	[tilespmem:$0xBA00] =	vst v63  }
0x56: {  	_ =	swait.ge [sflag:s15], $0x3C00  }
0x57: {  	[sflag:s15] =	ssyncset.done $0x0  }
0x58: {  	s26 =	sadd.s32 $0x3C00, s4;
	[sflag:s15] =	ssyncadd.s32 $0xFFFFC400  }
0x59: {  	[hbm4b:s26+s3] =	stream.linear.scatter [tilespmem:s11], [sflag:$0x6], $0x3C00, $0x38;
	[tilespmem:$0xBA00] =	vst v63  }
0x5a: {  	_ =	swait.ge [sflag:s16], $0x3C00  }
0x5b: {  	[sflag:s16] =	ssyncset.done $0x0  }
0x5c: {  	s28 =	simm.s32 $0x4B0;
	[sflag:s16] =	ssyncadd.s32 $0xFFFFC400  }
0x5d: {  	[tilespmem:s8], [sflag:$0x2] =	stream.indirect.gather [hbm4b:s2+s6], $0x80, s28, s6, $0xb8;
	[tilespmem:$0xBA00] =	vst v63  }
0x5e: {  	_ =	swait.ge [sflag:s9], $0x3C00  }
0x5f: {  	[sflag:s9] =	ssyncset.done $0x0  }
0x60: {  	s29 =	sadd.s32 $0x4380, s4;
	[sflag:s9] =	ssyncadd.s32 $0xFFFFC400  }
0x61: {  	[hbm4b:s29+s3] =	stream.linear.scatter [tilespmem:s7], [sflag:$0x4], $0x3C00, $0x38;
	[tilespmem:$0xBA00] =	vst v63  }
0x62: {  	_ =	swait.ge [sflag:s18], $0x3C00  }
0x63: {  	[sflag:s18] =	ssyncset.done $0x0  }
0x64: {  	s30 =	simm.s32 $0x528;
	[sflag:s18] =	ssyncadd.s32 $0xFFFFC400  }
0x65: {  	[tilespmem:s11], [sflag:$0x3] =	stream.indirect.gather [hbm4b:s2+s6], $0x80, s30, s6, $0xb8;
	[tilespmem:$0xBA00] =	vst v63  }
0x66: {  	_ =	swait.ge [sflag:s12], $0x3C00  }
0x67: {  	[sflag:s12] =	ssyncset.done $0x0  }
0x68: {  	s31 =	sadd.s32 $0x4B00, s4;
	[sflag:s12] =	ssyncadd.s32 $0xFFFFC400  }
0x69: {  	[hbm4b:s31+s3] =	stream.linear.scatter [tilespmem:s8], [sflag:$0x5], $0x3C00, $0x38;
	[tilespmem:$0xBA00] =	vst v63  }
0x6a: {  	_ =	swait.ge [sflag:s15], $0x3C00  }
0x6b: {  	[sflag:s15] =	ssyncset.done $0x0  }
0x6c: {  	s0 =	rddreg [dreg:$0x5];
	[sflag:s15] =	ssyncadd.s32 $0xFFFFC400  }
0x6d: {  	[hbm4b:s0+s3] =	stream.linear.scatter [tilespmem:s11], [sflag:$0x6], $0x3C00, $0x38;
	[tilespmem:$0xBA00] =	vst v63  }
0x6e: {  	s0 =	ssub.s32 $0x2, s1  }
0x6f: {  	s1 =	sshrl.u32 s0, $0x1  }
0x70: {  	s0 =	ssub.s32 s0, s1  }
0x71: {  	_ =	swait.ge [sflag:s13], $0x3C00;
	s0 =	smax.u32 s0, $0x1  }
0x72: {  	[sflag:s13] =	ssyncset.done $0x0;
	p0 =	sne.s32 s0, $0x1  }
.Ltmp0:
0x73: {  	[sflag:s13] =	ssyncadd.s32 $0xFFFFC400;
	(pc) =	sbr.rel @!p0 .LBB2_2-.Ltmp0, $4  }
0x74: {  	_ =	swait.ge [sflag:s16], $0x3C00  }
0x75: {  	[sflag:s16] =	ssyncset.done $0x0  }
0x76: {  	[sflag:s16] =	ssyncadd.s32 $0xFFFFC400  }
0x77: {  	s1 =	sadd.s32 $0xFFFFFFFF, s0;
	_ =	swait.ge [sflag:s18], $0x3C00  }
.LBB2_1:
0x78: {  	[sflag:s18] =	ssyncset.done $0x0  }
0x79: {  	s0 =	rddreg [dreg:$0x4];
	[sflag:s18] =	ssyncadd.s32 $0xFFFFC400  }
0x7a: {  	[tilespmem:s3], [sflag:$0x7] =	stream.linear.gather [hbm4b:s0+s3], $0x5A0, $0x38;
	[tilespmem:$0xBA00] =	vst v63  }
0x7b: {  	_ =	swait.ge [sflag:s5], $0x5A0  }
0x7c: {  	[sflag:s5] =	ssyncset.done $0x0  }
0x7d: {  	[sflag:s5] =	ssyncadd.s32 $0xFFFFFA60  }
0x7e: {  	[tilespmem:s7], [sflag:$0x1] =	stream.indirect.gather [hbm4b:s2+s6], $0x80, s3, s6, $0xb8;
	[tilespmem:$0xBA00] =	vst v63  }
0x7f: {  	_ = 	snop  }
0x80: {  	[tilespmem:s8], [sflag:$0x2] =	stream.indirect.gather [hbm4b:s2+s6], $0x80, s6, s6, $0xb8;
	[tilespmem:$0xBA00] =	vst v63  }
0x81: {  	_ =	swait.ge [sflag:s9], $0x3C00  }
0x82: {  	[sflag:s9] =	ssyncset.done $0x0  }
0x83: {  	[sflag:s9] =	ssyncadd.s32 $0xFFFFC400  }
0x84: {  	[hbm4b:s4+s3] =	stream.linear.scatter [tilespmem:s7], [sflag:$0x4], $0x3C00, $0x38;
	[tilespmem:$0xBA00] =	vst v63  }
0x85: {  	_ = 	snop  }
0x86: {  	[tilespmem:s11], [sflag:$0x3] =	stream.indirect.gather [hbm4b:s2+s6], $0x80, s10, s6, $0xb8;
	[tilespmem:$0xBA00] =	vst v63  }
0x87: {  	_ =	swait.ge [sflag:s12], $0x3C00  }
0x88: {  	[sflag:s12] =	ssyncset.done $0x0  }
0x89: {  	s0 =	rddreg [dreg:$0x6];
	[sflag:s12] =	ssyncadd.s32 $0xFFFFC400  }
0x8a: {  	[hbm4b:s0+s3] =	stream.linear.scatter [tilespmem:s8], [sflag:$0x5], $0x3C00, $0x38;
	[tilespmem:$0xBA00] =	vst v63  }
0x8b: {  	_ =	swait.ge [sflag:s13], $0x3C00  }
0x8c: {  	[sflag:s13] =	ssyncset.done $0x0  }
0x8d: {  	[sflag:s13] =	ssyncadd.s32 $0xFFFFC400  }
0x8e: {  	[tilespmem:s7], [sflag:$0x1] =	stream.indirect.gather [hbm4b:s2+s6], $0x80, s14, s6, $0xb8;
	[tilespmem:$0xBA00] =	vst v63  }
0x8f: {  	_ =	swait.ge [sflag:s15], $0x3C00  }
0x90: {  	[sflag:s15] =	ssyncset.done $0x0  }
0x91: {  	s0 =	rddreg [dreg:$0x7];
	[sflag:s15] =	ssyncadd.s32 $0xFFFFC400  }
0x92: {  	[hbm4b:s0+s3] =	stream.linear.scatter [tilespmem:s11], [sflag:$0x6], $0x3C00, $0x38;
	[tilespmem:$0xBA00] =	vst v63  }
0x93: {  	_ =	swait.ge [sflag:s16], $0x3C00  }
0x94: {  	[sflag:s16] =	ssyncset.done $0x0  }
0x95: {  	[sflag:s16] =	ssyncadd.s32 $0xFFFFC400  }
0x96: {  	[tilespmem:s8], [sflag:$0x2] =	stream.indirect.gather [hbm4b:s2+s6], $0x80, s17, s6, $0xb8;
	[tilespmem:$0xBA00] =	vst v63  }
0x97: {  	_ =	swait.ge [sflag:s9], $0x3C00  }
0x98: {  	[sflag:s9] =	ssyncset.done $0x0  }
0x99: {  	s0 =	rddreg [dreg:$0x8];
	[sflag:s9] =	ssyncadd.s32 $0xFFFFC400  }
0x9a: {  	[hbm4b:s0+s3] =	stream.linear.scatter [tilespmem:s7], [sflag:$0x4], $0x3C00, $0x38;
	[tilespmem:$0xBA00] =	vst v63  }
0x9b: {  	_ =	swait.ge [sflag:s18], $0x3C00  }
0x9c: {  	[sflag:s18] =	ssyncset.done $0x0  }
0x9d: {  	[sflag:s18] =	ssyncadd.s32 $0xFFFFC400  }
0x9e: {  	[tilespmem:s11], [sflag:$0x3] =	stream.indirect.gather [hbm4b:s2+s6], $0x80, s19, s6, $0xb8;
	[tilespmem:$0xBA00] =	vst v63  }
0x9f: {  	_ =	swait.ge [sflag:s12], $0x3C00  }
0xa0: {  	[sflag:s12] =	ssyncset.done $0x0  }
0xa1: {  	s0 =	rddreg [dreg:$0x9];
	[sflag:s12] =	ssyncadd.s32 $0xFFFFC400  }
0xa2: {  	[hbm4b:s0+s3] =	stream.linear.scatter [tilespmem:s8], [sflag:$0x5], $0x3C00, $0x38;
	[tilespmem:$0xBA00] =	vst v63  }
0xa3: {  	_ =	swait.ge [sflag:s13], $0x3C00  }
0xa4: {  	[sflag:s13] =	ssyncset.done $0x0  }
0xa5: {  	[sflag:s13] =	ssyncadd.s32 $0xFFFFC400  }
0xa6: {  	[tilespmem:s7], [sflag:$0x1] =	stream.indirect.gather [hbm4b:s2+s6], $0x80, s20, s6, $0xb8;
	[tilespmem:$0xBA00] =	vst v63  }
0xa7: {  	_ =	swait.ge [sflag:s15], $0x3C00  }
0xa8: {  	[sflag:s15] =	ssyncset.done $0x0  }
0xa9: {  	s0 =	rddreg [dreg:$0xa];
	[sflag:s15] =	ssyncadd.s32 $0xFFFFC400  }
0xaa: {  	[hbm4b:s0+s3] =	stream.linear.scatter [tilespmem:s11], [sflag:$0x6], $0x3C00, $0x38;
	[tilespmem:$0xBA00] =	vst v63  }
0xab: {  	_ =	swait.ge [sflag:s16], $0x3C00  }
0xac: {  	[sflag:s16] =	ssyncset.done $0x0  }
0xad: {  	[sflag:s16] =	ssyncadd.s32 $0xFFFFC400  }
0xae: {  	[tilespmem:s8], [sflag:$0x2] =	stream.indirect.gather [hbm4b:s2+s6], $0x80, s21, s6, $0xb8;
	[tilespmem:$0xBA00] =	vst v63  }
0xaf: {  	_ =	swait.ge [sflag:s9], $0x3C00  }
0xb0: {  	[sflag:s9] =	ssyncset.done $0x0  }
0xb1: {  	[sflag:s9] =	ssyncadd.s32 $0xFFFFC400  }
0xb2: {  	[hbm4b:s22+s3] =	stream.linear.scatter [tilespmem:s7], [sflag:$0x4], $0x3C00, $0x38;
	[tilespmem:$0xBA00] =	vst v63  }
0xb3: {  	_ =	swait.ge [sflag:s18], $0x3C00  }
0xb4: {  	[sflag:s18] =	ssyncset.done $0x0  }
0xb5: {  	[sflag:s18] =	ssyncadd.s32 $0xFFFFC400  }
0xb6: {  	[tilespmem:s11], [sflag:$0x3] =	stream.indirect.gather [hbm4b:s2+s6], $0x80, s23, s6, $0xb8;
	[tilespmem:$0xBA00] =	vst v63  }
0xb7: {  	_ =	swait.ge [sflag:s12], $0x3C00  }
0xb8: {  	[sflag:s12] =	ssyncset.done $0x0  }
0xb9: {  	[sflag:s12] =	ssyncadd.s32 $0xFFFFC400  }
0xba: {  	[hbm4b:s24+s3] =	stream.linear.scatter [tilespmem:s8], [sflag:$0x5], $0x3C00, $0x38;
	[tilespmem:$0xBA00] =	vst v63  }
0xbb: {  	_ =	swait.ge [sflag:s13], $0x3C00  }
0xbc: {  	[sflag:s13] =	ssyncset.done $0x0  }
0xbd: {  	[sflag:s13] =	ssyncadd.s32 $0xFFFFC400  }
0xbe: {  	[tilespmem:s7], [sflag:$0x1] =	stream.indirect.gather [hbm4b:s2+s6], $0x80, s25, s6, $0xb8;
	[tilespmem:$0xBA00] =	vst v63  }
0xbf: {  	_ =	swait.ge [sflag:s15], $0x3C00  }
0xc0: {  	[sflag:s15] =	ssyncset.done $0x0  }
0xc1: {  	[sflag:s15] =	ssyncadd.s32 $0xFFFFC400  }
0xc2: {  	[hbm4b:s26+s3] =	stream.linear.scatter [tilespmem:s11], [sflag:$0x6], $0x3C00, $0x38;
	[tilespmem:$0xBA00] =	vst v63  }
0xc3: {  	_ =	swait.ge [sflag:s16], $0x3C00  }
0xc4: {  	[sflag:s16] =	ssyncset.done $0x0  }
0xc5: {  	[sflag:s16] =	ssyncadd.s32 $0xFFFFC400  }
0xc6: {  	[tilespmem:s8], [sflag:$0x2] =	stream.indirect.gather [hbm4b:s2+s6], $0x80, s28, s6, $0xb8;
	[tilespmem:$0xBA00] =	vst v63  }
0xc7: {  	_ =	swait.ge [sflag:s9], $0x3C00  }
0xc8: {  	[sflag:s9] =	ssyncset.done $0x0  }
0xc9: {  	[sflag:s9] =	ssyncadd.s32 $0xFFFFC400  }
0xca: {  	[hbm4b:s29+s3] =	stream.linear.scatter [tilespmem:s7], [sflag:$0x4], $0x3C00, $0x38;
	[tilespmem:$0xBA00] =	vst v63  }
0xcb: {  	_ =	swait.ge [sflag:s18], $0x3C00  }
0xcc: {  	[sflag:s18] =	ssyncset.done $0x0  }
0xcd: {  	[sflag:s18] =	ssyncadd.s32 $0xFFFFC400  }
0xce: {  	[tilespmem:s11], [sflag:$0x3] =	stream.indirect.gather [hbm4b:s2+s6], $0x80, s30, s6, $0xb8;
	[tilespmem:$0xBA00] =	vst v63  }
0xcf: {  	_ =	swait.ge [sflag:s12], $0x3C00  }
0xd0: {  	[sflag:s12] =	ssyncset.done $0x0  }
0xd1: {  	[sflag:s12] =	ssyncadd.s32 $0xFFFFC400  }
0xd2: {  	[hbm4b:s31+s3] =	stream.linear.scatter [tilespmem:s8], [sflag:$0x5], $0x3C00, $0x38;
	[tilespmem:$0xBA00] =	vst v63  }
0xd3: {  	_ =	swait.ge [sflag:s15], $0x3C00  }
0xd4: {  	[sflag:s15] =	ssyncset.done $0x0  }
0xd5: {  	s0 =	rddreg [dreg:$0x5];
	[sflag:s15] =	ssyncadd.s32 $0xFFFFC400  }
0xd6: {  	[hbm4b:s0+s3] =	stream.linear.scatter [tilespmem:s11], [sflag:$0x6], $0x3C00, $0x38;
	[tilespmem:$0xBA00] =	vst v63  }
0xd7: {  	_ =	swait.ge [sflag:s13], $0x3C00  }
0xd8: {  	p0 =	sne.s32 s1, $0x1;
	[sflag:s13] =	ssyncset.done $0x0  }
.Ltmp1:
0xd9: {  	[sflag:s13] =	ssyncadd.s32 $0xFFFFC400;
	(pc) =	sbr.rel @p0 .LBB2_1-.Ltmp1, $4  }
0xda: {  	_ =	swait.ge [sflag:s16], $0x3C00  }
0xdb: {  	[sflag:s16] =	ssyncset.done $0x0  }
0xdc: {  	[sflag:s16] =	ssyncadd.s32 $0xFFFFC400  }
0xdd: {  	s1 =	sadd.s32 $0xFFFFFFFF, s1;
	_ =	swait.ge [sflag:s18], $0x3C00  }
.LBB2_2:
0xde: {  	[sflag:s18] =	ssyncset.done $0x0  }
0xdf: {  	[sflag:s18] =	ssyncadd.s32 $0xFFFFC400  }
0xe0: {  	_ =	sfence.sel $0x180000  }
0xe1: {  	[bflag:$0x0] =	sbarrier.arrive $0xFFFF  }
0xe2: {  	_ =	strace $0x90000050  }
0xe3: {  	s0 =	stileid.u32;
	[bflag:$0x2] =	sbarrier.arrive $0xFFFF  }
0xe4: {  	p0 =	sne.s32 s0, $0x0;
	s0 =	rddreg [dreg:$0x3]  }
0xe5: {  	s0 =	sadd.s32 @!p0 $0x100000, s0  }
0xe6: {  	[sflag:s0] =	ssyncadd.tile.s32 @!p0 $0x1;
	_ =	shalt  }
.Lfunc_end2:
_tile_overlayer_lowered:
.L_overlay_start_2:
0xe7: {  	(tag) =	ssettag $0x2  }
0xe8: {  	s0 =	rddreg [dreg:$0x0];
	s2 =	stileid.u32  }
0xe9: {  	s1 =	rddreg [dreg:$0x1];
	p0 =	sne.s32 s2, $0x0  }
0xea: {  	s3 =	rddreg [dreg:$0x2];
	[bflag:$0x3] =	sbarrier.arrive $0xFFFF;
	s2 =	simm.s32 @!p0 $0x1C07  }
0xeb: {  	[timem:s3], [sflag:s2] =	dma.local @!p0 [hbm:s0], s1  }
0xec: {  	s0 =	simm.s32 @!p0 $0x7  }
0xed: {  	_ =	swait.ge @!p0 [sflag:s0], s1  }
0xee: {  	s1 =	ssub.s32 @!p0 $0x0, s1;
	[sflag:s0] =	ssyncset.done @!p0 $0x0  }
0xef: {  	[sflag:s0] =	ssyncadd.s32 @!p0 s1  }
0xf0: {  	[bflag:$0x3] =	sbarrier.arrive $0xFFFF  }
0xf1: {  	_ =	shalt  }

</sc_bundles>
